<compile_context>
chip_gen: v7x
topology: tpu7x:2x2x1
jax: 0.10.2.dev20260603
libtpu: 0.0.44.dev20260713+nightly
codegen_flags: <defaults>
</compile_context>

<pallas_src>
import functools

import jax
import jax.numpy as jnp
from jax import lax
from jax.experimental import pallas as pl
from jax.experimental.pallas import tpu as pltpu
from jax.experimental.pallas import tpu_sc as plsc

B = 4096
V = 100000
D = 64
L = 50
NEG = 10
NF = 20
FS = (3, 4, 5)
NCOL = sum(FS) * NF

BB = 128
HB = BB // 2
NB = B // BB
CH = 128
NW = 32


def _logsig(x):
    return jnp.minimum(x, 0.0) - jnp.log(1.0 + jnp.exp(-jnp.abs(x)))



def _tc_body(ein_ref, ectx_ref, eneg_ref, x_ref, othe_ref, otho_ref,
             w5_ref, b120_ref, msk_ref, h_ref, *rest):
    fcw_refs = rest[0:12:2]
    fcb_refs = rest[1:12:2]
    lo4_ref, loss_ref = rest[12], rest[13]
    b = pl.program_id(0)
    hmat = h_ref[...]

    ein = ein_ref[...]
    ectx = ectx_ref[...]
    prod = jnp.dot(ein * ectx, hmat,
                   preferred_element_type=jnp.float32)
    pos = _logsig(prod)

    eneg = eneg_ref[...]
    m = (eneg * ein[None, :, :]).reshape(NEG * HB, 128)
    nd = -jnp.dot(m, hmat, preferred_element_type=jnp.float32)
    noise = jnp.sum(_logsig(nd).reshape(NEG, HB, 2), axis=0)

    part = jnp.sum(pos + noise)

    @pl.when(b == 0)
    def _():
        loss_ref[...] = jnp.zeros((1, 1), jnp.float32)

    loss_ref[...] = loss_ref[...] + part

    @pl.when(b == NB - 1)
    def _():
        loss_ref[...] = loss_ref[...] * (-1.0 / B)

    x = x_ref[...]
    x2 = x.reshape(L * HB, 128)
    LO = L - FS[0] + 1
    y5 = None
    for k in range(FS[-1]):
        yk = jnp.dot(x2, w5_ref[k],
                     preferred_element_type=jnp.float32)
        yk = yk.reshape(L, HB, 2 * 3 * NF)
        if k + LO <= L:
            sh = yk[k:k + LO]
        else:
            sh = jnp.concatenate(
                [yk[k:L],
                 jnp.zeros((k + LO - L, HB, 2 * 3 * NF), jnp.float32)],
                axis=0)
        y5 = sh if y5 is None else y5 + sh

    y5 = jnp.maximum(y5 + b120_ref[...][None, :, :], 0.0)
    y5 = y5 * msk_ref[...][:, None, :]
    pool = jnp.max(y5, axis=0)

    xfe = jnp.concatenate([pool[:, 0:3 * NF], othe_ref[...]], axis=1)
    xfo = jnp.concatenate([pool[:, 3 * NF:6 * NF], otho_ref[...]],
                          axis=1)

    h = jnp.concatenate([xfe, xfo], axis=0)
    for wr, br in zip(fcw_refs, fcb_refs):
        h = jnp.dot(h.astype(jnp.bfloat16),
                    wr[...].astype(jnp.bfloat16),
                    preferred_element_type=jnp.float32) + br[...]

    lo4_ref[...] = jnp.concatenate([h[0:HB], h[HB:BB]], axis=1)


def _tc_specs():
    in_specs = [
        pl.BlockSpec((HB, 128), lambda b: (b, 0)),
        pl.BlockSpec((HB, 128), lambda b: (b, 0)),
        pl.BlockSpec((NEG, HB, 128), lambda b: (0, b, 0)),
        pl.BlockSpec((L, HB, 128), lambda b: (0, b, 0)),
        pl.BlockSpec((HB, 9), lambda b: (b, 0)),
        pl.BlockSpec((HB, 9), lambda b: (b, 0)),
        pl.BlockSpec((5, 128, 6 * NF), lambda b: (0, 0, 0)),
        pl.BlockSpec((1, 6 * NF), lambda b: (0, 0)),
        pl.BlockSpec((L - FS[0] + 1, 6 * NF), lambda b: (0, 0)),
        pl.BlockSpec((128, 2), lambda b: (0, 0)),
    ]
    for din, dout in ((69, 64), (64, 32), (32, 64), (64, 8), (8, 6),
                      (6, 2)):
        in_specs.append(pl.BlockSpec((din, dout), lambda b: (0, 0)))
        in_specs.append(pl.BlockSpec((1, dout), lambda b: (0, 0)))
    out_specs = [
        pl.BlockSpec((HB, 4), lambda b: (b, 0)),
        pl.BlockSpec((1, 1), lambda b: (0, 0)),
    ]
    out_shape = [
        jax.ShapeDtypeStruct((B // 2, 4), jnp.float32),
        jax.ShapeDtypeStruct((1, 1), jnp.float32),
    ]
    return (NB,), in_specs, out_specs, out_shape


def _dense(ein_pk, ectx_pk, eneg_pk, x_pk, othe, otho, w5, b120, msk,
           hmat, fc_list):
    grid, in_specs, out_specs, out_shape = _tc_specs()
    return pl.pallas_call(
        _tc_body, grid=grid, in_specs=in_specs, out_specs=out_specs,
        out_shape=out_shape,
    )(ein_pk, ectx_pk, eneg_pk, x_pk, othe, otho, w5, b120, msk, hmat,
      *fc_list)



def _sc_gather_build(ncol):
    bpw = B // NW
    mesh = plsc.VectorSubcoreMesh(core_axis_name="c", subcore_axis_name="s")

    G = 5
    NS = ncol // G

    @functools.partial(
        pl.kernel,
        mesh=mesh,
        compiler_params=pltpu.CompilerParams(use_tc_tiling_on_sc=False,
                                             needs_layout_passes=False),
        out_type=[
            jax.ShapeDtypeStruct((B, D), jnp.float32),
            jax.ShapeDtypeStruct((ncol, B, D), jnp.float32),
        ],
        scratch_types=[
            pltpu.VMEM((bpw * ncol,), jnp.int32),
            pltpu.VMEM((bpw,), jnp.int32),
            pltpu.VMEM((ncol * bpw,), jnp.int32),
            pltpu.VMEM((G, CH, D), jnp.float32),
            pltpu.VMEM((G, CH, D), jnp.float32),
            pltpu.VMEM((CH, D), jnp.float32),
            pltpu.SemaphoreType.DMA,
            pltpu.SemaphoreType.DMA,
            pltpu.SemaphoreType.DMA,
        ],
    )
    def sc(emb_h, word_h, tab_h, word_o, rows_o,
           tab_v, iw_v, ix_v, buf0, buf1, bufA, sem0, sem1, semA):
        w = lax.axis_index("s") * 2 + lax.axis_index("c")
        b0 = w * bpw

        pltpu.sync_copy(word_h.at[pl.ds(b0, bpw)], iw_v)
        pltpu.sync_copy(tab_h.at[pl.ds(b0 * ncol, bpw * ncol)], tab_v)

        cpA = pltpu.make_async_copy(emb_h.at[iw_v], bufA, semA)
        cpA.start()

        lane = lax.broadcasted_iota(jnp.int32, (16,), 0)

        def col(p, carry):
            for j in range(bpw // 16):
                idx = (lane + j * 16) * ncol + p
                vals = plsc.load_gather(tab_v, [idx])
                ix_v[pl.ds(p * bpw + j * 16, 16)] = vals
            return carry
        lax.fori_loop(0, ncol, col, 0)

        bufs = (buf0, buf1)
        sems = (sem0, sem1)

        def mk(slot, S, j):
            return pltpu.make_async_copy(
                emb_h.at[ix_v.at[pl.ds((S * G + j) * CH, CH)]],
                bufs[slot].at[j], sems[slot])

        def gstart(slot, S):
            for j in range(G):
                mk(slot, S, j).start()

        gstart(0, 0)
        gstart(1, 1)

        def body(i, carry):
            for s in (0, 1):
                S = i * 2 + s
                for j in range(G):
                    mk(s, S, j).wait()
                pltpu.sync_copy(
                    bufs[s],
                    rows_o.at[pl.ds(S * G, G), pl.ds(b0, CH)])

                @pl.when(S + 2 < NS)
                def _():
                    gstart(s, S + 2)
            return carry

        lax.fori_loop(0, NS // 2, body, 0)

        cpA.wait()
        pltpu.sync_copy(bufA, word_o.at[pl.ds(b0, bpw)])

    return sc



def kernel(input_word, context_word, input_ids, other_features, emb_in,
           emb_ctx, neg_idx, conv_w0, conv_b0, conv_w1, conv_b1, conv_w2,
           conv_b2, fc_w0, fc_b0, fc_w1, fc_b1, fc_w2, fc_b2, fc_w3,
           fc_b3, fc_w4, fc_b4, fc_w5, fc_b5):
    iw = input_word.astype(jnp.int32)
    cw = context_word.astype(jnp.int32)
    ids = input_ids.reshape(-1).astype(jnp.int32)
    neg = neg_idx.reshape(-1).astype(jnp.int32)

    ein_g, x_g = _sc_gather_build(L)(emb_in, iw, ids)
    ectx_g, eneg_g = _sc_gather_build(NEG)(emb_ctx, cw, neg)
    ein_pk = ein_g.reshape(B // 2, 128)
    ectx_pk = ectx_g.reshape(B // 2, 128)
    x3 = x_g.reshape(L, B // 2, 128)
    eneg3 = eneg_g.reshape(NEG, B // 2, 128)

    zc = jnp.zeros((D, NF), jnp.float32)
    zs = jnp.zeros((D, 3 * NF), jnp.float32)
    w5_list = []
    for k in range(FS[-1]):
        ek = jnp.concatenate(
            [conv_w0[:, :, k].T if k < FS[0] else zc,
             conv_w1[:, :, k].T if k < FS[1] else zc,
             conv_w2[:, :, k].T if k < FS[2] else zc], axis=1)
        w5_list.append(jnp.concatenate(
            [jnp.concatenate([ek, zs], axis=1),
             jnp.concatenate([zs, ek], axis=1)], axis=0))
    w5 = jnp.stack(w5_list, axis=0)

    b120 = jnp.concatenate([conv_b0, conv_b1, conv_b2,
                            conv_b0, conv_b1, conv_b2]).reshape(1, 6 * NF)
    LO = L - FS[0] + 1
    colt = jnp.tile(jnp.repeat(jnp.arange(3), NF), 2)
    louts = jnp.array([L - f + 1 for f in FS], jnp.int32)
    msk = (jnp.arange(LO)[:, None] < louts[colt][None, :]
           ).astype(jnp.float32)

    fc_list = [fc_w0, fc_b0.reshape(1, -1), fc_w1, fc_b1.reshape(1, -1),
               fc_w2, fc_b2.reshape(1, -1), fc_w3, fc_b3.reshape(1, -1),
               fc_w4, fc_b4.reshape(1, -1), fc_w5, fc_b5.reshape(1, -1)]

    hmat = (jnp.arange(128)[:, None] // 64
            == jnp.arange(2)[None, :]).astype(jnp.float32)

    othe = other_features[0::2]
    otho = other_features[1::2]

    lo4, loss_arr = _dense(ein_pk, ectx_pk, eneg3, x3, othe, otho,
                           w5, b120, msk, hmat, fc_list)
    logits = lo4.reshape(B, 2)
    return (loss_arr[0, 0], logits)

# --- scband reference (transcript-rebuilt; emitter-appended) ---
"""Pipeline reference for scband-word2-vec-neg-sampling-14980845928830 (READ-ONLY COPY).

The authoritative reference and input builder live on the scoring server;
editing this copy changes nothing except your own understanding.
"""

import jax, jax.numpy as jnp
import numpy as np

B = 4096
V = 100000
D = 64
L = 50
NEG = 10
FS = [3, 4, 5]
NF = 20
FC_DIMS = [(69, 64), (64, 32), (32, 64), (64, 8), (8, 6), (6, 2)]


def setup_inputs(seed: int = 0) -> dict:
    key = jax.random.key(seed)
    ks = jax.random.split(key, 24)
    inp = {}
    inp['input_word'] = jax.random.randint(ks[0], (B,), 0, V)
    inp['context_word'] = jax.random.randint(ks[1], (B,), 0, V)
    inp['input_ids'] = jax.random.randint(ks[2], (B, L), 0, V)
    inp['other_features'] = jax.random.normal(ks[3], (B, 9), dtype=jnp.float32)
    inp['emb_in'] = jax.random.uniform(ks[4], (V, D), minval=-1.0, maxval=1.0, dtype=jnp.float32)
    inp['emb_ctx'] = jax.random.uniform(ks[5], (V, D), minval=-1.0, maxval=1.0, dtype=jnp.float32)
    # negative samples: torch.multinomial over uniform noise_dist == uniform sampling over vocab;
    # precomputed here for determinism
    inp['neg_idx'] = jax.random.randint(ks[6], (B, NEG), 0, V)
    for i, fs in enumerate(FS):
        inp['conv_w%d' % i] = 0.05 * jax.random.normal(ks[7 + i], (NF, D, fs), dtype=jnp.float32)
        inp['conv_b%d' % i] = jnp.zeros((NF,), dtype=jnp.float32)
    for i, (din, dout) in enumerate(FC_DIMS):
        inp['fc_w%d' % i] = 0.05 * jax.random.normal(ks[10 + i], (din, dout), dtype=jnp.float32)
        inp['fc_b%d' % i] = jnp.zeros((dout,), dtype=jnp.float32)
    return inp


def reference(input_word, context_word, input_ids, other_features, emb_in, emb_ctx, neg_idx,
              conv_w0, conv_b0, conv_w1, conv_b1, conv_w2, conv_b2,
              fc_w0, fc_b0, fc_w1, fc_b1, fc_w2, fc_b2, fc_w3, fc_b3, fc_w4, fc_b4, fc_w5, fc_b5):
    # skip-gram negative sampling loss
    e_in = jnp.take(emb_in, input_word, axis=0)            # [B, D]
    e_ctx = jnp.take(emb_ctx, context_word, axis=0)        # [B, D]
    prod = jnp.sum(e_in * e_ctx, axis=1)                   # [B]
    out_loss = jax.nn.log_sigmoid(prod)
    e_neg = jnp.take(emb_ctx, neg_idx, axis=0)             # [B, NEG, D]
    neg_prod = jnp.einsum('bnd,bd->bn', -e_neg, e_in)      # bmm(emb_negative.neg(), emb_input.unsqueeze(2))
    noise_loss = jnp.sum(jax.nn.log_sigmoid(neg_prod), axis=1)
    total_loss = -jnp.mean(out_loss + noise_loss)
    # CNN classifier head (dropout in eval mode = identity)
    x = jnp.take(emb_in, input_ids, axis=0)                # [B, L, D]
    x = jnp.transpose(x, (0, 2, 1))                        # [B, D, L]
    pools = []
    for w, b in ((conv_w0, conv_b0), (conv_w1, conv_b1), (conv_w2, conv_b2)):
        c = jax.lax.conv_general_dilated(x, w, window_strides=(1,), padding='VALID',
                                         dimension_numbers=('NCH', 'OIH', 'NCH'))
        c = jax.nn.relu(c + b[None, :, None])
        pools.append(jnp.max(c, axis=2))                   # max_pool1d over full length
    xf = jnp.concatenate(pools + [other_features], axis=1)  # [B, 69]
    h = xf @ fc_w0 + fc_b0
    h = h @ fc_w1 + fc_b1
    h = h @ fc_w2 + fc_b2
    h = h @ fc_w3 + fc_b3
    h = h @ fc_w4 + fc_b4
    logits = h @ fc_w5 + fc_b5
    return (total_loss, logits)

if __name__ == "__main__":
    import jax
    _d = setup_inputs()
    print(jax.jit(kernel)(*tuple(_d.values())))

</pallas_src>

<mosaic_0001>
#map = affine_map<(d0, d1) -> (0, 0)>
#map1 = affine_map<(d0, d1) -> (0)>
#map2 = affine_map<(d0, d1) -> (0, 0, 0)>
module attributes {stable_mosaic.version = 14 : i64} {
  func.func @sc(%arg0: i32, %arg1: i32, %arg2: memref<100000x64xf32, #tpu.memory_space<hbm>>, %arg3: memref<4096xi32, #tpu.memory_space<hbm>>, %arg4: memref<40960xi32, #tpu.memory_space<hbm>>, %arg5: memref<4096x64xf32, #tpu.memory_space<hbm>>, %arg6: memref<10x4096x64xf32, #tpu.memory_space<hbm>>, %arg7: memref<1280xi32, #tpu.memory_space<vmem>>, %arg8: memref<128xi32, #tpu.memory_space<vmem>>, %arg9: memref<1280xi32, #tpu.memory_space<vmem>>, %arg10: memref<5x128x64xf32, #tpu.memory_space<vmem>>, %arg11: memref<5x128x64xf32, #tpu.memory_space<vmem>>, %arg12: memref<128x64xf32, #tpu.memory_space<vmem>>, %arg13: memref<!tpu.dma_semaphore, #tpu.memory_space<semaphore_mem>>, %arg14: memref<!tpu.dma_semaphore, #tpu.memory_space<semaphore_mem>>, %arg15: memref<!tpu.dma_semaphore, #tpu.memory_space<semaphore_mem>>) attributes {dimension_semantics = [#tpu.dimension_semantics<core_parallel>, #tpu.dimension_semantics<subcore_parallel>], iteration_bounds = array<i64: 2, 16>, scalar_prefetch = 0 : i64, scratch_operands = 9 : i64, tpu.core_type = #tpu.core_type<sc_vector_subcore>, window_params = [{transform_indices = #map}, {transform_indices = #map1}, {transform_indices = #map1}, {transform_indices = #map}, {transform_indices = #map2}]} {
    %mul3A = arith.constant 2 : i32
    %mul3A_0 = arith.muli %arg1, %mul3A : i32
    %add3A = arith.addi %mul3A_0, %arg0 : i32
    %mul3A_1 = arith.constant 128 : i32
    %mul3A_2 = arith.muli %add3A, %mul3A_1 : i32
    "tpu.region"() ({
      %run_scoped3A = tpu.sem_alloc : memref<!tpu.dma_semaphore, #tpu.memory_space<semaphore_mem>>
      %dma_start3A_290 = tpu.memref_slice %arg3[%mul3A_2] : memref<4096xi32, #tpu.memory_space<hbm>> -> memref<128xi32, #tpu.memory_space<hbm>>
      %dma_start3A_291 = tpu.memref_slice %arg3[%mul3A_2] : memref<4096xi32, #tpu.memory_space<hbm>> -> memref<128xi32, #tpu.memory_space<hbm>>
      tpu.enqueue_dma source(%dma_start3A_291 : memref<128xi32, #tpu.memory_space<hbm>>) target(%arg8 : memref<128xi32, #tpu.memory_space<vmem>>) target_semaphore(%run_scoped3A : memref<!tpu.dma_semaphore, #tpu.memory_space<semaphore_mem>>)
      %dma_wait3A_292 = tpu.memref_slice %arg3[%mul3A_2] : memref<4096xi32, #tpu.memory_space<hbm>> -> memref<128xi32, #tpu.memory_space<hbm>>
      %dma_wait3A_293 = tpu.memref_slice %arg3[%mul3A_2] : memref<4096xi32, #tpu.memory_space<hbm>> -> memref<128xi32, #tpu.memory_space<hbm>>
      tpu.wait_dma2 semaphore(%run_scoped3A : memref<!tpu.dma_semaphore, #tpu.memory_space<semaphore_mem>>) src(%dma_wait3A_293 : memref<128xi32, #tpu.memory_space<hbm>>) dst(%arg8 : memref<128xi32, #tpu.memory_space<vmem>>)
      tpu.yield
    }) : () -> ()
    %mul3A_3 = arith.constant 10 : i32
    %mul3A_4 = arith.muli %mul3A_2, %mul3A_3 : i32
    "tpu.region"() ({
      %run_scoped3A = tpu.sem_alloc : memref<!tpu.dma_semaphore, #tpu.memory_space<semaphore_mem>>
      %dma_start3A_290 = tpu.memref_slice %arg4[%mul3A_4] : memref<40960xi32, #tpu.memory_space<hbm>> -> memref<1280xi32, #tpu.memory_space<hbm>>
      %dma_start3A_291 = tpu.memref_slice %arg4[%mul3A_4] : memref<40960xi32, #tpu.memory_space<hbm>> -> memref<1280xi32, #tpu.memory_space<hbm>>
      tpu.enqueue_dma source(%dma_start3A_291 : memref<1280xi32, #tpu.memory_space<hbm>>) target(%arg7 : memref<1280xi32, #tpu.memory_space<vmem>>) target_semaphore(%run_scoped3A : memref<!tpu.dma_semaphore, #tpu.memory_space<semaphore_mem>>)
      %dma_wait3A_292 = tpu.memref_slice %arg4[%mul3A_4] : memref<40960xi32, #tpu.memory_space<hbm>> -> memref<1280xi32, #tpu.memory_space<hbm>>
      %dma_wait3A_293 = tpu.memref_slice %arg4[%mul3A_4] : memref<40960xi32, #tpu.memory_space<hbm>> -> memref<1280xi32, #tpu.memory_space<hbm>>
      tpu.wait_dma2 semaphore(%run_scoped3A : memref<!tpu.dma_semaphore, #tpu.memory_space<semaphore_mem>>) src(%dma_wait3A_293 : memref<1280xi32, #tpu.memory_space<hbm>>) dst(%arg7 : memref<1280xi32, #tpu.memory_space<vmem>>)
      tpu.yield
    }) : () -> ()
    %dma_start3A = arith.constant 0 : i32
    %dma_start3A_5 = arith.constant 0 : i32
    %dma_start3A_6 = tpu.memref_slice %arg2[%dma_start3A, %dma_start3A_5] : memref<100000x64xf32, #tpu.memory_space<hbm>> -> memref<100000x64xf32, #tpu.memory_space<hbm>>
    tpu.enqueue_indirect_dma source(%dma_start3A_6 : memref<100000x64xf32, #tpu.memory_space<hbm>>) target(%arg12 : memref<128x64xf32, #tpu.memory_space<vmem>>) offsets(%arg8 : memref<128xi32, #tpu.memory_space<vmem>>) semaphore(%arg15 : memref<!tpu.dma_semaphore, #tpu.memory_space<semaphore_mem>>)
    %iota3A = tpu.iota {dimensions = array<i32: 0>} : vector<16xi32>
    %scan3A = arith.constant 0 : i32
    %scan3A_7 = arith.constant 0 : i32
    %scan3A_8 = arith.constant 10 : i32
    %scan3A_9 = arith.addi %scan3A_7, %scan3A_8 : i32
    %scan3A_10 = arith.constant 1 : i32
    scf.for %scan3A_290 = %scan3A_7 to %scan3A_9 step %scan3A_10  : i32 {
      %add3A_291 = arith.constant 0 : i32
      %add3A_292 = vector.broadcast %add3A_291 : i32 to vector<16xi32>
      %add3A_293 = arith.addi %iota3A, %add3A_292 : vector<16xi32>
      %mul3A_294 = arith.constant 10 : i32
      %mul3A_295 = vector.broadcast %mul3A_294 : i32 to vector<16xi32>
      %mul3A_296 = arith.muli %add3A_293, %mul3A_295 : vector<16xi32>
      %add3A_297 = vector.broadcast %scan3A_290 : i32 to vector<16xi32>
      %add3A_298 = arith.addi %mul3A_296, %add3A_297 : vector<16xi32>
      %gather3A = tpu.vector_load_idx %arg7[%add3A_298] : memref<1280xi32, #tpu.memory_space<vmem>>[vector<16xi32>], vector<16xi32>,
      %mul3A_299 = arith.constant 128 : i32
      %mul3A_300 = arith.muli %scan3A_290, %mul3A_299 : i32
      %add3A_301 = arith.constant 0 : i32
      %add3A_302 = arith.addi %mul3A_300, %add3A_301 : i32
      %swap3A = arith.index_cast %add3A_302 : i32 to index
      %swap3A_303 = tpu.vector_load %arg9[%swap3A] {strides = array<i32>} : memref<1280xi32, #tpu.memory_space<vmem>>, vector<16xi32>,
      tpu.vector_store %arg9[%swap3A], %gather3A {strides = array<i32>} : memref<1280xi32, #tpu.memory_space<vmem>>, vector<16xi32>,
      %add3A_304 = arith.constant 16 : i32
      %add3A_305 = vector.broadcast %add3A_304 : i32 to vector<16xi32>
      %add3A_306 = arith.addi %iota3A, %add3A_305 : vector<16xi32>
      %mul3A_307 = arith.constant 10 : i32
      %mul3A_308 = vector.broadcast %mul3A_307 : i32 to vector<16xi32>
      %mul3A_309 = arith.muli %add3A_306, %mul3A_308 : vector<16xi32>
      %add3A_310 = vector.broadcast %scan3A_290 : i32 to vector<16xi32>
      %add3A_311 = arith.addi %mul3A_309, %add3A_310 : vector<16xi32>
      %gather3A_312 = tpu.vector_load_idx %arg7[%add3A_311] : memref<1280xi32, #tpu.memory_space<vmem>>[vector<16xi32>], vector<16xi32>,
      %mul3A_313 = arith.constant 128 : i32
      %mul3A_314 = arith.muli %scan3A_290, %mul3A_313 : i32
      %add3A_315 = arith.constant 16 : i32
      %add3A_316 = arith.addi %mul3A_314, %add3A_315 : i32
      %swap3A_317 = arith.index_cast %add3A_316 : i32 to index
      %swap3A_318 = tpu.vector_load %arg9[%swap3A_317] {strides = array<i32>} : memref<1280xi32, #tpu.memory_space<vmem>>, vector<16xi32>,
      tpu.vector_store %arg9[%swap3A_317], %gather3A_312 {strides = array<i32>} : memref<1280xi32, #tpu.memory_space<vmem>>, vector<16xi32>,
      %add3A_319 = arith.constant 32 : i32
      %add3A_320 = vector.broadcast %add3A_319 : i32 to vector<16xi32>
      %add3A_321 = arith.addi %iota3A, %add3A_320 : vector<16xi32>
      %mul3A_322 = arith.constant 10 : i32
      %mul3A_323 = vector.broadcast %mul3A_322 : i32 to vector<16xi32>
      %mul3A_324 = arith.muli %add3A_321, %mul3A_323 : vector<16xi32>
      %add3A_325 = vector.broadcast %scan3A_290 : i32 to vector<16xi32>
      %add3A_326 = arith.addi %mul3A_324, %add3A_325 : vector<16xi32>
      %gather3A_327 = tpu.vector_load_idx %arg7[%add3A_326] : memref<1280xi32, #tpu.memory_space<vmem>>[vector<16xi32>], vector<16xi32>,
      %mul3A_328 = arith.constant 128 : i32
      %mul3A_329 = arith.muli %scan3A_290, %mul3A_328 : i32
      %add3A_330 = arith.constant 32 : i32
      %add3A_331 = arith.addi %mul3A_329, %add3A_330 : i32
      %swap3A_332 = arith.index_cast %add3A_331 : i32 to index
      %swap3A_333 = tpu.vector_load %arg9[%swap3A_332] {strides = array<i32>} : memref<1280xi32, #tpu.memory_space<vmem>>, vector<16xi32>,
      tpu.vector_store %arg9[%swap3A_332], %gather3A_327 {strides = array<i32>} : memref<1280xi32, #tpu.memory_space<vmem>>, vector<16xi32>,
      %add3A_334 = arith.constant 48 : i32
      %add3A_335 = vector.broadcast %add3A_334 : i32 to vector<16xi32>
      %add3A_336 = arith.addi %iota3A, %add3A_335 : vector<16xi32>
      %mul3A_337 = arith.constant 10 : i32
      %mul3A_338 = vector.broadcast %mul3A_337 : i32 to vector<16xi32>
      %mul3A_339 = arith.muli %add3A_336, %mul3A_338 : vector<16xi32>
      %add3A_340 = vector.broadcast %scan3A_290 : i32 to vector<16xi32>
      %add3A_341 = arith.addi %mul3A_339, %add3A_340 : vector<16xi32>
      %gather3A_342 = tpu.vector_load_idx %arg7[%add3A_341] : memref<1280xi32, #tpu.memory_space<vmem>>[vector<16xi32>], vector<16xi32>,
      %mul3A_343 = arith.constant 128 : i32
      %mul3A_344 = arith.muli %scan3A_290, %mul3A_343 : i32
      %add3A_345 = arith.constant 48 : i32
      %add3A_346 = arith.addi %mul3A_344, %add3A_345 : i32
      %swap3A_347 = arith.index_cast %add3A_346 : i32 to index
      %swap3A_348 = tpu.vector_load %arg9[%swap3A_347] {strides = array<i32>} : memref<1280xi32, #tpu.memory_space<vmem>>, vector<16xi32>,
      tpu.vector_store %arg9[%swap3A_347], %gather3A_342 {strides = array<i32>} : memref<1280xi32, #tpu.memory_space<vmem>>, vector<16xi32>,
      %add3A_349 = arith.constant 64 : i32
      %add3A_350 = vector.broadcast %add3A_349 : i32 to vector<16xi32>
      %add3A_351 = arith.addi %iota3A, %add3A_350 : vector<16xi32>
      %mul3A_352 = arith.constant 10 : i32
      %mul3A_353 = vector.broadcast %mul3A_352 : i32 to vector<16xi32>
      %mul3A_354 = arith.muli %add3A_351, %mul3A_353 : vector<16xi32>
      %add3A_355 = vector.broadcast %scan3A_290 : i32 to vector<16xi32>
      %add3A_356 = arith.addi %mul3A_354, %add3A_355 : vector<16xi32>
      %gather3A_357 = tpu.vector_load_idx %arg7[%add3A_356] : memref<1280xi32, #tpu.memory_space<vmem>>[vector<16xi32>], vector<16xi32>,
      %mul3A_358 = arith.constant 128 : i32
      %mul3A_359 = arith.muli %scan3A_290, %mul3A_358 : i32
      %add3A_360 = arith.constant 64 : i32
      %add3A_361 = arith.addi %mul3A_359, %add3A_360 : i32
      %swap3A_362 = arith.index_cast %add3A_361 : i32 to index
      %swap3A_363 = tpu.vector_load %arg9[%swap3A_362] {strides = array<i32>} : memref<1280xi32, #tpu.memory_space<vmem>>, vector<16xi32>,
      tpu.vector_store %arg9[%swap3A_362], %gather3A_357 {strides = array<i32>} : memref<1280xi32, #tpu.memory_space<vmem>>, vector<16xi32>,
      %add3A_364 = arith.constant 80 : i32
      %add3A_365 = vector.broadcast %add3A_364 : i32 to vector<16xi32>
      %add3A_366 = arith.addi %iota3A, %add3A_365 : vector<16xi32>
      %mul3A_367 = arith.constant 10 : i32
      %mul3A_368 = vector.broadcast %mul3A_367 : i32 to vector<16xi32>
      %mul3A_369 = arith.muli %add3A_366, %mul3A_368 : vector<16xi32>
      %add3A_370 = vector.broadcast %scan3A_290 : i32 to vector<16xi32>
      %add3A_371 = arith.addi %mul3A_369, %add3A_370 : vector<16xi32>
      %gather3A_372 = tpu.vector_load_idx %arg7[%add3A_371] : memref<1280xi32, #tpu.memory_space<vmem>>[vector<16xi32>], vector<16xi32>,
      %mul3A_373 = arith.constant 128 : i32
      %mul3A_374 = arith.muli %scan3A_290, %mul3A_373 : i32
      %add3A_375 = arith.constant 80 : i32
      %add3A_376 = arith.addi %mul3A_374, %add3A_375 : i32
      %swap3A_377 = arith.index_cast %add3A_376 : i32 to index
      %swap3A_378 = tpu.vector_load %arg9[%swap3A_377] {strides = array<i32>} : memref<1280xi32, #tpu.memory_space<vmem>>, vector<16xi32>,
      tpu.vector_store %arg9[%swap3A_377], %gather3A_372 {strides = array<i32>} : memref<1280xi32, #tpu.memory_space<vmem>>, vector<16xi32>,
      %add3A_379 = arith.constant 96 : i32
      %add3A_380 = vector.broadcast %add3A_379 : i32 to vector<16xi32>
      %add3A_381 = arith.addi %iota3A, %add3A_380 : vector<16xi32>
      %mul3A_382 = arith.constant 10 : i32
      %mul3A_383 = vector.broadcast %mul3A_382 : i32 to vector<16xi32>
      %mul3A_384 = arith.muli %add3A_381, %mul3A_383 : vector<16xi32>
      %add3A_385 = vector.broadcast %scan3A_290 : i32 to vector<16xi32>
      %add3A_386 = arith.addi %mul3A_384, %add3A_385 : vector<16xi32>
      %gather3A_387 = tpu.vector_load_idx %arg7[%add3A_386] : memref<1280xi32, #tpu.memory_space<vmem>>[vector<16xi32>], vector<16xi32>,
      %mul3A_388 = arith.constant 128 : i32
      %mul3A_389 = arith.muli %scan3A_290, %mul3A_388 : i32
      %add3A_390 = arith.constant 96 : i32
      %add3A_391 = arith.addi %mul3A_389, %add3A_390 : i32
      %swap3A_392 = arith.index_cast %add3A_391 : i32 to index
      %swap3A_393 = tpu.vector_load %arg9[%swap3A_392] {strides = array<i32>} : memref<1280xi32, #tpu.memory_space<vmem>>, vector<16xi32>,
      tpu.vector_store %arg9[%swap3A_392], %gather3A_387 {strides = array<i32>} : memref<1280xi32, #tpu.memory_space<vmem>>, vector<16xi32>,
      %add3A_394 = arith.constant 112 : i32
      %add3A_395 = vector.broadcast %add3A_394 : i32 to vector<16xi32>
      %add3A_396 = arith.addi %iota3A, %add3A_395 : vector<16xi32>
      %mul3A_397 = arith.constant 10 : i32
      %mul3A_398 = vector.broadcast %mul3A_397 : i32 to vector<16xi32>
      %mul3A_399 = arith.muli %add3A_396, %mul3A_398 : vector<16xi32>
      %add3A_400 = vector.broadcast %scan3A_290 : i32 to vector<16xi32>
      %add3A_401 = arith.addi %mul3A_399, %add3A_400 : vector<16xi32>
      %gather3A_402 = tpu.vector_load_idx %arg7[%add3A_401] : memref<1280xi32, #tpu.memory_space<vmem>>[vector<16xi32>], vector<16xi32>,
      %mul3A_403 = arith.constant 128 : i32
      %mul3A_404 = arith.muli %scan3A_290, %mul3A_403 : i32
      %add3A_405 = arith.constant 112 : i32
      %add3A_406 = arith.addi %mul3A_404, %add3A_405 : i32
      %swap3A_407 = arith.index_cast %add3A_406 : i32 to index
      %swap3A_408 = tpu.vector_load %arg9[%swap3A_407] {strides = array<i32>} : memref<1280xi32, #tpu.memory_space<vmem>>, vector<16xi32>,
      tpu.vector_store %arg9[%swap3A_407], %gather3A_402 {strides = array<i32>} : memref<1280xi32, #tpu.memory_space<vmem>>, vector<16xi32>,
    }
    %scan3A_11 = arith.constant 10 : i32
    %dma_start3A_12 = arith.constant 0 : i32
    %dma_start3A_13 = arith.constant 0 : i32
    %dma_start3A_14 = arith.constant 0 : i32
    %dma_start3A_15 = tpu.memref_slice %arg10[%dma_start3A_12, %dma_start3A_13, %dma_start3A_14] : memref<5x128x64xf32, #tpu.memory_space<vmem>> -> memref<1x128x64xf32, #tpu.memory_space<vmem>>
    %dma_start3A_16 = tpu.memref_squeeze %dma_start3A_15 : memref<1x128x64xf32, #tpu.memory_space<vmem>> -> memref<128x64xf32, #tpu.memory_space<vmem>>
    %dma_start3A_17 = arith.constant 0 : i32
    %dma_start3A_18 = tpu.memref_slice %arg9[%dma_start3A_17] : memref<1280xi32, #tpu.memory_space<vmem>> -> memref<128xi32, #tpu.memory_space<vmem>>
    %dma_start3A_19 = arith.constant 0 : i32
    %dma_start3A_20 = arith.constant 0 : i32
    %dma_start3A_21 = tpu.memref_slice %arg2[%dma_start3A_19, %dma_start3A_20] : memref<100000x64xf32, #tpu.memory_space<hbm>> -> memref<100000x64xf32, #tpu.memory_space<hbm>>
    tpu.enqueue_indirect_dma source(%dma_start3A_21 : memref<100000x64xf32, #tpu.memory_space<hbm>>) target(%dma_start3A_16 : memref<128x64xf32, #tpu.memory_space<vmem>>) offsets(%dma_start3A_18 : memref<128xi32, #tpu.memory_space<vmem>>) semaphore(%arg13 : memref<!tpu.dma_semaphore, #tpu.memory_space<semaphore_mem>>)
    %dma_start3A_22 = arith.constant 1 : i32
    %dma_start3A_23 = arith.constant 0 : i32
    %dma_start3A_24 = arith.constant 0 : i32
    %dma_start3A_25 = tpu.memref_slice %arg10[%dma_start3A_22, %dma_start3A_23, %dma_start3A_24] : memref<5x128x64xf32, #tpu.memory_space<vmem>> -> memref<1x128x64xf32, #tpu.memory_space<vmem>>
    %dma_start3A_26 = tpu.memref_squeeze %dma_start3A_25 : memref<1x128x64xf32, #tpu.memory_space<vmem>> -> memref<128x64xf32, #tpu.memory_space<vmem>>
    %dma_start3A_27 = arith.constant 128 : i32
    %dma_start3A_28 = tpu.memref_slice %arg9[%dma_start3A_27] : memref<1280xi32, #tpu.memory_space<vmem>> -> memref<128xi32, #tpu.memory_space<vmem>>
    %dma_start3A_29 = arith.constant 0 : i32
    %dma_start3A_30 = arith.constant 0 : i32
    %dma_start3A_31 = tpu.memref_slice %arg2[%dma_start3A_29, %dma_start3A_30] : memref<100000x64xf32, #tpu.memory_space<hbm>> -> memref<100000x64xf32, #tpu.memory_space<hbm>>
    tpu.enqueue_indirect_dma source(%dma_start3A_31 : memref<100000x64xf32, #tpu.memory_space<hbm>>) target(%dma_start3A_26 : memref<128x64xf32, #tpu.memory_space<vmem>>) offsets(%dma_start3A_28 : memref<128xi32, #tpu.memory_space<vmem>>) semaphore(%arg13 : memref<!tpu.dma_semaphore, #tpu.memory_space<semaphore_mem>>)
    %dma_start3A_32 = arith.constant 2 : i32
    %dma_start3A_33 = arith.constant 0 : i32
    %dma_start3A_34 = arith.constant 0 : i32
    %dma_start3A_35 = tpu.memref_slice %arg10[%dma_start3A_32, %dma_start3A_33, %dma_start3A_34] : memref<5x128x64xf32, #tpu.memory_space<vmem>> -> memref<1x128x64xf32, #tpu.memory_space<vmem>>
    %dma_start3A_36 = tpu.memref_squeeze %dma_start3A_35 : memref<1x128x64xf32, #tpu.memory_space<vmem>> -> memref<128x64xf32, #tpu.memory_space<vmem>>
    %dma_start3A_37 = arith.constant 256 : i32
    %dma_start3A_38 = tpu.memref_slice %arg9[%dma_start3A_37] : memref<1280xi32, #tpu.memory_space<vmem>> -> memref<128xi32, #tpu.memory_space<vmem>>
    %dma_start3A_39 = arith.constant 0 : i32
    %dma_start3A_40 = arith.constant 0 : i32
    %dma_start3A_41 = tpu.memref_slice %arg2[%dma_start3A_39, %dma_start3A_40] : memref<100000x64xf32, #tpu.memory_space<hbm>> -> memref<100000x64xf32, #tpu.memory_space<hbm>>
    tpu.enqueue_indirect_dma source(%dma_start3A_41 : memref<100000x64xf32, #tpu.memory_space<hbm>>) target(%dma_start3A_36 : memref<128x64xf32, #tpu.memory_space<vmem>>) offsets(%dma_start3A_38 : memref<128xi32, #tpu.memory_space<vmem>>) semaphore(%arg13 : memref<!tpu.dma_semaphore, #tpu.memory_space<semaphore_mem>>)
    %dma_start3A_42 = arith.constant 3 : i32
    %dma_start3A_43 = arith.constant 0 : i32
    %dma_start3A_44 = arith.constant 0 : i32
    %dma_start3A_45 = tpu.memref_slice %arg10[%dma_start3A_42, %dma_start3A_43, %dma_start3A_44] : memref<5x128x64xf32, #tpu.memory_space<vmem>> -> memref<1x128x64xf32, #tpu.memory_space<vmem>>
    %dma_start3A_46 = tpu.memref_squeeze %dma_start3A_45 : memref<1x128x64xf32, #tpu.memory_space<vmem>> -> memref<128x64xf32, #tpu.memory_space<vmem>>
    %dma_start3A_47 = arith.constant 384 : i32
    %dma_start3A_48 = tpu.memref_slice %arg9[%dma_start3A_47] : memref<1280xi32, #tpu.memory_space<vmem>> -> memref<128xi32, #tpu.memory_space<vmem>>
    %dma_start3A_49 = arith.constant 0 : i32
    %dma_start3A_50 = arith.constant 0 : i32
    %dma_start3A_51 = tpu.memref_slice %arg2[%dma_start3A_49, %dma_start3A_50] : memref<100000x64xf32, #tpu.memory_space<hbm>> -> memref<100000x64xf32, #tpu.memory_space<hbm>>
    tpu.enqueue_indirect_dma source(%dma_start3A_51 : memref<100000x64xf32, #tpu.memory_space<hbm>>) target(%dma_start3A_46 : memref<128x64xf32, #tpu.memory_space<vmem>>) offsets(%dma_start3A_48 : memref<128xi32, #tpu.memory_space<vmem>>) semaphore(%arg13 : memref<!tpu.dma_semaphore, #tpu.memory_space<semaphore_mem>>)
    %dma_start3A_52 = arith.constant 4 : i32
    %dma_start3A_53 = arith.constant 0 : i32
    %dma_start3A_54 = arith.constant 0 : i32
    %dma_start3A_55 = tpu.memref_slice %arg10[%dma_start3A_52, %dma_start3A_53, %dma_start3A_54] : memref<5x128x64xf32, #tpu.memory_space<vmem>> -> memref<1x128x64xf32, #tpu.memory_space<vmem>>
    %dma_start3A_56 = tpu.memref_squeeze %dma_start3A_55 : memref<1x128x64xf32, #tpu.memory_space<vmem>> -> memref<128x64xf32, #tpu.memory_space<vmem>>
    %dma_start3A_57 = arith.constant 512 : i32
    %dma_start3A_58 = tpu.memref_slice %arg9[%dma_start3A_57] : memref<1280xi32, #tpu.memory_space<vmem>> -> memref<128xi32, #tpu.memory_space<vmem>>
    %dma_start3A_59 = arith.constant 0 : i32
    %dma_start3A_60 = arith.constant 0 : i32
    %dma_start3A_61 = tpu.memref_slice %arg2[%dma_start3A_59, %dma_start3A_60] : memref<100000x64xf32, #tpu.memory_space<hbm>> -> memref<100000x64xf32, #tpu.memory_space<hbm>>
    tpu.enqueue_indirect_dma source(%dma_start3A_61 : memref<100000x64xf32, #tpu.memory_space<hbm>>) target(%dma_start3A_56 : memref<128x64xf32, #tpu.memory_space<vmem>>) offsets(%dma_start3A_58 : memref<128xi32, #tpu.memory_space<vmem>>) semaphore(%arg13 : memref<!tpu.dma_semaphore, #tpu.memory_space<semaphore_mem>>)
    %dma_start3A_62 = arith.constant 0 : i32
    %dma_start3A_63 = arith.constant 0 : i32
    %dma_start3A_64 = arith.constant 0 : i32
    %dma_start3A_65 = tpu.memref_slice %arg11[%dma_start3A_62, %dma_start3A_63, %dma_start3A_64] : memref<5x128x64xf32, #tpu.memory_space<vmem>> -> memref<1x128x64xf32, #tpu.memory_space<vmem>>
    %dma_start3A_66 = tpu.memref_squeeze %dma_start3A_65 : memref<1x128x64xf32, #tpu.memory_space<vmem>> -> memref<128x64xf32, #tpu.memory_space<vmem>>
    %dma_start3A_67 = arith.constant 640 : i32
    %dma_start3A_68 = tpu.memref_slice %arg9[%dma_start3A_67] : memref<1280xi32, #tpu.memory_space<vmem>> -> memref<128xi32, #tpu.memory_space<vmem>>
    %dma_start3A_69 = arith.constant 0 : i32
    %dma_start3A_70 = arith.constant 0 : i32
    %dma_start3A_71 = tpu.memref_slice %arg2[%dma_start3A_69, %dma_start3A_70] : memref<100000x64xf32, #tpu.memory_space<hbm>> -> memref<100000x64xf32, #tpu.memory_space<hbm>>
    tpu.enqueue_indirect_dma source(%dma_start3A_71 : memref<100000x64xf32, #tpu.memory_space<hbm>>) target(%dma_start3A_66 : memref<128x64xf32, #tpu.memory_space<vmem>>) offsets(%dma_start3A_68 : memref<128xi32, #tpu.memory_space<vmem>>) semaphore(%arg14 : memref<!tpu.dma_semaphore, #tpu.memory_space<semaphore_mem>>)
    %dma_start3A_72 = arith.constant 1 : i32
    %dma_start3A_73 = arith.constant 0 : i32
    %dma_start3A_74 = arith.constant 0 : i32
    %dma_start3A_75 = tpu.memref_slice %arg11[%dma_start3A_72, %dma_start3A_73, %dma_start3A_74] : memref<5x128x64xf32, #tpu.memory_space<vmem>> -> memref<1x128x64xf32, #tpu.memory_space<vmem>>
    %dma_start3A_76 = tpu.memref_squeeze %dma_start3A_75 : memref<1x128x64xf32, #tpu.memory_space<vmem>> -> memref<128x64xf32, #tpu.memory_space<vmem>>
    %dma_start3A_77 = arith.constant 768 : i32
    %dma_start3A_78 = tpu.memref_slice %arg9[%dma_start3A_77] : memref<1280xi32, #tpu.memory_space<vmem>> -> memref<128xi32, #tpu.memory_space<vmem>>
    %dma_start3A_79 = arith.constant 0 : i32
    %dma_start3A_80 = arith.constant 0 : i32
    %dma_start3A_81 = tpu.memref_slice %arg2[%dma_start3A_79, %dma_start3A_80] : memref<100000x64xf32, #tpu.memory_space<hbm>> -> memref<100000x64xf32, #tpu.memory_space<hbm>>
    tpu.enqueue_indirect_dma source(%dma_start3A_81 : memref<100000x64xf32, #tpu.memory_space<hbm>>) target(%dma_start3A_76 : memref<128x64xf32, #tpu.memory_space<vmem>>) offsets(%dma_start3A_78 : memref<128xi32, #tpu.memory_space<vmem>>) semaphore(%arg14 : memref<!tpu.dma_semaphore, #tpu.memory_space<semaphore_mem>>)
    %dma_start3A_82 = arith.constant 2 : i32
    %dma_start3A_83 = arith.constant 0 : i32
    %dma_start3A_84 = arith.constant 0 : i32
    %dma_start3A_85 = tpu.memref_slice %arg11[%dma_start3A_82, %dma_start3A_83, %dma_start3A_84] : memref<5x128x64xf32, #tpu.memory_space<vmem>> -> memref<1x128x64xf32, #tpu.memory_space<vmem>>
    %dma_start3A_86 = tpu.memref_squeeze %dma_start3A_85 : memref<1x128x64xf32, #tpu.memory_space<vmem>> -> memref<128x64xf32, #tpu.memory_space<vmem>>
    %dma_start3A_87 = arith.constant 896 : i32
    %dma_start3A_88 = tpu.memref_slice %arg9[%dma_start3A_87] : memref<1280xi32, #tpu.memory_space<vmem>> -> memref<128xi32, #tpu.memory_space<vmem>>
    %dma_start3A_89 = arith.constant 0 : i32
    %dma_start3A_90 = arith.constant 0 : i32
    %dma_start3A_91 = tpu.memref_slice %arg2[%dma_start3A_89, %dma_start3A_90] : memref<100000x64xf32, #tpu.memory_space<hbm>> -> memref<100000x64xf32, #tpu.memory_space<hbm>>
    tpu.enqueue_indirect_dma source(%dma_start3A_91 : memref<100000x64xf32, #tpu.memory_space<hbm>>) target(%dma_start3A_86 : memref<128x64xf32, #tpu.memory_space<vmem>>) offsets(%dma_start3A_88 : memref<128xi32, #tpu.memory_space<vmem>>) semaphore(%arg14 : memref<!tpu.dma_semaphore, #tpu.memory_space<semaphore_mem>>)
    %dma_start3A_92 = arith.constant 3 : i32
    %dma_start3A_93 = arith.constant 0 : i32
    %dma_start3A_94 = arith.constant 0 : i32
    %dma_start3A_95 = tpu.memref_slice %arg11[%dma_start3A_92, %dma_start3A_93, %dma_start3A_94] : memref<5x128x64xf32, #tpu.memory_space<vmem>> -> memref<1x128x64xf32, #tpu.memory_space<vmem>>
    %dma_start3A_96 = tpu.memref_squeeze %dma_start3A_95 : memref<1x128x64xf32, #tpu.memory_space<vmem>> -> memref<128x64xf32, #tpu.memory_space<vmem>>
    %dma_start3A_97 = arith.constant 1024 : i32
    %dma_start3A_98 = tpu.memref_slice %arg9[%dma_start3A_97] : memref<1280xi32, #tpu.memory_space<vmem>> -> memref<128xi32, #tpu.memory_space<vmem>>
    %dma_start3A_99 = arith.constant 0 : i32
    %dma_start3A_100 = arith.constant 0 : i32
    %dma_start3A_101 = tpu.memref_slice %arg2[%dma_start3A_99, %dma_start3A_100] : memref<100000x64xf32, #tpu.memory_space<hbm>> -> memref<100000x64xf32, #tpu.memory_space<hbm>>
    tpu.enqueue_indirect_dma source(%dma_start3A_101 : memref<100000x64xf32, #tpu.memory_space<hbm>>) target(%dma_start3A_96 : memref<128x64xf32, #tpu.memory_space<vmem>>) offsets(%dma_start3A_98 : memref<128xi32, #tpu.memory_space<vmem>>) semaphore(%arg14 : memref<!tpu.dma_semaphore, #tpu.memory_space<semaphore_mem>>)
    %dma_start3A_102 = arith.constant 4 : i32
    %dma_start3A_103 = arith.constant 0 : i32
    %dma_start3A_104 = arith.constant 0 : i32
    %dma_start3A_105 = tpu.memref_slice %arg11[%dma_start3A_102, %dma_start3A_103, %dma_start3A_104] : memref<5x128x64xf32, #tpu.memory_space<vmem>> -> memref<1x128x64xf32, #tpu.memory_space<vmem>>
    %dma_start3A_106 = tpu.memref_squeeze %dma_start3A_105 : memref<1x128x64xf32, #tpu.memory_space<vmem>> -> memref<128x64xf32, #tpu.memory_space<vmem>>
    %dma_start3A_107 = arith.constant 1152 : i32
    %dma_start3A_108 = tpu.memref_slice %arg9[%dma_start3A_107] : memref<1280xi32, #tpu.memory_space<vmem>> -> memref<128xi32, #tpu.memory_space<vmem>>
    %dma_start3A_109 = arith.constant 0 : i32
    %dma_start3A_110 = arith.constant 0 : i32
    %dma_start3A_111 = tpu.memref_slice %arg2[%dma_start3A_109, %dma_start3A_110] : memref<100000x64xf32, #tpu.memory_space<hbm>> -> memref<100000x64xf32, #tpu.memory_space<hbm>>
    tpu.enqueue_indirect_dma source(%dma_start3A_111 : memref<100000x64xf32, #tpu.memory_space<hbm>>) target(%dma_start3A_106 : memref<128x64xf32, #tpu.memory_space<vmem>>) offsets(%dma_start3A_108 : memref<128xi32, #tpu.memory_space<vmem>>) semaphore(%arg14 : memref<!tpu.dma_semaphore, #tpu.memory_space<semaphore_mem>>)
    %scan3A_112 = arith.constant 0 : i32
    %scan3A_113 = arith.constant 0 : i32
    %mul3A_114 = arith.constant 2 : i32
    %mul3A_115 = arith.muli %scan3A_113, %mul3A_114 : i32
    %add3A_116 = arith.constant 0 : i32
    %add3A_117 = arith.addi %mul3A_115, %add3A_116 : i32
    %mul3A_118 = arith.constant 5 : i32
    %mul3A_119 = arith.muli %add3A_117, %mul3A_118 : i32
    %add3A_120 = arith.constant 0 : i32
    %add3A_121 = arith.addi %mul3A_119, %add3A_120 : i32
    %mul3A_122 = arith.constant 128 : i32
    %mul3A_123 = arith.muli %add3A_121, %mul3A_122 : i32
    %dma_wait3A = arith.constant 0 : i32
    %dma_wait3A_124 = arith.constant 0 : i32
    %dma_wait3A_125 = arith.constant 0 : i32
    %dma_wait3A_126 = tpu.memref_slice %arg10[%dma_wait3A, %dma_wait3A_124, %dma_wait3A_125] : memref<5x128x64xf32, #tpu.memory_space<vmem>> -> memref<1x128x64xf32, #tpu.memory_space<vmem>>
    %dma_wait3A_127 = tpu.memref_squeeze %dma_wait3A_126 : memref<1x128x64xf32, #tpu.memory_space<vmem>> -> memref<128x64xf32, #tpu.memory_space<vmem>>
    %dma_wait3A_128 = tpu.memref_slice %arg9[%mul3A_123] : memref<1280xi32, #tpu.memory_space<vmem>> -> memref<128xi32, #tpu.memory_space<vmem>>
    %dma_wait3A_129 = arith.constant 0 : i32
    %dma_wait3A_130 = arith.constant 0 : i32
    %dma_wait3A_131 = tpu.memref_slice %arg2[%dma_wait3A_129, %dma_wait3A_130] : memref<100000x64xf32, #tpu.memory_space<hbm>> -> memref<100000x64xf32, #tpu.memory_space<hbm>>
    tpu.wait_indirect_dma semaphore(%arg13 : memref<!tpu.dma_semaphore, #tpu.memory_space<semaphore_mem>>) src(%dma_wait3A_131 : memref<100000x64xf32, #tpu.memory_space<hbm>>) dst(%dma_wait3A_127 : memref<128x64xf32, #tpu.memory_space<vmem>>)
    %mul3A_132 = arith.constant 5 : i32
    %mul3A_133 = arith.muli %add3A_117, %mul3A_132 : i32
    %add3A_134 = arith.constant 1 : i32
    %add3A_135 = arith.addi %mul3A_133, %add3A_134 : i32
    %mul3A_136 = arith.constant 128 : i32
    %mul3A_137 = arith.muli %add3A_135, %mul3A_136 : i32
    %dma_wait3A_138 = arith.constant 1 : i32
    %dma_wait3A_139 = arith.constant 0 : i32
    %dma_wait3A_140 = arith.constant 0 : i32
    %dma_wait3A_141 = tpu.memref_slice %arg10[%dma_wait3A_138, %dma_wait3A_139, %dma_wait3A_140] : memref<5x128x64xf32, #tpu.memory_space<vmem>> -> memref<1x128x64xf32, #tpu.memory_space<vmem>>
    %dma_wait3A_142 = tpu.memref_squeeze %dma_wait3A_141 : memref<1x128x64xf32, #tpu.memory_space<vmem>> -> memref<128x64xf32, #tpu.memory_space<vmem>>
    %dma_wait3A_143 = tpu.memref_slice %arg9[%mul3A_137] : memref<1280xi32, #tpu.memory_space<vmem>> -> memref<128xi32, #tpu.memory_space<vmem>>
    %dma_wait3A_144 = arith.constant 0 : i32
    %dma_wait3A_145 = arith.constant 0 : i32
    %dma_wait3A_146 = tpu.memref_slice %arg2[%dma_wait3A_144, %dma_wait3A_145] : memref<100000x64xf32, #tpu.memory_space<hbm>> -> memref<100000x64xf32, #tpu.memory_space<hbm>>
    tpu.wait_indirect_dma semaphore(%arg13 : memref<!tpu.dma_semaphore, #tpu.memory_space<semaphore_mem>>) src(%dma_wait3A_146 : memref<100000x64xf32, #tpu.memory_space<hbm>>) dst(%dma_wait3A_142 : memref<128x64xf32, #tpu.memory_space<vmem>>)
    %mul3A_147 = arith.constant 5 : i32
    %mul3A_148 = arith.muli %add3A_117, %mul3A_147 : i32
    %add3A_149 = arith.constant 2 : i32
    %add3A_150 = arith.addi %mul3A_148, %add3A_149 : i32
    %mul3A_151 = arith.constant 128 : i32
    %mul3A_152 = arith.muli %add3A_150, %mul3A_151 : i32
    %dma_wait3A_153 = arith.constant 2 : i32
    %dma_wait3A_154 = arith.constant 0 : i32
    %dma_wait3A_155 = arith.constant 0 : i32
    %dma_wait3A_156 = tpu.memref_slice %arg10[%dma_wait3A_153, %dma_wait3A_154, %dma_wait3A_155] : memref<5x128x64xf32, #tpu.memory_space<vmem>> -> memref<1x128x64xf32, #tpu.memory_space<vmem>>
    %dma_wait3A_157 = tpu.memref_squeeze %dma_wait3A_156 : memref<1x128x64xf32, #tpu.memory_space<vmem>> -> memref<128x64xf32, #tpu.memory_space<vmem>>
    %dma_wait3A_158 = tpu.memref_slice %arg9[%mul3A_152] : memref<1280xi32, #tpu.memory_space<vmem>> -> memref<128xi32, #tpu.memory_space<vmem>>
    %dma_wait3A_159 = arith.constant 0 : i32
    %dma_wait3A_160 = arith.constant 0 : i32
    %dma_wait3A_161 = tpu.memref_slice %arg2[%dma_wait3A_159, %dma_wait3A_160] : memref<100000x64xf32, #tpu.memory_space<hbm>> -> memref<100000x64xf32, #tpu.memory_space<hbm>>
    tpu.wait_indirect_dma semaphore(%arg13 : memref<!tpu.dma_semaphore, #tpu.memory_space<semaphore_mem>>) src(%dma_wait3A_161 : memref<100000x64xf32, #tpu.memory_space<hbm>>) dst(%dma_wait3A_157 : memref<128x64xf32, #tpu.memory_space<vmem>>)
    %mul3A_162 = arith.constant 5 : i32
    %mul3A_163 = arith.muli %add3A_117, %mul3A_162 : i32
    %add3A_164 = arith.constant 3 : i32
    %add3A_165 = arith.addi %mul3A_163, %add3A_164 : i32
    %mul3A_166 = arith.constant 128 : i32
    %mul3A_167 = arith.muli %add3A_165, %mul3A_166 : i32
    %dma_wait3A_168 = arith.constant 3 : i32
    %dma_wait3A_169 = arith.constant 0 : i32
    %dma_wait3A_170 = arith.constant 0 : i32
    %dma_wait3A_171 = tpu.memref_slice %arg10[%dma_wait3A_168, %dma_wait3A_169, %dma_wait3A_170] : memref<5x128x64xf32, #tpu.memory_space<vmem>> -> memref<1x128x64xf32, #tpu.memory_space<vmem>>
    %dma_wait3A_172 = tpu.memref_squeeze %dma_wait3A_171 : memref<1x128x64xf32, #tpu.memory_space<vmem>> -> memref<128x64xf32, #tpu.memory_space<vmem>>
    %dma_wait3A_173 = tpu.memref_slice %arg9[%mul3A_167] : memref<1280xi32, #tpu.memory_space<vmem>> -> memref<128xi32, #tpu.memory_space<vmem>>
    %dma_wait3A_174 = arith.constant 0 : i32
    %dma_wait3A_175 = arith.constant 0 : i32
    %dma_wait3A_176 = tpu.memref_slice %arg2[%dma_wait3A_174, %dma_wait3A_175] : memref<100000x64xf32, #tpu.memory_space<hbm>> -> memref<100000x64xf32, #tpu.memory_space<hbm>>
    tpu.wait_indirect_dma semaphore(%arg13 : memref<!tpu.dma_semaphore, #tpu.memory_space<semaphore_mem>>) src(%dma_wait3A_176 : memref<100000x64xf32, #tpu.memory_space<hbm>>) dst(%dma_wait3A_172 : memref<128x64xf32, #tpu.memory_space<vmem>>)
    %mul3A_177 = arith.constant 5 : i32
    %mul3A_178 = arith.muli %add3A_117, %mul3A_177 : i32
    %add3A_179 = arith.constant 4 : i32
    %add3A_180 = arith.addi %mul3A_178, %add3A_179 : i32
    %mul3A_181 = arith.constant 128 : i32
    %mul3A_182 = arith.muli %add3A_180, %mul3A_181 : i32
    %dma_wait3A_183 = arith.constant 4 : i32
    %dma_wait3A_184 = arith.constant 0 : i32
    %dma_wait3A_185 = arith.constant 0 : i32
    %dma_wait3A_186 = tpu.memref_slice %arg10[%dma_wait3A_183, %dma_wait3A_184, %dma_wait3A_185] : memref<5x128x64xf32, #tpu.memory_space<vmem>> -> memref<1x128x64xf32, #tpu.memory_space<vmem>>
    %dma_wait3A_187 = tpu.memref_squeeze %dma_wait3A_186 : memref<1x128x64xf32, #tpu.memory_space<vmem>> -> memref<128x64xf32, #tpu.memory_space<vmem>>
    %dma_wait3A_188 = tpu.memref_slice %arg9[%mul3A_182] : memref<1280xi32, #tpu.memory_space<vmem>> -> memref<128xi32, #tpu.memory_space<vmem>>
    %dma_wait3A_189 = arith.constant 0 : i32
    %dma_wait3A_190 = arith.constant 0 : i32
    %dma_wait3A_191 = tpu.memref_slice %arg2[%dma_wait3A_189, %dma_wait3A_190] : memref<100000x64xf32, #tpu.memory_space<hbm>> -> memref<100000x64xf32, #tpu.memory_space<hbm>>
    tpu.wait_indirect_dma semaphore(%arg13 : memref<!tpu.dma_semaphore, #tpu.memory_space<semaphore_mem>>) src(%dma_wait3A_191 : memref<100000x64xf32, #tpu.memory_space<hbm>>) dst(%dma_wait3A_187 : memref<128x64xf32, #tpu.memory_space<vmem>>)
    %mul3A_192 = arith.constant 5 : i32
    %mul3A_193 = arith.muli %add3A_117, %mul3A_192 : i32
    "tpu.region"() ({
      %run_scoped3A = tpu.sem_alloc : memref<!tpu.dma_semaphore, #tpu.memory_space<semaphore_mem>>
      %dma_start3A_290 = arith.constant 0 : i32
      %dma_start3A_291 = tpu.memref_slice %arg6[%mul3A_193, %mul3A_2, %dma_start3A_290] : memref<10x4096x64xf32, #tpu.memory_space<hbm>> -> memref<5x128x64xf32, #tpu.memory_space<hbm>>
      %dma_start3A_292 = arith.constant 0 : i32
      %dma_start3A_293 = tpu.memref_slice %arg6[%mul3A_193, %mul3A_2, %dma_start3A_292] : memref<10x4096x64xf32, #tpu.memory_space<hbm>> -> memref<5x128x64xf32, #tpu.memory_space<hbm>>
      tpu.enqueue_dma source(%arg10 : memref<5x128x64xf32, #tpu.memory_space<vmem>>) target(%dma_start3A_293 : memref<5x128x64xf32, #tpu.memory_space<hbm>>) target_semaphore(%run_scoped3A : memref<!tpu.dma_semaphore, #tpu.memory_space<semaphore_mem>>)
      %dma_wait3A_294 = arith.constant 0 : i32
      %dma_wait3A_295 = tpu.memref_slice %arg6[%mul3A_193, %mul3A_2, %dma_wait3A_294] : memref<10x4096x64xf32, #tpu.memory_space<hbm>> -> memref<5x128x64xf32, #tpu.memory_space<hbm>>
      %dma_wait3A_296 = arith.constant 0 : i32
      %dma_wait3A_297 = tpu.memref_slice %arg6[%mul3A_193, %mul3A_2, %dma_wait3A_296] : memref<10x4096x64xf32, #tpu.memory_space<hbm>> -> memref<5x128x64xf32, #tpu.memory_space<hbm>>
      tpu.wait_dma2 semaphore(%run_scoped3A : memref<!tpu.dma_semaphore, #tpu.memory_space<semaphore_mem>>) src(%arg10 : memref<5x128x64xf32, #tpu.memory_space<vmem>>) dst(%dma_wait3A_297 : memref<5x128x64xf32, #tpu.memory_space<hbm>>)
      tpu.yield
    }) : () -> ()
    %add3A_194 = arith.constant 2 : i32
    %add3A_195 = arith.addi %add3A_117, %add3A_194 : i32
    %lt3A = arith.constant 2 : i32
    %lt3A_196 = arith.cmpi slt, %add3A_195, %lt3A : i32
    %convert_element_type3A = arith.extui %lt3A_196 : i1 to i32
    %cond3A = arith.constant 0 : i32
    %cond3A_197 = arith.cmpi ne, %convert_element_type3A, %cond3A : i32
    scf.if %cond3A_197 {
      %add3A_290 = arith.constant 2 : i32
      %add3A_291 = arith.addi %add3A_117, %add3A_290 : i32
      %mul3A_292 = arith.constant 5 : i32
      %mul3A_293 = arith.muli %add3A_291, %mul3A_292 : i32
      %add3A_294 = arith.constant 0 : i32
      %add3A_295 = arith.addi %mul3A_293, %add3A_294 : i32
      %mul3A_296 = arith.constant 128 : i32
      %mul3A_297 = arith.muli %add3A_295, %mul3A_296 : i32
      %dma_start3A_298 = arith.constant 0 : i32
      %dma_start3A_299 = arith.constant 0 : i32
      %dma_start3A_300 = arith.constant 0 : i32
      %dma_start3A_301 = tpu.memref_slice %arg10[%dma_start3A_298, %dma_start3A_299, %dma_start3A_300] : memref<5x128x64xf32, #tpu.memory_space<vmem>> -> memref<1x128x64xf32, #tpu.memory_space<vmem>>
      %dma_start3A_302 = tpu.memref_squeeze %dma_start3A_301 : memref<1x128x64xf32, #tpu.memory_space<vmem>> -> memref<128x64xf32, #tpu.memory_space<vmem>>
      %dma_start3A_303 = tpu.memref_slice %arg9[%mul3A_297] : memref<1280xi32, #tpu.memory_space<vmem>> -> memref<128xi32, #tpu.memory_space<vmem>>
      %dma_start3A_304 = arith.constant 0 : i32
      %dma_start3A_305 = arith.constant 0 : i32
      %dma_start3A_306 = tpu.memref_slice %arg2[%dma_start3A_304, %dma_start3A_305] : memref<100000x64xf32, #tpu.memory_space<hbm>> -> memref<100000x64xf32, #tpu.memory_space<hbm>>
      tpu.enqueue_indirect_dma source(%dma_start3A_306 : memref<100000x64xf32, #tpu.memory_space<hbm>>) target(%dma_start3A_302 : memref<128x64xf32, #tpu.memory_space<vmem>>) offsets(%dma_start3A_303 : memref<128xi32, #tpu.memory_space<vmem>>) semaphore(%arg13 : memref<!tpu.dma_semaphore, #tpu.memory_space<semaphore_mem>>)
      %mul3A_307 = arith.constant 5 : i32
      %mul3A_308 = arith.muli %add3A_291, %mul3A_307 : i32
      %add3A_309 = arith.constant 1 : i32
      %add3A_310 = arith.addi %mul3A_308, %add3A_309 : i32
      %mul3A_311 = arith.constant 128 : i32
      %mul3A_312 = arith.muli %add3A_310, %mul3A_311 : i32
      %dma_start3A_313 = arith.constant 1 : i32
      %dma_start3A_314 = arith.constant 0 : i32
      %dma_start3A_315 = arith.constant 0 : i32
      %dma_start3A_316 = tpu.memref_slice %arg10[%dma_start3A_313, %dma_start3A_314, %dma_start3A_315] : memref<5x128x64xf32, #tpu.memory_space<vmem>> -> memref<1x128x64xf32, #tpu.memory_space<vmem>>
      %dma_start3A_317 = tpu.memref_squeeze %dma_start3A_316 : memref<1x128x64xf32, #tpu.memory_space<vmem>> -> memref<128x64xf32, #tpu.memory_space<vmem>>
      %dma_start3A_318 = tpu.memref_slice %arg9[%mul3A_312] : memref<1280xi32, #tpu.memory_space<vmem>> -> memref<128xi32, #tpu.memory_space<vmem>>
      %dma_start3A_319 = arith.constant 0 : i32
      %dma_start3A_320 = arith.constant 0 : i32
      %dma_start3A_321 = tpu.memref_slice %arg2[%dma_start3A_319, %dma_start3A_320] : memref<100000x64xf32, #tpu.memory_space<hbm>> -> memref<100000x64xf32, #tpu.memory_space<hbm>>
      tpu.enqueue_indirect_dma source(%dma_start3A_321 : memref<100000x64xf32, #tpu.memory_space<hbm>>) target(%dma_start3A_317 : memref<128x64xf32, #tpu.memory_space<vmem>>) offsets(%dma_start3A_318 : memref<128xi32, #tpu.memory_space<vmem>>) semaphore(%arg13 : memref<!tpu.dma_semaphore, #tpu.memory_space<semaphore_mem>>)
      %mul3A_322 = arith.constant 5 : i32
      %mul3A_323 = arith.muli %add3A_291, %mul3A_322 : i32
      %add3A_324 = arith.constant 2 : i32
      %add3A_325 = arith.addi %mul3A_323, %add3A_324 : i32
      %mul3A_326 = arith.constant 128 : i32
      %mul3A_327 = arith.muli %add3A_325, %mul3A_326 : i32
      %dma_start3A_328 = arith.constant 2 : i32
      %dma_start3A_329 = arith.constant 0 : i32
      %dma_start3A_330 = arith.constant 0 : i32
      %dma_start3A_331 = tpu.memref_slice %arg10[%dma_start3A_328, %dma_start3A_329, %dma_start3A_330] : memref<5x128x64xf32, #tpu.memory_space<vmem>> -> memref<1x128x64xf32, #tpu.memory_space<vmem>>
      %dma_start3A_332 = tpu.memref_squeeze %dma_start3A_331 : memref<1x128x64xf32, #tpu.memory_space<vmem>> -> memref<128x64xf32, #tpu.memory_space<vmem>>
      %dma_start3A_333 = tpu.memref_slice %arg9[%mul3A_327] : memref<1280xi32, #tpu.memory_space<vmem>> -> memref<128xi32, #tpu.memory_space<vmem>>
      %dma_start3A_334 = arith.constant 0 : i32
      %dma_start3A_335 = arith.constant 0 : i32
      %dma_start3A_336 = tpu.memref_slice %arg2[%dma_start3A_334, %dma_start3A_335] : memref<100000x64xf32, #tpu.memory_space<hbm>> -> memref<100000x64xf32, #tpu.memory_space<hbm>>
      tpu.enqueue_indirect_dma source(%dma_start3A_336 : memref<100000x64xf32, #tpu.memory_space<hbm>>) target(%dma_start3A_332 : memref<128x64xf32, #tpu.memory_space<vmem>>) offsets(%dma_start3A_333 : memref<128xi32, #tpu.memory_space<vmem>>) semaphore(%arg13 : memref<!tpu.dma_semaphore, #tpu.memory_space<semaphore_mem>>)
      %mul3A_337 = arith.constant 5 : i32
      %mul3A_338 = arith.muli %add3A_291, %mul3A_337 : i32
      %add3A_339 = arith.constant 3 : i32
      %add3A_340 = arith.addi %mul3A_338, %add3A_339 : i32
      %mul3A_341 = arith.constant 128 : i32
      %mul3A_342 = arith.muli %add3A_340, %mul3A_341 : i32
      %dma_start3A_343 = arith.constant 3 : i32
      %dma_start3A_344 = arith.constant 0 : i32
      %dma_start3A_345 = arith.constant 0 : i32
      %dma_start3A_346 = tpu.memref_slice %arg10[%dma_start3A_343, %dma_start3A_344, %dma_start3A_345] : memref<5x128x64xf32, #tpu.memory_space<vmem>> -> memref<1x128x64xf32, #tpu.memory_space<vmem>>
      %dma_start3A_347 = tpu.memref_squeeze %dma_start3A_346 : memref<1x128x64xf32, #tpu.memory_space<vmem>> -> memref<128x64xf32, #tpu.memory_space<vmem>>
      %dma_start3A_348 = tpu.memref_slice %arg9[%mul3A_342] : memref<1280xi32, #tpu.memory_space<vmem>> -> memref<128xi32, #tpu.memory_space<vmem>>
      %dma_start3A_349 = arith.constant 0 : i32
      %dma_start3A_350 = arith.constant 0 : i32
      %dma_start3A_351 = tpu.memref_slice %arg2[%dma_start3A_349, %dma_start3A_350] : memref<100000x64xf32, #tpu.memory_space<hbm>> -> memref<100000x64xf32, #tpu.memory_space<hbm>>
      tpu.enqueue_indirect_dma source(%dma_start3A_351 : memref<100000x64xf32, #tpu.memory_space<hbm>>) target(%dma_start3A_347 : memref<128x64xf32, #tpu.memory_space<vmem>>) offsets(%dma_start3A_348 : memref<128xi32, #tpu.memory_space<vmem>>) semaphore(%arg13 : memref<!tpu.dma_semaphore, #tpu.memory_space<semaphore_mem>>)
      %mul3A_352 = arith.constant 5 : i32
      %mul3A_353 = arith.muli %add3A_291, %mul3A_352 : i32
      %add3A_354 = arith.constant 4 : i32
      %add3A_355 = arith.addi %mul3A_353, %add3A_354 : i32
      %mul3A_356 = arith.constant 128 : i32
      %mul3A_357 = arith.muli %add3A_355, %mul3A_356 : i32
      %dma_start3A_358 = arith.constant 4 : i32
      %dma_start3A_359 = arith.constant 0 : i32
      %dma_start3A_360 = arith.constant 0 : i32
      %dma_start3A_361 = tpu.memref_slice %arg10[%dma_start3A_358, %dma_start3A_359, %dma_start3A_360] : memref<5x128x64xf32, #tpu.memory_space<vmem>> -> memref<1x128x64xf32, #tpu.memory_space<vmem>>
      %dma_start3A_362 = tpu.memref_squeeze %dma_start3A_361 : memref<1x128x64xf32, #tpu.memory_space<vmem>> -> memref<128x64xf32, #tpu.memory_space<vmem>>
      %dma_start3A_363 = tpu.memref_slice %arg9[%mul3A_357] : memref<1280xi32, #tpu.memory_space<vmem>> -> memref<128xi32, #tpu.memory_space<vmem>>
      %dma_start3A_364 = arith.constant 0 : i32
      %dma_start3A_365 = arith.constant 0 : i32
      %dma_start3A_366 = tpu.memref_slice %arg2[%dma_start3A_364, %dma_start3A_365] : memref<100000x64xf32, #tpu.memory_space<hbm>> -> memref<100000x64xf32, #tpu.memory_space<hbm>>
      tpu.enqueue_indirect_dma source(%dma_start3A_366 : memref<100000x64xf32, #tpu.memory_space<hbm>>) target(%dma_start3A_362 : memref<128x64xf32, #tpu.memory_space<vmem>>) offsets(%dma_start3A_363 : memref<128xi32, #tpu.memory_space<vmem>>) semaphore(%arg13 : memref<!tpu.dma_semaphore, #tpu.memory_space<semaphore_mem>>)
    } else {
    }
    %mul3A_198 = arith.constant 2 : i32
    %mul3A_199 = arith.muli %scan3A_113, %mul3A_198 : i32
    %add3A_200 = arith.constant 1 : i32
    %add3A_201 = arith.addi %mul3A_199, %add3A_200 : i32
    %mul3A_202 = arith.constant 5 : i32
    %mul3A_203 = arith.muli %add3A_201, %mul3A_202 : i32
    %add3A_204 = arith.constant 0 : i32
    %add3A_205 = arith.addi %mul3A_203, %add3A_204 : i32
    %mul3A_206 = arith.constant 128 : i32
    %mul3A_207 = arith.muli %add3A_205, %mul3A_206 : i32
    %dma_wait3A_208 = arith.constant 0 : i32
    %dma_wait3A_209 = arith.constant 0 : i32
    %dma_wait3A_210 = arith.constant 0 : i32
    %dma_wait3A_211 = tpu.memref_slice %arg11[%dma_wait3A_208, %dma_wait3A_209, %dma_wait3A_210] : memref<5x128x64xf32, #tpu.memory_space<vmem>> -> memref<1x128x64xf32, #tpu.memory_space<vmem>>
    %dma_wait3A_212 = tpu.memref_squeeze %dma_wait3A_211 : memref<1x128x64xf32, #tpu.memory_space<vmem>> -> memref<128x64xf32, #tpu.memory_space<vmem>>
    %dma_wait3A_213 = tpu.memref_slice %arg9[%mul3A_207] : memref<1280xi32, #tpu.memory_space<vmem>> -> memref<128xi32, #tpu.memory_space<vmem>>
    %dma_wait3A_214 = arith.constant 0 : i32
    %dma_wait3A_215 = arith.constant 0 : i32
    %dma_wait3A_216 = tpu.memref_slice %arg2[%dma_wait3A_214, %dma_wait3A_215] : memref<100000x64xf32, #tpu.memory_space<hbm>> -> memref<100000x64xf32, #tpu.memory_space<hbm>>
    tpu.wait_indirect_dma semaphore(%arg14 : memref<!tpu.dma_semaphore, #tpu.memory_space<semaphore_mem>>) src(%dma_wait3A_216 : memref<100000x64xf32, #tpu.memory_space<hbm>>) dst(%dma_wait3A_212 : memref<128x64xf32, #tpu.memory_space<vmem>>)
    %mul3A_217 = arith.constant 5 : i32
    %mul3A_218 = arith.muli %add3A_201, %mul3A_217 : i32
    %add3A_219 = arith.constant 1 : i32
    %add3A_220 = arith.addi %mul3A_218, %add3A_219 : i32
    %mul3A_221 = arith.constant 128 : i32
    %mul3A_222 = arith.muli %add3A_220, %mul3A_221 : i32
    %dma_wait3A_223 = arith.constant 1 : i32
    %dma_wait3A_224 = arith.constant 0 : i32
    %dma_wait3A_225 = arith.constant 0 : i32
    %dma_wait3A_226 = tpu.memref_slice %arg11[%dma_wait3A_223, %dma_wait3A_224, %dma_wait3A_225] : memref<5x128x64xf32, #tpu.memory_space<vmem>> -> memref<1x128x64xf32, #tpu.memory_space<vmem>>
    %dma_wait3A_227 = tpu.memref_squeeze %dma_wait3A_226 : memref<1x128x64xf32, #tpu.memory_space<vmem>> -> memref<128x64xf32, #tpu.memory_space<vmem>>
    %dma_wait3A_228 = tpu.memref_slice %arg9[%mul3A_222] : memref<1280xi32, #tpu.memory_space<vmem>> -> memref<128xi32, #tpu.memory_space<vmem>>
    %dma_wait3A_229 = arith.constant 0 : i32
    %dma_wait3A_230 = arith.constant 0 : i32
    %dma_wait3A_231 = tpu.memref_slice %arg2[%dma_wait3A_229, %dma_wait3A_230] : memref<100000x64xf32, #tpu.memory_space<hbm>> -> memref<100000x64xf32, #tpu.memory_space<hbm>>
    tpu.wait_indirect_dma semaphore(%arg14 : memref<!tpu.dma_semaphore, #tpu.memory_space<semaphore_mem>>) src(%dma_wait3A_231 : memref<100000x64xf32, #tpu.memory_space<hbm>>) dst(%dma_wait3A_227 : memref<128x64xf32, #tpu.memory_space<vmem>>)
    %mul3A_232 = arith.constant 5 : i32
    %mul3A_233 = arith.muli %add3A_201, %mul3A_232 : i32
    %add3A_234 = arith.constant 2 : i32
    %add3A_235 = arith.addi %mul3A_233, %add3A_234 : i32
    %mul3A_236 = arith.constant 128 : i32
    %mul3A_237 = arith.muli %add3A_235, %mul3A_236 : i32
    %dma_wait3A_238 = arith.constant 2 : i32
    %dma_wait3A_239 = arith.constant 0 : i32
    %dma_wait3A_240 = arith.constant 0 : i32
    %dma_wait3A_241 = tpu.memref_slice %arg11[%dma_wait3A_238, %dma_wait3A_239, %dma_wait3A_240] : memref<5x128x64xf32, #tpu.memory_space<vmem>> -> memref<1x128x64xf32, #tpu.memory_space<vmem>>
    %dma_wait3A_242 = tpu.memref_squeeze %dma_wait3A_241 : memref<1x128x64xf32, #tpu.memory_space<vmem>> -> memref<128x64xf32, #tpu.memory_space<vmem>>
    %dma_wait3A_243 = tpu.memref_slice %arg9[%mul3A_237] : memref<1280xi32, #tpu.memory_space<vmem>> -> memref<128xi32, #tpu.memory_space<vmem>>
    %dma_wait3A_244 = arith.constant 0 : i32
    %dma_wait3A_245 = arith.constant 0 : i32
    %dma_wait3A_246 = tpu.memref_slice %arg2[%dma_wait3A_244, %dma_wait3A_245] : memref<100000x64xf32, #tpu.memory_space<hbm>> -> memref<100000x64xf32, #tpu.memory_space<hbm>>
    tpu.wait_indirect_dma semaphore(%arg14 : memref<!tpu.dma_semaphore, #tpu.memory_space<semaphore_mem>>) src(%dma_wait3A_246 : memref<100000x64xf32, #tpu.memory_space<hbm>>) dst(%dma_wait3A_242 : memref<128x64xf32, #tpu.memory_space<vmem>>)
    %mul3A_247 = arith.constant 5 : i32
    %mul3A_248 = arith.muli %add3A_201, %mul3A_247 : i32
    %add3A_249 = arith.constant 3 : i32
    %add3A_250 = arith.addi %mul3A_248, %add3A_249 : i32
    %mul3A_251 = arith.constant 128 : i32
    %mul3A_252 = arith.muli %add3A_250, %mul3A_251 : i32
    %dma_wait3A_253 = arith.constant 3 : i32
    %dma_wait3A_254 = arith.constant 0 : i32
    %dma_wait3A_255 = arith.constant 0 : i32
    %dma_wait3A_256 = tpu.memref_slice %arg11[%dma_wait3A_253, %dma_wait3A_254, %dma_wait3A_255] : memref<5x128x64xf32, #tpu.memory_space<vmem>> -> memref<1x128x64xf32, #tpu.memory_space<vmem>>
    %dma_wait3A_257 = tpu.memref_squeeze %dma_wait3A_256 : memref<1x128x64xf32, #tpu.memory_space<vmem>> -> memref<128x64xf32, #tpu.memory_space<vmem>>
    %dma_wait3A_258 = tpu.memref_slice %arg9[%mul3A_252] : memref<1280xi32, #tpu.memory_space<vmem>> -> memref<128xi32, #tpu.memory_space<vmem>>
    %dma_wait3A_259 = arith.constant 0 : i32
    %dma_wait3A_260 = arith.constant 0 : i32
    %dma_wait3A_261 = tpu.memref_slice %arg2[%dma_wait3A_259, %dma_wait3A_260] : memref<100000x64xf32, #tpu.memory_space<hbm>> -> memref<100000x64xf32, #tpu.memory_space<hbm>>
    tpu.wait_indirect_dma semaphore(%arg14 : memref<!tpu.dma_semaphore, #tpu.memory_space<semaphore_mem>>) src(%dma_wait3A_261 : memref<100000x64xf32, #tpu.memory_space<hbm>>) dst(%dma_wait3A_257 : memref<128x64xf32, #tpu.memory_space<vmem>>)
    %mul3A_262 = arith.constant 5 : i32
    %mul3A_263 = arith.muli %add3A_201, %mul3A_262 : i32
    %add3A_264 = arith.constant 4 : i32
    %add3A_265 = arith.addi %mul3A_263, %add3A_264 : i32
    %mul3A_266 = arith.constant 128 : i32
    %mul3A_267 = arith.muli %add3A_265, %mul3A_266 : i32
    %dma_wait3A_268 = arith.constant 4 : i32
    %dma_wait3A_269 = arith.constant 0 : i32
    %dma_wait3A_270 = arith.constant 0 : i32
    %dma_wait3A_271 = tpu.memref_slice %arg11[%dma_wait3A_268, %dma_wait3A_269, %dma_wait3A_270] : memref<5x128x64xf32, #tpu.memory_space<vmem>> -> memref<1x128x64xf32, #tpu.memory_space<vmem>>
    %dma_wait3A_272 = tpu.memref_squeeze %dma_wait3A_271 : memref<1x128x64xf32, #tpu.memory_space<vmem>> -> memref<128x64xf32, #tpu.memory_space<vmem>>
    %dma_wait3A_273 = tpu.memref_slice %arg9[%mul3A_267] : memref<1280xi32, #tpu.memory_space<vmem>> -> memref<128xi32, #tpu.memory_space<vmem>>
    %dma_wait3A_274 = arith.constant 0 : i32
    %dma_wait3A_275 = arith.constant 0 : i32
    %dma_wait3A_276 = tpu.memref_slice %arg2[%dma_wait3A_274, %dma_wait3A_275] : memref<100000x64xf32, #tpu.memory_space<hbm>> -> memref<100000x64xf32, #tpu.memory_space<hbm>>
    tpu.wait_indirect_dma semaphore(%arg14 : memref<!tpu.dma_semaphore, #tpu.memory_space<semaphore_mem>>) src(%dma_wait3A_276 : memref<100000x64xf32, #tpu.memory_space<hbm>>) dst(%dma_wait3A_272 : memref<128x64xf32, #tpu.memory_space<vmem>>)
    %mul3A_277 = arith.constant 5 : i32
    %mul3A_278 = arith.muli %add3A_201, %mul3A_277 : i32
    "tpu.region"() ({
      %run_scoped3A = tpu.sem_alloc : memref<!tpu.dma_semaphore, #tpu.memory_space<semaphore_mem>>
      %dma_start3A_290 = arith.constant 0 : i32
      %dma_start3A_291 = tpu.memref_slice %arg6[%mul3A_278, %mul3A_2, %dma_start3A_290] : memref<10x4096x64xf32, #tpu.memory_space<hbm>> -> memref<5x128x64xf32, #tpu.memory_space<hbm>>
      %dma_start3A_292 = arith.constant 0 : i32
      %dma_start3A_293 = tpu.memref_slice %arg6[%mul3A_278, %mul3A_2, %dma_start3A_292] : memref<10x4096x64xf32, #tpu.memory_space<hbm>> -> memref<5x128x64xf32, #tpu.memory_space<hbm>>
      tpu.enqueue_dma source(%arg11 : memref<5x128x64xf32, #tpu.memory_space<vmem>>) target(%dma_start3A_293 : memref<5x128x64xf32, #tpu.memory_space<hbm>>) target_semaphore(%run_scoped3A : memref<!tpu.dma_semaphore, #tpu.memory_space<semaphore_mem>>)
      %dma_wait3A_294 = arith.constant 0 : i32
      %dma_wait3A_295 = tpu.memref_slice %arg6[%mul3A_278, %mul3A_2, %dma_wait3A_294] : memref<10x4096x64xf32, #tpu.memory_space<hbm>> -> memref<5x128x64xf32, #tpu.memory_space<hbm>>
      %dma_wait3A_296 = arith.constant 0 : i32
      %dma_wait3A_297 = tpu.memref_slice %arg6[%mul3A_278, %mul3A_2, %dma_wait3A_296] : memref<10x4096x64xf32, #tpu.memory_space<hbm>> -> memref<5x128x64xf32, #tpu.memory_space<hbm>>
      tpu.wait_dma2 semaphore(%run_scoped3A : memref<!tpu.dma_semaphore, #tpu.memory_space<semaphore_mem>>) src(%arg11 : memref<5x128x64xf32, #tpu.memory_space<vmem>>) dst(%dma_wait3A_297 : memref<5x128x64xf32, #tpu.memory_space<hbm>>)
      tpu.yield
    }) : () -> ()
    %add3A_279 = arith.constant 2 : i32
    %add3A_280 = arith.addi %add3A_201, %add3A_279 : i32
    %lt3A_281 = arith.constant 2 : i32
    %lt3A_282 = arith.cmpi slt, %add3A_280, %lt3A_281 : i32
    %convert_element_type3A_283 = arith.extui %lt3A_282 : i1 to i32
    %cond3A_284 = arith.constant 0 : i32
    %cond3A_285 = arith.cmpi ne, %convert_element_type3A_283, %cond3A_284 : i32
    scf.if %cond3A_285 {
      %add3A_290 = arith.constant 2 : i32
      %add3A_291 = arith.addi %add3A_201, %add3A_290 : i32
      %mul3A_292 = arith.constant 5 : i32
      %mul3A_293 = arith.muli %add3A_291, %mul3A_292 : i32
      %add3A_294 = arith.constant 0 : i32
      %add3A_295 = arith.addi %mul3A_293, %add3A_294 : i32
      %mul3A_296 = arith.constant 128 : i32
      %mul3A_297 = arith.muli %add3A_295, %mul3A_296 : i32
      %dma_start3A_298 = arith.constant 0 : i32
      %dma_start3A_299 = arith.constant 0 : i32
      %dma_start3A_300 = arith.constant 0 : i32
      %dma_start3A_301 = tpu.memref_slice %arg11[%dma_start3A_298, %dma_start3A_299, %dma_start3A_300] : memref<5x128x64xf32, #tpu.memory_space<vmem>> -> memref<1x128x64xf32, #tpu.memory_space<vmem>>
      %dma_start3A_302 = tpu.memref_squeeze %dma_start3A_301 : memref<1x128x64xf32, #tpu.memory_space<vmem>> -> memref<128x64xf32, #tpu.memory_space<vmem>>
      %dma_start3A_303 = tpu.memref_slice %arg9[%mul3A_297] : memref<1280xi32, #tpu.memory_space<vmem>> -> memref<128xi32, #tpu.memory_space<vmem>>
      %dma_start3A_304 = arith.constant 0 : i32
      %dma_start3A_305 = arith.constant 0 : i32
      %dma_start3A_306 = tpu.memref_slice %arg2[%dma_start3A_304, %dma_start3A_305] : memref<100000x64xf32, #tpu.memory_space<hbm>> -> memref<100000x64xf32, #tpu.memory_space<hbm>>
      tpu.enqueue_indirect_dma source(%dma_start3A_306 : memref<100000x64xf32, #tpu.memory_space<hbm>>) target(%dma_start3A_302 : memref<128x64xf32, #tpu.memory_space<vmem>>) offsets(%dma_start3A_303 : memref<128xi32, #tpu.memory_space<vmem>>) semaphore(%arg14 : memref<!tpu.dma_semaphore, #tpu.memory_space<semaphore_mem>>)
      %mul3A_307 = arith.constant 5 : i32
      %mul3A_308 = arith.muli %add3A_291, %mul3A_307 : i32
      %add3A_309 = arith.constant 1 : i32
      %add3A_310 = arith.addi %mul3A_308, %add3A_309 : i32
      %mul3A_311 = arith.constant 128 : i32
      %mul3A_312 = arith.muli %add3A_310, %mul3A_311 : i32
      %dma_start3A_313 = arith.constant 1 : i32
      %dma_start3A_314 = arith.constant 0 : i32
      %dma_start3A_315 = arith.constant 0 : i32
      %dma_start3A_316 = tpu.memref_slice %arg11[%dma_start3A_313, %dma_start3A_314, %dma_start3A_315] : memref<5x128x64xf32, #tpu.memory_space<vmem>> -> memref<1x128x64xf32, #tpu.memory_space<vmem>>
      %dma_start3A_317 = tpu.memref_squeeze %dma_start3A_316 : memref<1x128x64xf32, #tpu.memory_space<vmem>> -> memref<128x64xf32, #tpu.memory_space<vmem>>
      %dma_start3A_318 = tpu.memref_slice %arg9[%mul3A_312] : memref<1280xi32, #tpu.memory_space<vmem>> -> memref<128xi32, #tpu.memory_space<vmem>>
      %dma_start3A_319 = arith.constant 0 : i32
      %dma_start3A_320 = arith.constant 0 : i32
      %dma_start3A_321 = tpu.memref_slice %arg2[%dma_start3A_319, %dma_start3A_320] : memref<100000x64xf32, #tpu.memory_space<hbm>> -> memref<100000x64xf32, #tpu.memory_space<hbm>>
      tpu.enqueue_indirect_dma source(%dma_start3A_321 : memref<100000x64xf32, #tpu.memory_space<hbm>>) target(%dma_start3A_317 : memref<128x64xf32, #tpu.memory_space<vmem>>) offsets(%dma_start3A_318 : memref<128xi32, #tpu.memory_space<vmem>>) semaphore(%arg14 : memref<!tpu.dma_semaphore, #tpu.memory_space<semaphore_mem>>)
      %mul3A_322 = arith.constant 5 : i32
      %mul3A_323 = arith.muli %add3A_291, %mul3A_322 : i32
      %add3A_324 = arith.constant 2 : i32
      %add3A_325 = arith.addi %mul3A_323, %add3A_324 : i32
      %mul3A_326 = arith.constant 128 : i32
      %mul3A_327 = arith.muli %add3A_325, %mul3A_326 : i32
      %dma_start3A_328 = arith.constant 2 : i32
      %dma_start3A_329 = arith.constant 0 : i32
      %dma_start3A_330 = arith.constant 0 : i32
      %dma_start3A_331 = tpu.memref_slice %arg11[%dma_start3A_328, %dma_start3A_329, %dma_start3A_330] : memref<5x128x64xf32, #tpu.memory_space<vmem>> -> memref<1x128x64xf32, #tpu.memory_space<vmem>>
      %dma_start3A_332 = tpu.memref_squeeze %dma_start3A_331 : memref<1x128x64xf32, #tpu.memory_space<vmem>> -> memref<128x64xf32, #tpu.memory_space<vmem>>
      %dma_start3A_333 = tpu.memref_slice %arg9[%mul3A_327] : memref<1280xi32, #tpu.memory_space<vmem>> -> memref<128xi32, #tpu.memory_space<vmem>>
      %dma_start3A_334 = arith.constant 0 : i32
      %dma_start3A_335 = arith.constant 0 : i32
      %dma_start3A_336 = tpu.memref_slice %arg2[%dma_start3A_334, %dma_start3A_335] : memref<100000x64xf32, #tpu.memory_space<hbm>> -> memref<100000x64xf32, #tpu.memory_space<hbm>>
      tpu.enqueue_indirect_dma source(%dma_start3A_336 : memref<100000x64xf32, #tpu.memory_space<hbm>>) target(%dma_start3A_332 : memref<128x64xf32, #tpu.memory_space<vmem>>) offsets(%dma_start3A_333 : memref<128xi32, #tpu.memory_space<vmem>>) semaphore(%arg14 : memref<!tpu.dma_semaphore, #tpu.memory_space<semaphore_mem>>)
      %mul3A_337 = arith.constant 5 : i32
      %mul3A_338 = arith.muli %add3A_291, %mul3A_337 : i32
      %add3A_339 = arith.constant 3 : i32
      %add3A_340 = arith.addi %mul3A_338, %add3A_339 : i32
      %mul3A_341 = arith.constant 128 : i32
      %mul3A_342 = arith.muli %add3A_340, %mul3A_341 : i32
      %dma_start3A_343 = arith.constant 3 : i32
      %dma_start3A_344 = arith.constant 0 : i32
      %dma_start3A_345 = arith.constant 0 : i32
      %dma_start3A_346 = tpu.memref_slice %arg11[%dma_start3A_343, %dma_start3A_344, %dma_start3A_345] : memref<5x128x64xf32, #tpu.memory_space<vmem>> -> memref<1x128x64xf32, #tpu.memory_space<vmem>>
      %dma_start3A_347 = tpu.memref_squeeze %dma_start3A_346 : memref<1x128x64xf32, #tpu.memory_space<vmem>> -> memref<128x64xf32, #tpu.memory_space<vmem>>
      %dma_start3A_348 = tpu.memref_slice %arg9[%mul3A_342] : memref<1280xi32, #tpu.memory_space<vmem>> -> memref<128xi32, #tpu.memory_space<vmem>>
      %dma_start3A_349 = arith.constant 0 : i32
      %dma_start3A_350 = arith.constant 0 : i32
      %dma_start3A_351 = tpu.memref_slice %arg2[%dma_start3A_349, %dma_start3A_350] : memref<100000x64xf32, #tpu.memory_space<hbm>> -> memref<100000x64xf32, #tpu.memory_space<hbm>>
      tpu.enqueue_indirect_dma source(%dma_start3A_351 : memref<100000x64xf32, #tpu.memory_space<hbm>>) target(%dma_start3A_347 : memref<128x64xf32, #tpu.memory_space<vmem>>) offsets(%dma_start3A_348 : memref<128xi32, #tpu.memory_space<vmem>>) semaphore(%arg14 : memref<!tpu.dma_semaphore, #tpu.memory_space<semaphore_mem>>)
      %mul3A_352 = arith.constant 5 : i32
      %mul3A_353 = arith.muli %add3A_291, %mul3A_352 : i32
      %add3A_354 = arith.constant 4 : i32
      %add3A_355 = arith.addi %mul3A_353, %add3A_354 : i32
      %mul3A_356 = arith.constant 128 : i32
      %mul3A_357 = arith.muli %add3A_355, %mul3A_356 : i32
      %dma_start3A_358 = arith.constant 4 : i32
      %dma_start3A_359 = arith.constant 0 : i32
      %dma_start3A_360 = arith.constant 0 : i32
      %dma_start3A_361 = tpu.memref_slice %arg11[%dma_start3A_358, %dma_start3A_359, %dma_start3A_360] : memref<5x128x64xf32, #tpu.memory_space<vmem>> -> memref<1x128x64xf32, #tpu.memory_space<vmem>>
      %dma_start3A_362 = tpu.memref_squeeze %dma_start3A_361 : memref<1x128x64xf32, #tpu.memory_space<vmem>> -> memref<128x64xf32, #tpu.memory_space<vmem>>
      %dma_start3A_363 = tpu.memref_slice %arg9[%mul3A_357] : memref<1280xi32, #tpu.memory_space<vmem>> -> memref<128xi32, #tpu.memory_space<vmem>>
      %dma_start3A_364 = arith.constant 0 : i32
      %dma_start3A_365 = arith.constant 0 : i32
      %dma_start3A_366 = tpu.memref_slice %arg2[%dma_start3A_364, %dma_start3A_365] : memref<100000x64xf32, #tpu.memory_space<hbm>> -> memref<100000x64xf32, #tpu.memory_space<hbm>>
      tpu.enqueue_indirect_dma source(%dma_start3A_366 : memref<100000x64xf32, #tpu.memory_space<hbm>>) target(%dma_start3A_362 : memref<128x64xf32, #tpu.memory_space<vmem>>) offsets(%dma_start3A_363 : memref<128xi32, #tpu.memory_space<vmem>>) semaphore(%arg14 : memref<!tpu.dma_semaphore, #tpu.memory_space<semaphore_mem>>)
    } else {
    }
    %scan3A_286 = arith.constant 1 : i32
    %dma_wait3A_287 = arith.constant 0 : i32
    %dma_wait3A_288 = arith.constant 0 : i32
    %dma_wait3A_289 = tpu.memref_slice %arg2[%dma_wait3A_287, %dma_wait3A_288] : memref<100000x64xf32, #tpu.memory_space<hbm>> -> memref<100000x64xf32, #tpu.memory_space<hbm>>
    tpu.wait_indirect_dma semaphore(%arg15 : memref<!tpu.dma_semaphore, #tpu.memory_space<semaphore_mem>>) src(%dma_wait3A_289 : memref<100000x64xf32, #tpu.memory_space<hbm>>) dst(%arg12 : memref<128x64xf32, #tpu.memory_space<vmem>>)
    "tpu.region"() ({
      %run_scoped3A = tpu.sem_alloc : memref<!tpu.dma_semaphore, #tpu.memory_space<semaphore_mem>>
      %dma_start3A_290 = arith.constant 0 : i32
      %dma_start3A_291 = tpu.memref_slice %arg5[%mul3A_2, %dma_start3A_290] : memref<4096x64xf32, #tpu.memory_space<hbm>> -> memref<128x64xf32, #tpu.memory_space<hbm>>
      %dma_start3A_292 = arith.constant 0 : i32
      %dma_start3A_293 = tpu.memref_slice %arg5[%mul3A_2, %dma_start3A_292] : memref<4096x64xf32, #tpu.memory_space<hbm>> -> memref<128x64xf32, #tpu.memory_space<hbm>>
      tpu.enqueue_dma source(%arg12 : memref<128x64xf32, #tpu.memory_space<vmem>>) target(%dma_start3A_293 : memref<128x64xf32, #tpu.memory_space<hbm>>) target_semaphore(%run_scoped3A : memref<!tpu.dma_semaphore, #tpu.memory_space<semaphore_mem>>)
      %dma_wait3A_294 = arith.constant 0 : i32
      %dma_wait3A_295 = tpu.memref_slice %arg5[%mul3A_2, %dma_wait3A_294] : memref<4096x64xf32, #tpu.memory_space<hbm>> -> memref<128x64xf32, #tpu.memory_space<hbm>>
      %dma_wait3A_296 = arith.constant 0 : i32
      %dma_wait3A_297 = tpu.memref_slice %arg5[%mul3A_2, %dma_wait3A_296] : memref<4096x64xf32, #tpu.memory_space<hbm>> -> memref<128x64xf32, #tpu.memory_space<hbm>>
      tpu.wait_dma2 semaphore(%run_scoped3A : memref<!tpu.dma_semaphore, #tpu.memory_space<semaphore_mem>>) src(%arg12 : memref<128x64xf32, #tpu.memory_space<vmem>>) dst(%dma_wait3A_297 : memref<128x64xf32, #tpu.memory_space<hbm>>)
      tpu.yield
    }) : () -> ()
    return
  }
}

#map = affine_map<(d0, d1) -> (0, 0)>
#map1 = affine_map<(d0, d1) -> (0)>
#map2 = affine_map<(d0, d1) -> (0, 0, 0)>
module attributes {stable_mosaic.version = 14 : i64} {
  func.func @sc(%arg0: i32, %arg1: i32, %arg2: memref<100000x64xf32, #tpu.memory_space<hbm>>, %arg3: memref<4096xi32, #tpu.memory_space<hbm>>, %arg4: memref<204800xi32, #tpu.memory_space<hbm>>, %arg5: memref<4096x64xf32, #tpu.memory_space<hbm>>, %arg6: memref<50x4096x64xf32, #tpu.memory_space<hbm>>, %arg7: memref<6400xi32, #tpu.memory_space<vmem>>, %arg8: memref<128xi32, #tpu.memory_space<vmem>>, %arg9: memref<6400xi32, #tpu.memory_space<vmem>>, %arg10: memref<5x128x64xf32, #tpu.memory_space<vmem>>, %arg11: memref<5x128x64xf32, #tpu.memory_space<vmem>>, %arg12: memref<128x64xf32, #tpu.memory_space<vmem>>, %arg13: memref<!tpu.dma_semaphore, #tpu.memory_space<semaphore_mem>>, %arg14: memref<!tpu.dma_semaphore, #tpu.memory_space<semaphore_mem>>, %arg15: memref<!tpu.dma_semaphore, #tpu.memory_space<semaphore_mem>>) attributes {dimension_semantics = [#tpu.dimension_semantics<core_parallel>, #tpu.dimension_semantics<subcore_parallel>], iteration_bounds = array<i64: 2, 16>, scalar_prefetch = 0 : i64, scratch_operands = 9 : i64, tpu.core_type = #tpu.core_type<sc_vector_subcore>, window_params = [{transform_indices = #map}, {transform_indices = #map1}, {transform_indices = #map1}, {transform_indices = #map}, {transform_indices = #map2}]} {
    %mul3A = arith.constant 2 : i32
    %mul3A_0 = arith.muli %arg1, %mul3A : i32
    %add3A = arith.addi %mul3A_0, %arg0 : i32
    %mul3A_1 = arith.constant 128 : i32
    %mul3A_2 = arith.muli %add3A, %mul3A_1 : i32
    "tpu.region"() ({
      %run_scoped3A = tpu.sem_alloc : memref<!tpu.dma_semaphore, #tpu.memory_space<semaphore_mem>>
      %dma_start3A_120 = tpu.memref_slice %arg3[%mul3A_2] : memref<4096xi32, #tpu.memory_space<hbm>> -> memref<128xi32, #tpu.memory_space<hbm>>
      %dma_start3A_121 = tpu.memref_slice %arg3[%mul3A_2] : memref<4096xi32, #tpu.memory_space<hbm>> -> memref<128xi32, #tpu.memory_space<hbm>>
      tpu.enqueue_dma source(%dma_start3A_121 : memref<128xi32, #tpu.memory_space<hbm>>) target(%arg8 : memref<128xi32, #tpu.memory_space<vmem>>) target_semaphore(%run_scoped3A : memref<!tpu.dma_semaphore, #tpu.memory_space<semaphore_mem>>)
      %dma_wait3A_122 = tpu.memref_slice %arg3[%mul3A_2] : memref<4096xi32, #tpu.memory_space<hbm>> -> memref<128xi32, #tpu.memory_space<hbm>>
      %dma_wait3A_123 = tpu.memref_slice %arg3[%mul3A_2] : memref<4096xi32, #tpu.memory_space<hbm>> -> memref<128xi32, #tpu.memory_space<hbm>>
      tpu.wait_dma2 semaphore(%run_scoped3A : memref<!tpu.dma_semaphore, #tpu.memory_space<semaphore_mem>>) src(%dma_wait3A_123 : memref<128xi32, #tpu.memory_space<hbm>>) dst(%arg8 : memref<128xi32, #tpu.memory_space<vmem>>)
      tpu.yield
    }) : () -> ()
    %mul3A_3 = arith.constant 50 : i32
    %mul3A_4 = arith.muli %mul3A_2, %mul3A_3 : i32
    "tpu.region"() ({
      %run_scoped3A = tpu.sem_alloc : memref<!tpu.dma_semaphore, #tpu.memory_space<semaphore_mem>>
      %dma_start3A_120 = tpu.memref_slice %arg4[%mul3A_4] : memref<204800xi32, #tpu.memory_space<hbm>> -> memref<6400xi32, #tpu.memory_space<hbm>>
      %dma_start3A_121 = tpu.memref_slice %arg4[%mul3A_4] : memref<204800xi32, #tpu.memory_space<hbm>> -> memref<6400xi32, #tpu.memory_space<hbm>>
      tpu.enqueue_dma source(%dma_start3A_121 : memref<6400xi32, #tpu.memory_space<hbm>>) target(%arg7 : memref<6400xi32, #tpu.memory_space<vmem>>) target_semaphore(%run_scoped3A : memref<!tpu.dma_semaphore, #tpu.memory_space<semaphore_mem>>)
      %dma_wait3A_122 = tpu.memref_slice %arg4[%mul3A_4] : memref<204800xi32, #tpu.memory_space<hbm>> -> memref<6400xi32, #tpu.memory_space<hbm>>
      %dma_wait3A_123 = tpu.memref_slice %arg4[%mul3A_4] : memref<204800xi32, #tpu.memory_space<hbm>> -> memref<6400xi32, #tpu.memory_space<hbm>>
      tpu.wait_dma2 semaphore(%run_scoped3A : memref<!tpu.dma_semaphore, #tpu.memory_space<semaphore_mem>>) src(%dma_wait3A_123 : memref<6400xi32, #tpu.memory_space<hbm>>) dst(%arg7 : memref<6400xi32, #tpu.memory_space<vmem>>)
      tpu.yield
    }) : () -> ()
    %dma_start3A = arith.constant 0 : i32
    %dma_start3A_5 = arith.constant 0 : i32
    %dma_start3A_6 = tpu.memref_slice %arg2[%dma_start3A, %dma_start3A_5] : memref<100000x64xf32, #tpu.memory_space<hbm>> -> memref<100000x64xf32, #tpu.memory_space<hbm>>
    tpu.enqueue_indirect_dma source(%dma_start3A_6 : memref<100000x64xf32, #tpu.memory_space<hbm>>) target(%arg12 : memref<128x64xf32, #tpu.memory_space<vmem>>) offsets(%arg8 : memref<128xi32, #tpu.memory_space<vmem>>) semaphore(%arg15 : memref<!tpu.dma_semaphore, #tpu.memory_space<semaphore_mem>>)
    %iota3A = tpu.iota {dimensions = array<i32: 0>} : vector<16xi32>
    %scan3A = arith.constant 0 : i32
    %scan3A_7 = arith.constant 0 : i32
    %scan3A_8 = arith.constant 50 : i32
    %scan3A_9 = arith.addi %scan3A_7, %scan3A_8 : i32
    %scan3A_10 = arith.constant 1 : i32
    scf.for %scan3A_120 = %scan3A_7 to %scan3A_9 step %scan3A_10  : i32 {
      %add3A_121 = arith.constant 0 : i32
      %add3A_122 = vector.broadcast %add3A_121 : i32 to vector<16xi32>
      %add3A_123 = arith.addi %iota3A, %add3A_122 : vector<16xi32>
      %mul3A_124 = arith.constant 50 : i32
      %mul3A_125 = vector.broadcast %mul3A_124 : i32 to vector<16xi32>
      %mul3A_126 = arith.muli %add3A_123, %mul3A_125 : vector<16xi32>
      %add3A_127 = vector.broadcast %scan3A_120 : i32 to vector<16xi32>
      %add3A_128 = arith.addi %mul3A_126, %add3A_127 : vector<16xi32>
      %gather3A = tpu.vector_load_idx %arg7[%add3A_128] : memref<6400xi32, #tpu.memory_space<vmem>>[vector<16xi32>], vector<16xi32>,
      %mul3A_129 = arith.constant 128 : i32
      %mul3A_130 = arith.muli %scan3A_120, %mul3A_129 : i32
      %add3A_131 = arith.constant 0 : i32
      %add3A_132 = arith.addi %mul3A_130, %add3A_131 : i32
      %swap3A = arith.index_cast %add3A_132 : i32 to index
      %swap3A_133 = tpu.vector_load %arg9[%swap3A] {strides = array<i32>} : memref<6400xi32, #tpu.memory_space<vmem>>, vector<16xi32>,
      tpu.vector_store %arg9[%swap3A], %gather3A {strides = array<i32>} : memref<6400xi32, #tpu.memory_space<vmem>>, vector<16xi32>,
      %add3A_134 = arith.constant 16 : i32
      %add3A_135 = vector.broadcast %add3A_134 : i32 to vector<16xi32>
      %add3A_136 = arith.addi %iota3A, %add3A_135 : vector<16xi32>
      %mul3A_137 = arith.constant 50 : i32
      %mul3A_138 = vector.broadcast %mul3A_137 : i32 to vector<16xi32>
      %mul3A_139 = arith.muli %add3A_136, %mul3A_138 : vector<16xi32>
      %add3A_140 = vector.broadcast %scan3A_120 : i32 to vector<16xi32>
      %add3A_141 = arith.addi %mul3A_139, %add3A_140 : vector<16xi32>
      %gather3A_142 = tpu.vector_load_idx %arg7[%add3A_141] : memref<6400xi32, #tpu.memory_space<vmem>>[vector<16xi32>], vector<16xi32>,
      %mul3A_143 = arith.constant 128 : i32
      %mul3A_144 = arith.muli %scan3A_120, %mul3A_143 : i32
      %add3A_145 = arith.constant 16 : i32
      %add3A_146 = arith.addi %mul3A_144, %add3A_145 : i32
      %swap3A_147 = arith.index_cast %add3A_146 : i32 to index
      %swap3A_148 = tpu.vector_load %arg9[%swap3A_147] {strides = array<i32>} : memref<6400xi32, #tpu.memory_space<vmem>>, vector<16xi32>,
      tpu.vector_store %arg9[%swap3A_147], %gather3A_142 {strides = array<i32>} : memref<6400xi32, #tpu.memory_space<vmem>>, vector<16xi32>,
      %add3A_149 = arith.constant 32 : i32
      %add3A_150 = vector.broadcast %add3A_149 : i32 to vector<16xi32>
      %add3A_151 = arith.addi %iota3A, %add3A_150 : vector<16xi32>
      %mul3A_152 = arith.constant 50 : i32
      %mul3A_153 = vector.broadcast %mul3A_152 : i32 to vector<16xi32>
      %mul3A_154 = arith.muli %add3A_151, %mul3A_153 : vector<16xi32>
      %add3A_155 = vector.broadcast %scan3A_120 : i32 to vector<16xi32>
      %add3A_156 = arith.addi %mul3A_154, %add3A_155 : vector<16xi32>
      %gather3A_157 = tpu.vector_load_idx %arg7[%add3A_156] : memref<6400xi32, #tpu.memory_space<vmem>>[vector<16xi32>], vector<16xi32>,
      %mul3A_158 = arith.constant 128 : i32
      %mul3A_159 = arith.muli %scan3A_120, %mul3A_158 : i32
      %add3A_160 = arith.constant 32 : i32
      %add3A_161 = arith.addi %mul3A_159, %add3A_160 : i32
      %swap3A_162 = arith.index_cast %add3A_161 : i32 to index
      %swap3A_163 = tpu.vector_load %arg9[%swap3A_162] {strides = array<i32>} : memref<6400xi32, #tpu.memory_space<vmem>>, vector<16xi32>,
      tpu.vector_store %arg9[%swap3A_162], %gather3A_157 {strides = array<i32>} : memref<6400xi32, #tpu.memory_space<vmem>>, vector<16xi32>,
      %add3A_164 = arith.constant 48 : i32
      %add3A_165 = vector.broadcast %add3A_164 : i32 to vector<16xi32>
      %add3A_166 = arith.addi %iota3A, %add3A_165 : vector<16xi32>
      %mul3A_167 = arith.constant 50 : i32
      %mul3A_168 = vector.broadcast %mul3A_167 : i32 to vector<16xi32>
      %mul3A_169 = arith.muli %add3A_166, %mul3A_168 : vector<16xi32>
      %add3A_170 = vector.broadcast %scan3A_120 : i32 to vector<16xi32>
      %add3A_171 = arith.addi %mul3A_169, %add3A_170 : vector<16xi32>
      %gather3A_172 = tpu.vector_load_idx %arg7[%add3A_171] : memref<6400xi32, #tpu.memory_space<vmem>>[vector<16xi32>], vector<16xi32>,
      %mul3A_173 = arith.constant 128 : i32
      %mul3A_174 = arith.muli %scan3A_120, %mul3A_173 : i32
      %add3A_175 = arith.constant 48 : i32
      %add3A_176 = arith.addi %mul3A_174, %add3A_175 : i32
      %swap3A_177 = arith.index_cast %add3A_176 : i32 to index
      %swap3A_178 = tpu.vector_load %arg9[%swap3A_177] {strides = array<i32>} : memref<6400xi32, #tpu.memory_space<vmem>>, vector<16xi32>,
      tpu.vector_store %arg9[%swap3A_177], %gather3A_172 {strides = array<i32>} : memref<6400xi32, #tpu.memory_space<vmem>>, vector<16xi32>,
      %add3A_179 = arith.constant 64 : i32
      %add3A_180 = vector.broadcast %add3A_179 : i32 to vector<16xi32>
      %add3A_181 = arith.addi %iota3A, %add3A_180 : vector<16xi32>
      %mul3A_182 = arith.constant 50 : i32
      %mul3A_183 = vector.broadcast %mul3A_182 : i32 to vector<16xi32>
      %mul3A_184 = arith.muli %add3A_181, %mul3A_183 : vector<16xi32>
      %add3A_185 = vector.broadcast %scan3A_120 : i32 to vector<16xi32>
      %add3A_186 = arith.addi %mul3A_184, %add3A_185 : vector<16xi32>
      %gather3A_187 = tpu.vector_load_idx %arg7[%add3A_186] : memref<6400xi32, #tpu.memory_space<vmem>>[vector<16xi32>], vector<16xi32>,
      %mul3A_188 = arith.constant 128 : i32
      %mul3A_189 = arith.muli %scan3A_120, %mul3A_188 : i32
      %add3A_190 = arith.constant 64 : i32
      %add3A_191 = arith.addi %mul3A_189, %add3A_190 : i32
      %swap3A_192 = arith.index_cast %add3A_191 : i32 to index
      %swap3A_193 = tpu.vector_load %arg9[%swap3A_192] {strides = array<i32>} : memref<6400xi32, #tpu.memory_space<vmem>>, vector<16xi32>,
      tpu.vector_store %arg9[%swap3A_192], %gather3A_187 {strides = array<i32>} : memref<6400xi32, #tpu.memory_space<vmem>>, vector<16xi32>,
      %add3A_194 = arith.constant 80 : i32
      %add3A_195 = vector.broadcast %add3A_194 : i32 to vector<16xi32>
      %add3A_196 = arith.addi %iota3A, %add3A_195 : vector<16xi32>
      %mul3A_197 = arith.constant 50 : i32
      %mul3A_198 = vector.broadcast %mul3A_197 : i32 to vector<16xi32>
      %mul3A_199 = arith.muli %add3A_196, %mul3A_198 : vector<16xi32>
      %add3A_200 = vector.broadcast %scan3A_120 : i32 to vector<16xi32>
      %add3A_201 = arith.addi %mul3A_199, %add3A_200 : vector<16xi32>
      %gather3A_202 = tpu.vector_load_idx %arg7[%add3A_201] : memref<6400xi32, #tpu.memory_space<vmem>>[vector<16xi32>], vector<16xi32>,
      %mul3A_203 = arith.constant 128 : i32
      %mul3A_204 = arith.muli %scan3A_120, %mul3A_203 : i32
      %add3A_205 = arith.constant 80 : i32
      %add3A_206 = arith.addi %mul3A_204, %add3A_205 : i32
      %swap3A_207 = arith.index_cast %add3A_206 : i32 to index
      %swap3A_208 = tpu.vector_load %arg9[%swap3A_207] {strides = array<i32>} : memref<6400xi32, #tpu.memory_space<vmem>>, vector<16xi32>,
      tpu.vector_store %arg9[%swap3A_207], %gather3A_202 {strides = array<i32>} : memref<6400xi32, #tpu.memory_space<vmem>>, vector<16xi32>,
      %add3A_209 = arith.constant 96 : i32
      %add3A_210 = vector.broadcast %add3A_209 : i32 to vector<16xi32>
      %add3A_211 = arith.addi %iota3A, %add3A_210 : vector<16xi32>
      %mul3A_212 = arith.constant 50 : i32
      %mul3A_213 = vector.broadcast %mul3A_212 : i32 to vector<16xi32>
      %mul3A_214 = arith.muli %add3A_211, %mul3A_213 : vector<16xi32>
      %add3A_215 = vector.broadcast %scan3A_120 : i32 to vector<16xi32>
      %add3A_216 = arith.addi %mul3A_214, %add3A_215 : vector<16xi32>
      %gather3A_217 = tpu.vector_load_idx %arg7[%add3A_216] : memref<6400xi32, #tpu.memory_space<vmem>>[vector<16xi32>], vector<16xi32>,
      %mul3A_218 = arith.constant 128 : i32
      %mul3A_219 = arith.muli %scan3A_120, %mul3A_218 : i32
      %add3A_220 = arith.constant 96 : i32
      %add3A_221 = arith.addi %mul3A_219, %add3A_220 : i32
      %swap3A_222 = arith.index_cast %add3A_221 : i32 to index
      %swap3A_223 = tpu.vector_load %arg9[%swap3A_222] {strides = array<i32>} : memref<6400xi32, #tpu.memory_space<vmem>>, vector<16xi32>,
      tpu.vector_store %arg9[%swap3A_222], %gather3A_217 {strides = array<i32>} : memref<6400xi32, #tpu.memory_space<vmem>>, vector<16xi32>,
      %add3A_224 = arith.constant 112 : i32
      %add3A_225 = vector.broadcast %add3A_224 : i32 to vector<16xi32>
      %add3A_226 = arith.addi %iota3A, %add3A_225 : vector<16xi32>
      %mul3A_227 = arith.constant 50 : i32
      %mul3A_228 = vector.broadcast %mul3A_227 : i32 to vector<16xi32>
      %mul3A_229 = arith.muli %add3A_226, %mul3A_228 : vector<16xi32>
      %add3A_230 = vector.broadcast %scan3A_120 : i32 to vector<16xi32>
      %add3A_231 = arith.addi %mul3A_229, %add3A_230 : vector<16xi32>
      %gather3A_232 = tpu.vector_load_idx %arg7[%add3A_231] : memref<6400xi32, #tpu.memory_space<vmem>>[vector<16xi32>], vector<16xi32>,
      %mul3A_233 = arith.constant 128 : i32
      %mul3A_234 = arith.muli %scan3A_120, %mul3A_233 : i32
      %add3A_235 = arith.constant 112 : i32
      %add3A_236 = arith.addi %mul3A_234, %add3A_235 : i32
      %swap3A_237 = arith.index_cast %add3A_236 : i32 to index
      %swap3A_238 = tpu.vector_load %arg9[%swap3A_237] {strides = array<i32>} : memref<6400xi32, #tpu.memory_space<vmem>>, vector<16xi32>,
      tpu.vector_store %arg9[%swap3A_237], %gather3A_232 {strides = array<i32>} : memref<6400xi32, #tpu.memory_space<vmem>>, vector<16xi32>,
    }
    %scan3A_11 = arith.constant 50 : i32
    %dma_start3A_12 = arith.constant 0 : i32
    %dma_start3A_13 = arith.constant 0 : i32
    %dma_start3A_14 = arith.constant 0 : i32
    %dma_start3A_15 = tpu.memref_slice %arg10[%dma_start3A_12, %dma_start3A_13, %dma_start3A_14] : memref<5x128x64xf32, #tpu.memory_space<vmem>> -> memref<1x128x64xf32, #tpu.memory_space<vmem>>
    %dma_start3A_16 = tpu.memref_squeeze %dma_start3A_15 : memref<1x128x64xf32, #tpu.memory_space<vmem>> -> memref<128x64xf32, #tpu.memory_space<vmem>>
    %dma_start3A_17 = arith.constant 0 : i32
    %dma_start3A_18 = tpu.memref_slice %arg9[%dma_start3A_17] : memref<6400xi32, #tpu.memory_space<vmem>> -> memref<128xi32, #tpu.memory_space<vmem>>
    %dma_start3A_19 = arith.constant 0 : i32
    %dma_start3A_20 = arith.constant 0 : i32
    %dma_start3A_21 = tpu.memref_slice %arg2[%dma_start3A_19, %dma_start3A_20] : memref<100000x64xf32, #tpu.memory_space<hbm>> -> memref<100000x64xf32, #tpu.memory_space<hbm>>
    tpu.enqueue_indirect_dma source(%dma_start3A_21 : memref<100000x64xf32, #tpu.memory_space<hbm>>) target(%dma_start3A_16 : memref<128x64xf32, #tpu.memory_space<vmem>>) offsets(%dma_start3A_18 : memref<128xi32, #tpu.memory_space<vmem>>) semaphore(%arg13 : memref<!tpu.dma_semaphore, #tpu.memory_space<semaphore_mem>>)
    %dma_start3A_22 = arith.constant 1 : i32
    %dma_start3A_23 = arith.constant 0 : i32
    %dma_start3A_24 = arith.constant 0 : i32
    %dma_start3A_25 = tpu.memref_slice %arg10[%dma_start3A_22, %dma_start3A_23, %dma_start3A_24] : memref<5x128x64xf32, #tpu.memory_space<vmem>> -> memref<1x128x64xf32, #tpu.memory_space<vmem>>
    %dma_start3A_26 = tpu.memref_squeeze %dma_start3A_25 : memref<1x128x64xf32, #tpu.memory_space<vmem>> -> memref<128x64xf32, #tpu.memory_space<vmem>>
    %dma_start3A_27 = arith.constant 128 : i32
    %dma_start3A_28 = tpu.memref_slice %arg9[%dma_start3A_27] : memref<6400xi32, #tpu.memory_space<vmem>> -> memref<128xi32, #tpu.memory_space<vmem>>
    %dma_start3A_29 = arith.constant 0 : i32
    %dma_start3A_30 = arith.constant 0 : i32
    %dma_start3A_31 = tpu.memref_slice %arg2[%dma_start3A_29, %dma_start3A_30] : memref<100000x64xf32, #tpu.memory_space<hbm>> -> memref<100000x64xf32, #tpu.memory_space<hbm>>
    tpu.enqueue_indirect_dma source(%dma_start3A_31 : memref<100000x64xf32, #tpu.memory_space<hbm>>) target(%dma_start3A_26 : memref<128x64xf32, #tpu.memory_space<vmem>>) offsets(%dma_start3A_28 : memref<128xi32, #tpu.memory_space<vmem>>) semaphore(%arg13 : memref<!tpu.dma_semaphore, #tpu.memory_space<semaphore_mem>>)
    %dma_start3A_32 = arith.constant 2 : i32
    %dma_start3A_33 = arith.constant 0 : i32
    %dma_start3A_34 = arith.constant 0 : i32
    %dma_start3A_35 = tpu.memref_slice %arg10[%dma_start3A_32, %dma_start3A_33, %dma_start3A_34] : memref<5x128x64xf32, #tpu.memory_space<vmem>> -> memref<1x128x64xf32, #tpu.memory_space<vmem>>
    %dma_start3A_36 = tpu.memref_squeeze %dma_start3A_35 : memref<1x128x64xf32, #tpu.memory_space<vmem>> -> memref<128x64xf32, #tpu.memory_space<vmem>>
    %dma_start3A_37 = arith.constant 256 : i32
    %dma_start3A_38 = tpu.memref_slice %arg9[%dma_start3A_37] : memref<6400xi32, #tpu.memory_space<vmem>> -> memref<128xi32, #tpu.memory_space<vmem>>
    %dma_start3A_39 = arith.constant 0 : i32
    %dma_start3A_40 = arith.constant 0 : i32
    %dma_start3A_41 = tpu.memref_slice %arg2[%dma_start3A_39, %dma_start3A_40] : memref<100000x64xf32, #tpu.memory_space<hbm>> -> memref<100000x64xf32, #tpu.memory_space<hbm>>
    tpu.enqueue_indirect_dma source(%dma_start3A_41 : memref<100000x64xf32, #tpu.memory_space<hbm>>) target(%dma_start3A_36 : memref<128x64xf32, #tpu.memory_space<vmem>>) offsets(%dma_start3A_38 : memref<128xi32, #tpu.memory_space<vmem>>) semaphore(%arg13 : memref<!tpu.dma_semaphore, #tpu.memory_space<semaphore_mem>>)
    %dma_start3A_42 = arith.constant 3 : i32
    %dma_start3A_43 = arith.constant 0 : i32
    %dma_start3A_44 = arith.constant 0 : i32
    %dma_start3A_45 = tpu.memref_slice %arg10[%dma_start3A_42, %dma_start3A_43, %dma_start3A_44] : memref<5x128x64xf32, #tpu.memory_space<vmem>> -> memref<1x128x64xf32, #tpu.memory_space<vmem>>
    %dma_start3A_46 = tpu.memref_squeeze %dma_start3A_45 : memref<1x128x64xf32, #tpu.memory_space<vmem>> -> memref<128x64xf32, #tpu.memory_space<vmem>>
    %dma_start3A_47 = arith.constant 384 : i32
    %dma_start3A_48 = tpu.memref_slice %arg9[%dma_start3A_47] : memref<6400xi32, #tpu.memory_space<vmem>> -> memref<128xi32, #tpu.memory_space<vmem>>
    %dma_start3A_49 = arith.constant 0 : i32
    %dma_start3A_50 = arith.constant 0 : i32
    %dma_start3A_51 = tpu.memref_slice %arg2[%dma_start3A_49, %dma_start3A_50] : memref<100000x64xf32, #tpu.memory_space<hbm>> -> memref<100000x64xf32, #tpu.memory_space<hbm>>
    tpu.enqueue_indirect_dma source(%dma_start3A_51 : memref<100000x64xf32, #tpu.memory_space<hbm>>) target(%dma_start3A_46 : memref<128x64xf32, #tpu.memory_space<vmem>>) offsets(%dma_start3A_48 : memref<128xi32, #tpu.memory_space<vmem>>) semaphore(%arg13 : memref<!tpu.dma_semaphore, #tpu.memory_space<semaphore_mem>>)
    %dma_start3A_52 = arith.constant 4 : i32
    %dma_start3A_53 = arith.constant 0 : i32
    %dma_start3A_54 = arith.constant 0 : i32
    %dma_start3A_55 = tpu.memref_slice %arg10[%dma_start3A_52, %dma_start3A_53, %dma_start3A_54] : memref<5x128x64xf32, #tpu.memory_space<vmem>> -> memref<1x128x64xf32, #tpu.memory_space<vmem>>
    %dma_start3A_56 = tpu.memref_squeeze %dma_start3A_55 : memref<1x128x64xf32, #tpu.memory_space<vmem>> -> memref<128x64xf32, #tpu.memory_space<vmem>>
    %dma_start3A_57 = arith.constant 512 : i32
    %dma_start3A_58 = tpu.memref_slice %arg9[%dma_start3A_57] : memref<6400xi32, #tpu.memory_space<vmem>> -> memref<128xi32, #tpu.memory_space<vmem>>
    %dma_start3A_59 = arith.constant 0 : i32
    %dma_start3A_60 = arith.constant 0 : i32
    %dma_start3A_61 = tpu.memref_slice %arg2[%dma_start3A_59, %dma_start3A_60] : memref<100000x64xf32, #tpu.memory_space<hbm>> -> memref<100000x64xf32, #tpu.memory_space<hbm>>
    tpu.enqueue_indirect_dma source(%dma_start3A_61 : memref<100000x64xf32, #tpu.memory_space<hbm>>) target(%dma_start3A_56 : memref<128x64xf32, #tpu.memory_space<vmem>>) offsets(%dma_start3A_58 : memref<128xi32, #tpu.memory_space<vmem>>) semaphore(%arg13 : memref<!tpu.dma_semaphore, #tpu.memory_space<semaphore_mem>>)
    %dma_start3A_62 = arith.constant 0 : i32
    %dma_start3A_63 = arith.constant 0 : i32
    %dma_start3A_64 = arith.constant 0 : i32
    %dma_start3A_65 = tpu.memref_slice %arg11[%dma_start3A_62, %dma_start3A_63, %dma_start3A_64] : memref<5x128x64xf32, #tpu.memory_space<vmem>> -> memref<1x128x64xf32, #tpu.memory_space<vmem>>
    %dma_start3A_66 = tpu.memref_squeeze %dma_start3A_65 : memref<1x128x64xf32, #tpu.memory_space<vmem>> -> memref<128x64xf32, #tpu.memory_space<vmem>>
    %dma_start3A_67 = arith.constant 640 : i32
    %dma_start3A_68 = tpu.memref_slice %arg9[%dma_start3A_67] : memref<6400xi32, #tpu.memory_space<vmem>> -> memref<128xi32, #tpu.memory_space<vmem>>
    %dma_start3A_69 = arith.constant 0 : i32
    %dma_start3A_70 = arith.constant 0 : i32
    %dma_start3A_71 = tpu.memref_slice %arg2[%dma_start3A_69, %dma_start3A_70] : memref<100000x64xf32, #tpu.memory_space<hbm>> -> memref<100000x64xf32, #tpu.memory_space<hbm>>
    tpu.enqueue_indirect_dma source(%dma_start3A_71 : memref<100000x64xf32, #tpu.memory_space<hbm>>) target(%dma_start3A_66 : memref<128x64xf32, #tpu.memory_space<vmem>>) offsets(%dma_start3A_68 : memref<128xi32, #tpu.memory_space<vmem>>) semaphore(%arg14 : memref<!tpu.dma_semaphore, #tpu.memory_space<semaphore_mem>>)
    %dma_start3A_72 = arith.constant 1 : i32
    %dma_start3A_73 = arith.constant 0 : i32
    %dma_start3A_74 = arith.constant 0 : i32
    %dma_start3A_75 = tpu.memref_slice %arg11[%dma_start3A_72, %dma_start3A_73, %dma_start3A_74] : memref<5x128x64xf32, #tpu.memory_space<vmem>> -> memref<1x128x64xf32, #tpu.memory_space<vmem>>
    %dma_start3A_76 = tpu.memref_squeeze %dma_start3A_75 : memref<1x128x64xf32, #tpu.memory_space<vmem>> -> memref<128x64xf32, #tpu.memory_space<vmem>>
    %dma_start3A_77 = arith.constant 768 : i32
    %dma_start3A_78 = tpu.memref_slice %arg9[%dma_start3A_77] : memref<6400xi32, #tpu.memory_space<vmem>> -> memref<128xi32, #tpu.memory_space<vmem>>
    %dma_start3A_79 = arith.constant 0 : i32
    %dma_start3A_80 = arith.constant 0 : i32
    %dma_start3A_81 = tpu.memref_slice %arg2[%dma_start3A_79, %dma_start3A_80] : memref<100000x64xf32, #tpu.memory_space<hbm>> -> memref<100000x64xf32, #tpu.memory_space<hbm>>
    tpu.enqueue_indirect_dma source(%dma_start3A_81 : memref<100000x64xf32, #tpu.memory_space<hbm>>) target(%dma_start3A_76 : memref<128x64xf32, #tpu.memory_space<vmem>>) offsets(%dma_start3A_78 : memref<128xi32, #tpu.memory_space<vmem>>) semaphore(%arg14 : memref<!tpu.dma_semaphore, #tpu.memory_space<semaphore_mem>>)
    %dma_start3A_82 = arith.constant 2 : i32
    %dma_start3A_83 = arith.constant 0 : i32
    %dma_start3A_84 = arith.constant 0 : i32
    %dma_start3A_85 = tpu.memref_slice %arg11[%dma_start3A_82, %dma_start3A_83, %dma_start3A_84] : memref<5x128x64xf32, #tpu.memory_space<vmem>> -> memref<1x128x64xf32, #tpu.memory_space<vmem>>
    %dma_start3A_86 = tpu.memref_squeeze %dma_start3A_85 : memref<1x128x64xf32, #tpu.memory_space<vmem>> -> memref<128x64xf32, #tpu.memory_space<vmem>>
    %dma_start3A_87 = arith.constant 896 : i32
    %dma_start3A_88 = tpu.memref_slice %arg9[%dma_start3A_87] : memref<6400xi32, #tpu.memory_space<vmem>> -> memref<128xi32, #tpu.memory_space<vmem>>
    %dma_start3A_89 = arith.constant 0 : i32
    %dma_start3A_90 = arith.constant 0 : i32
    %dma_start3A_91 = tpu.memref_slice %arg2[%dma_start3A_89, %dma_start3A_90] : memref<100000x64xf32, #tpu.memory_space<hbm>> -> memref<100000x64xf32, #tpu.memory_space<hbm>>
    tpu.enqueue_indirect_dma source(%dma_start3A_91 : memref<100000x64xf32, #tpu.memory_space<hbm>>) target(%dma_start3A_86 : memref<128x64xf32, #tpu.memory_space<vmem>>) offsets(%dma_start3A_88 : memref<128xi32, #tpu.memory_space<vmem>>) semaphore(%arg14 : memref<!tpu.dma_semaphore, #tpu.memory_space<semaphore_mem>>)
    %dma_start3A_92 = arith.constant 3 : i32
    %dma_start3A_93 = arith.constant 0 : i32
    %dma_start3A_94 = arith.constant 0 : i32
    %dma_start3A_95 = tpu.memref_slice %arg11[%dma_start3A_92, %dma_start3A_93, %dma_start3A_94] : memref<5x128x64xf32, #tpu.memory_space<vmem>> -> memref<1x128x64xf32, #tpu.memory_space<vmem>>
    %dma_start3A_96 = tpu.memref_squeeze %dma_start3A_95 : memref<1x128x64xf32, #tpu.memory_space<vmem>> -> memref<128x64xf32, #tpu.memory_space<vmem>>
    %dma_start3A_97 = arith.constant 1024 : i32
    %dma_start3A_98 = tpu.memref_slice %arg9[%dma_start3A_97] : memref<6400xi32, #tpu.memory_space<vmem>> -> memref<128xi32, #tpu.memory_space<vmem>>
    %dma_start3A_99 = arith.constant 0 : i32
    %dma_start3A_100 = arith.constant 0 : i32
    %dma_start3A_101 = tpu.memref_slice %arg2[%dma_start3A_99, %dma_start3A_100] : memref<100000x64xf32, #tpu.memory_space<hbm>> -> memref<100000x64xf32, #tpu.memory_space<hbm>>
    tpu.enqueue_indirect_dma source(%dma_start3A_101 : memref<100000x64xf32, #tpu.memory_space<hbm>>) target(%dma_start3A_96 : memref<128x64xf32, #tpu.memory_space<vmem>>) offsets(%dma_start3A_98 : memref<128xi32, #tpu.memory_space<vmem>>) semaphore(%arg14 : memref<!tpu.dma_semaphore, #tpu.memory_space<semaphore_mem>>)
    %dma_start3A_102 = arith.constant 4 : i32
    %dma_start3A_103 = arith.constant 0 : i32
    %dma_start3A_104 = arith.constant 0 : i32
    %dma_start3A_105 = tpu.memref_slice %arg11[%dma_start3A_102, %dma_start3A_103, %dma_start3A_104] : memref<5x128x64xf32, #tpu.memory_space<vmem>> -> memref<1x128x64xf32, #tpu.memory_space<vmem>>
    %dma_start3A_106 = tpu.memref_squeeze %dma_start3A_105 : memref<1x128x64xf32, #tpu.memory_space<vmem>> -> memref<128x64xf32, #tpu.memory_space<vmem>>
    %dma_start3A_107 = arith.constant 1152 : i32
    %dma_start3A_108 = tpu.memref_slice %arg9[%dma_start3A_107] : memref<6400xi32, #tpu.memory_space<vmem>> -> memref<128xi32, #tpu.memory_space<vmem>>
    %dma_start3A_109 = arith.constant 0 : i32
    %dma_start3A_110 = arith.constant 0 : i32
    %dma_start3A_111 = tpu.memref_slice %arg2[%dma_start3A_109, %dma_start3A_110] : memref<100000x64xf32, #tpu.memory_space<hbm>> -> memref<100000x64xf32, #tpu.memory_space<hbm>>
    tpu.enqueue_indirect_dma source(%dma_start3A_111 : memref<100000x64xf32, #tpu.memory_space<hbm>>) target(%dma_start3A_106 : memref<128x64xf32, #tpu.memory_space<vmem>>) offsets(%dma_start3A_108 : memref<128xi32, #tpu.memory_space<vmem>>) semaphore(%arg14 : memref<!tpu.dma_semaphore, #tpu.memory_space<semaphore_mem>>)
    %scan3A_112 = arith.constant 0 : i32
    %scan3A_113 = arith.constant 0 : i32
    %scan3A_114 = arith.constant 5 : i32
    %scan3A_115 = arith.addi %scan3A_113, %scan3A_114 : i32
    %scan3A_116 = arith.constant 1 : i32
    scf.for %scan3A_120 = %scan3A_113 to %scan3A_115 step %scan3A_116  : i32 {
      %mul3A_121 = arith.constant 2 : i32
      %mul3A_122 = arith.muli %scan3A_120, %mul3A_121 : i32
      %add3A_123 = arith.constant 0 : i32
      %add3A_124 = arith.addi %mul3A_122, %add3A_123 : i32
      %mul3A_125 = arith.constant 5 : i32
      %mul3A_126 = arith.muli %add3A_124, %mul3A_125 : i32
      %add3A_127 = arith.constant 0 : i32
      %add3A_128 = arith.addi %mul3A_126, %add3A_127 : i32
      %mul3A_129 = arith.constant 128 : i32
      %mul3A_130 = arith.muli %add3A_128, %mul3A_129 : i32
      %dma_wait3A_131 = arith.constant 0 : i32
      %dma_wait3A_132 = arith.constant 0 : i32
      %dma_wait3A_133 = arith.constant 0 : i32
      %dma_wait3A_134 = tpu.memref_slice %arg10[%dma_wait3A_131, %dma_wait3A_132, %dma_wait3A_133] : memref<5x128x64xf32, #tpu.memory_space<vmem>> -> memref<1x128x64xf32, #tpu.memory_space<vmem>>
      %dma_wait3A_135 = tpu.memref_squeeze %dma_wait3A_134 : memref<1x128x64xf32, #tpu.memory_space<vmem>> -> memref<128x64xf32, #tpu.memory_space<vmem>>
      %dma_wait3A_136 = tpu.memref_slice %arg9[%mul3A_130] : memref<6400xi32, #tpu.memory_space<vmem>> -> memref<128xi32, #tpu.memory_space<vmem>>
      %dma_wait3A_137 = arith.constant 0 : i32
      %dma_wait3A_138 = arith.constant 0 : i32
      %dma_wait3A_139 = tpu.memref_slice %arg2[%dma_wait3A_137, %dma_wait3A_138] : memref<100000x64xf32, #tpu.memory_space<hbm>> -> memref<100000x64xf32, #tpu.memory_space<hbm>>
      tpu.wait_indirect_dma semaphore(%arg13 : memref<!tpu.dma_semaphore, #tpu.memory_space<semaphore_mem>>) src(%dma_wait3A_139 : memref<100000x64xf32, #tpu.memory_space<hbm>>) dst(%dma_wait3A_135 : memref<128x64xf32, #tpu.memory_space<vmem>>)
      %mul3A_140 = arith.constant 5 : i32
      %mul3A_141 = arith.muli %add3A_124, %mul3A_140 : i32
      %add3A_142 = arith.constant 1 : i32
      %add3A_143 = arith.addi %mul3A_141, %add3A_142 : i32
      %mul3A_144 = arith.constant 128 : i32
      %mul3A_145 = arith.muli %add3A_143, %mul3A_144 : i32
      %dma_wait3A_146 = arith.constant 1 : i32
      %dma_wait3A_147 = arith.constant 0 : i32
      %dma_wait3A_148 = arith.constant 0 : i32
      %dma_wait3A_149 = tpu.memref_slice %arg10[%dma_wait3A_146, %dma_wait3A_147, %dma_wait3A_148] : memref<5x128x64xf32, #tpu.memory_space<vmem>> -> memref<1x128x64xf32, #tpu.memory_space<vmem>>
      %dma_wait3A_150 = tpu.memref_squeeze %dma_wait3A_149 : memref<1x128x64xf32, #tpu.memory_space<vmem>> -> memref<128x64xf32, #tpu.memory_space<vmem>>
      %dma_wait3A_151 = tpu.memref_slice %arg9[%mul3A_145] : memref<6400xi32, #tpu.memory_space<vmem>> -> memref<128xi32, #tpu.memory_space<vmem>>
      %dma_wait3A_152 = arith.constant 0 : i32
      %dma_wait3A_153 = arith.constant 0 : i32
      %dma_wait3A_154 = tpu.memref_slice %arg2[%dma_wait3A_152, %dma_wait3A_153] : memref<100000x64xf32, #tpu.memory_space<hbm>> -> memref<100000x64xf32, #tpu.memory_space<hbm>>
      tpu.wait_indirect_dma semaphore(%arg13 : memref<!tpu.dma_semaphore, #tpu.memory_space<semaphore_mem>>) src(%dma_wait3A_154 : memref<100000x64xf32, #tpu.memory_space<hbm>>) dst(%dma_wait3A_150 : memref<128x64xf32, #tpu.memory_space<vmem>>)
      %mul3A_155 = arith.constant 5 : i32
      %mul3A_156 = arith.muli %add3A_124, %mul3A_155 : i32
      %add3A_157 = arith.constant 2 : i32
      %add3A_158 = arith.addi %mul3A_156, %add3A_157 : i32
      %mul3A_159 = arith.constant 128 : i32
      %mul3A_160 = arith.muli %add3A_158, %mul3A_159 : i32
      %dma_wait3A_161 = arith.constant 2 : i32
      %dma_wait3A_162 = arith.constant 0 : i32
      %dma_wait3A_163 = arith.constant 0 : i32
      %dma_wait3A_164 = tpu.memref_slice %arg10[%dma_wait3A_161, %dma_wait3A_162, %dma_wait3A_163] : memref<5x128x64xf32, #tpu.memory_space<vmem>> -> memref<1x128x64xf32, #tpu.memory_space<vmem>>
      %dma_wait3A_165 = tpu.memref_squeeze %dma_wait3A_164 : memref<1x128x64xf32, #tpu.memory_space<vmem>> -> memref<128x64xf32, #tpu.memory_space<vmem>>
      %dma_wait3A_166 = tpu.memref_slice %arg9[%mul3A_160] : memref<6400xi32, #tpu.memory_space<vmem>> -> memref<128xi32, #tpu.memory_space<vmem>>
      %dma_wait3A_167 = arith.constant 0 : i32
      %dma_wait3A_168 = arith.constant 0 : i32
      %dma_wait3A_169 = tpu.memref_slice %arg2[%dma_wait3A_167, %dma_wait3A_168] : memref<100000x64xf32, #tpu.memory_space<hbm>> -> memref<100000x64xf32, #tpu.memory_space<hbm>>
      tpu.wait_indirect_dma semaphore(%arg13 : memref<!tpu.dma_semaphore, #tpu.memory_space<semaphore_mem>>) src(%dma_wait3A_169 : memref<100000x64xf32, #tpu.memory_space<hbm>>) dst(%dma_wait3A_165 : memref<128x64xf32, #tpu.memory_space<vmem>>)
      %mul3A_170 = arith.constant 5 : i32
      %mul3A_171 = arith.muli %add3A_124, %mul3A_170 : i32
      %add3A_172 = arith.constant 3 : i32
      %add3A_173 = arith.addi %mul3A_171, %add3A_172 : i32
      %mul3A_174 = arith.constant 128 : i32
      %mul3A_175 = arith.muli %add3A_173, %mul3A_174 : i32
      %dma_wait3A_176 = arith.constant 3 : i32
      %dma_wait3A_177 = arith.constant 0 : i32
      %dma_wait3A_178 = arith.constant 0 : i32
      %dma_wait3A_179 = tpu.memref_slice %arg10[%dma_wait3A_176, %dma_wait3A_177, %dma_wait3A_178] : memref<5x128x64xf32, #tpu.memory_space<vmem>> -> memref<1x128x64xf32, #tpu.memory_space<vmem>>
      %dma_wait3A_180 = tpu.memref_squeeze %dma_wait3A_179 : memref<1x128x64xf32, #tpu.memory_space<vmem>> -> memref<128x64xf32, #tpu.memory_space<vmem>>
      %dma_wait3A_181 = tpu.memref_slice %arg9[%mul3A_175] : memref<6400xi32, #tpu.memory_space<vmem>> -> memref<128xi32, #tpu.memory_space<vmem>>
      %dma_wait3A_182 = arith.constant 0 : i32
      %dma_wait3A_183 = arith.constant 0 : i32
      %dma_wait3A_184 = tpu.memref_slice %arg2[%dma_wait3A_182, %dma_wait3A_183] : memref<100000x64xf32, #tpu.memory_space<hbm>> -> memref<100000x64xf32, #tpu.memory_space<hbm>>
      tpu.wait_indirect_dma semaphore(%arg13 : memref<!tpu.dma_semaphore, #tpu.memory_space<semaphore_mem>>) src(%dma_wait3A_184 : memref<100000x64xf32, #tpu.memory_space<hbm>>) dst(%dma_wait3A_180 : memref<128x64xf32, #tpu.memory_space<vmem>>)
      %mul3A_185 = arith.constant 5 : i32
      %mul3A_186 = arith.muli %add3A_124, %mul3A_185 : i32
      %add3A_187 = arith.constant 4 : i32
      %add3A_188 = arith.addi %mul3A_186, %add3A_187 : i32
      %mul3A_189 = arith.constant 128 : i32
      %mul3A_190 = arith.muli %add3A_188, %mul3A_189 : i32
      %dma_wait3A_191 = arith.constant 4 : i32
      %dma_wait3A_192 = arith.constant 0 : i32
      %dma_wait3A_193 = arith.constant 0 : i32
      %dma_wait3A_194 = tpu.memref_slice %arg10[%dma_wait3A_191, %dma_wait3A_192, %dma_wait3A_193] : memref<5x128x64xf32, #tpu.memory_space<vmem>> -> memref<1x128x64xf32, #tpu.memory_space<vmem>>
      %dma_wait3A_195 = tpu.memref_squeeze %dma_wait3A_194 : memref<1x128x64xf32, #tpu.memory_space<vmem>> -> memref<128x64xf32, #tpu.memory_space<vmem>>
      %dma_wait3A_196 = tpu.memref_slice %arg9[%mul3A_190] : memref<6400xi32, #tpu.memory_space<vmem>> -> memref<128xi32, #tpu.memory_space<vmem>>
      %dma_wait3A_197 = arith.constant 0 : i32
      %dma_wait3A_198 = arith.constant 0 : i32
      %dma_wait3A_199 = tpu.memref_slice %arg2[%dma_wait3A_197, %dma_wait3A_198] : memref<100000x64xf32, #tpu.memory_space<hbm>> -> memref<100000x64xf32, #tpu.memory_space<hbm>>
      tpu.wait_indirect_dma semaphore(%arg13 : memref<!tpu.dma_semaphore, #tpu.memory_space<semaphore_mem>>) src(%dma_wait3A_199 : memref<100000x64xf32, #tpu.memory_space<hbm>>) dst(%dma_wait3A_195 : memref<128x64xf32, #tpu.memory_space<vmem>>)
      %mul3A_200 = arith.constant 5 : i32
      %mul3A_201 = arith.muli %add3A_124, %mul3A_200 : i32
      "tpu.region"() ({
        %run_scoped3A = tpu.sem_alloc : memref<!tpu.dma_semaphore, #tpu.memory_space<semaphore_mem>>
        %dma_start3A_294 = arith.constant 0 : i32
        %dma_start3A_295 = tpu.memref_slice %arg6[%mul3A_201, %mul3A_2, %dma_start3A_294] : memref<50x4096x64xf32, #tpu.memory_space<hbm>> -> memref<5x128x64xf32, #tpu.memory_space<hbm>>
        %dma_start3A_296 = arith.constant 0 : i32
        %dma_start3A_297 = tpu.memref_slice %arg6[%mul3A_201, %mul3A_2, %dma_start3A_296] : memref<50x4096x64xf32, #tpu.memory_space<hbm>> -> memref<5x128x64xf32, #tpu.memory_space<hbm>>
        tpu.enqueue_dma source(%arg10 : memref<5x128x64xf32, #tpu.memory_space<vmem>>) target(%dma_start3A_297 : memref<5x128x64xf32, #tpu.memory_space<hbm>>) target_semaphore(%run_scoped3A : memref<!tpu.dma_semaphore, #tpu.memory_space<semaphore_mem>>)
        %dma_wait3A_298 = arith.constant 0 : i32
        %dma_wait3A_299 = tpu.memref_slice %arg6[%mul3A_201, %mul3A_2, %dma_wait3A_298] : memref<50x4096x64xf32, #tpu.memory_space<hbm>> -> memref<5x128x64xf32, #tpu.memory_space<hbm>>
        %dma_wait3A_300 = arith.constant 0 : i32
        %dma_wait3A_301 = tpu.memref_slice %arg6[%mul3A_201, %mul3A_2, %dma_wait3A_300] : memref<50x4096x64xf32, #tpu.memory_space<hbm>> -> memref<5x128x64xf32, #tpu.memory_space<hbm>>
        tpu.wait_dma2 semaphore(%run_scoped3A : memref<!tpu.dma_semaphore, #tpu.memory_space<semaphore_mem>>) src(%arg10 : memref<5x128x64xf32, #tpu.memory_space<vmem>>) dst(%dma_wait3A_301 : memref<5x128x64xf32, #tpu.memory_space<hbm>>)
        tpu.yield
      }) : () -> ()
      %add3A_202 = arith.constant 2 : i32
      %add3A_203 = arith.addi %add3A_124, %add3A_202 : i32
      %lt3A = arith.constant 10 : i32
      %lt3A_204 = arith.cmpi slt, %add3A_203, %lt3A : i32
      %convert_element_type3A = arith.extui %lt3A_204 : i1 to i32
      %cond3A = arith.constant 0 : i32
      %cond3A_205 = arith.cmpi ne, %convert_element_type3A, %cond3A : i32
      scf.if %cond3A_205 {
        %add3A_294 = arith.constant 2 : i32
        %add3A_295 = arith.addi %add3A_124, %add3A_294 : i32
        %mul3A_296 = arith.constant 5 : i32
        %mul3A_297 = arith.muli %add3A_295, %mul3A_296 : i32
        %add3A_298 = arith.constant 0 : i32
        %add3A_299 = arith.addi %mul3A_297, %add3A_298 : i32
        %mul3A_300 = arith.constant 128 : i32
        %mul3A_301 = arith.muli %add3A_299, %mul3A_300 : i32
        %dma_start3A_302 = arith.constant 0 : i32
        %dma_start3A_303 = arith.constant 0 : i32
        %dma_start3A_304 = arith.constant 0 : i32
        %dma_start3A_305 = tpu.memref_slice %arg10[%dma_start3A_302, %dma_start3A_303, %dma_start3A_304] : memref<5x128x64xf32, #tpu.memory_space<vmem>> -> memref<1x128x64xf32, #tpu.memory_space<vmem>>
        %dma_start3A_306 = tpu.memref_squeeze %dma_start3A_305 : memref<1x128x64xf32, #tpu.memory_space<vmem>> -> memref<128x64xf32, #tpu.memory_space<vmem>>
        %dma_start3A_307 = tpu.memref_slice %arg9[%mul3A_301] : memref<6400xi32, #tpu.memory_space<vmem>> -> memref<128xi32, #tpu.memory_space<vmem>>
        %dma_start3A_308 = arith.constant 0 : i32
        %dma_start3A_309 = arith.constant 0 : i32
        %dma_start3A_310 = tpu.memref_slice %arg2[%dma_start3A_308, %dma_start3A_309] : memref<100000x64xf32, #tpu.memory_space<hbm>> -> memref<100000x64xf32, #tpu.memory_space<hbm>>
        tpu.enqueue_indirect_dma source(%dma_start3A_310 : memref<100000x64xf32, #tpu.memory_space<hbm>>) target(%dma_start3A_306 : memref<128x64xf32, #tpu.memory_space<vmem>>) offsets(%dma_start3A_307 : memref<128xi32, #tpu.memory_space<vmem>>) semaphore(%arg13 : memref<!tpu.dma_semaphore, #tpu.memory_space<semaphore_mem>>)
        %mul3A_311 = arith.constant 5 : i32
        %mul3A_312 = arith.muli %add3A_295, %mul3A_311 : i32
        %add3A_313 = arith.constant 1 : i32
        %add3A_314 = arith.addi %mul3A_312, %add3A_313 : i32
        %mul3A_315 = arith.constant 128 : i32
        %mul3A_316 = arith.muli %add3A_314, %mul3A_315 : i32
        %dma_start3A_317 = arith.constant 1 : i32
        %dma_start3A_318 = arith.constant 0 : i32
        %dma_start3A_319 = arith.constant 0 : i32
        %dma_start3A_320 = tpu.memref_slice %arg10[%dma_start3A_317, %dma_start3A_318, %dma_start3A_319] : memref<5x128x64xf32, #tpu.memory_space<vmem>> -> memref<1x128x64xf32, #tpu.memory_space<vmem>>
        %dma_start3A_321 = tpu.memref_squeeze %dma_start3A_320 : memref<1x128x64xf32, #tpu.memory_space<vmem>> -> memref<128x64xf32, #tpu.memory_space<vmem>>
        %dma_start3A_322 = tpu.memref_slice %arg9[%mul3A_316] : memref<6400xi32, #tpu.memory_space<vmem>> -> memref<128xi32, #tpu.memory_space<vmem>>
        %dma_start3A_323 = arith.constant 0 : i32
        %dma_start3A_324 = arith.constant 0 : i32
        %dma_start3A_325 = tpu.memref_slice %arg2[%dma_start3A_323, %dma_start3A_324] : memref<100000x64xf32, #tpu.memory_space<hbm>> -> memref<100000x64xf32, #tpu.memory_space<hbm>>
        tpu.enqueue_indirect_dma source(%dma_start3A_325 : memref<100000x64xf32, #tpu.memory_space<hbm>>) target(%dma_start3A_321 : memref<128x64xf32, #tpu.memory_space<vmem>>) offsets(%dma_start3A_322 : memref<128xi32, #tpu.memory_space<vmem>>) semaphore(%arg13 : memref<!tpu.dma_semaphore, #tpu.memory_space<semaphore_mem>>)
        %mul3A_326 = arith.constant 5 : i32
        %mul3A_327 = arith.muli %add3A_295, %mul3A_326 : i32
        %add3A_328 = arith.constant 2 : i32
        %add3A_329 = arith.addi %mul3A_327, %add3A_328 : i32
        %mul3A_330 = arith.constant 128 : i32
        %mul3A_331 = arith.muli %add3A_329, %mul3A_330 : i32
        %dma_start3A_332 = arith.constant 2 : i32
        %dma_start3A_333 = arith.constant 0 : i32
        %dma_start3A_334 = arith.constant 0 : i32
        %dma_start3A_335 = tpu.memref_slice %arg10[%dma_start3A_332, %dma_start3A_333, %dma_start3A_334] : memref<5x128x64xf32, #tpu.memory_space<vmem>> -> memref<1x128x64xf32, #tpu.memory_space<vmem>>
        %dma_start3A_336 = tpu.memref_squeeze %dma_start3A_335 : memref<1x128x64xf32, #tpu.memory_space<vmem>> -> memref<128x64xf32, #tpu.memory_space<vmem>>
        %dma_start3A_337 = tpu.memref_slice %arg9[%mul3A_331] : memref<6400xi32, #tpu.memory_space<vmem>> -> memref<128xi32, #tpu.memory_space<vmem>>
        %dma_start3A_338 = arith.constant 0 : i32
        %dma_start3A_339 = arith.constant 0 : i32
        %dma_start3A_340 = tpu.memref_slice %arg2[%dma_start3A_338, %dma_start3A_339] : memref<100000x64xf32, #tpu.memory_space<hbm>> -> memref<100000x64xf32, #tpu.memory_space<hbm>>
        tpu.enqueue_indirect_dma source(%dma_start3A_340 : memref<100000x64xf32, #tpu.memory_space<hbm>>) target(%dma_start3A_336 : memref<128x64xf32, #tpu.memory_space<vmem>>) offsets(%dma_start3A_337 : memref<128xi32, #tpu.memory_space<vmem>>) semaphore(%arg13 : memref<!tpu.dma_semaphore, #tpu.memory_space<semaphore_mem>>)
        %mul3A_341 = arith.constant 5 : i32
        %mul3A_342 = arith.muli %add3A_295, %mul3A_341 : i32
        %add3A_343 = arith.constant 3 : i32
        %add3A_344 = arith.addi %mul3A_342, %add3A_343 : i32
        %mul3A_345 = arith.constant 128 : i32
        %mul3A_346 = arith.muli %add3A_344, %mul3A_345 : i32
        %dma_start3A_347 = arith.constant 3 : i32
        %dma_start3A_348 = arith.constant 0 : i32
        %dma_start3A_349 = arith.constant 0 : i32
        %dma_start3A_350 = tpu.memref_slice %arg10[%dma_start3A_347, %dma_start3A_348, %dma_start3A_349] : memref<5x128x64xf32, #tpu.memory_space<vmem>> -> memref<1x128x64xf32, #tpu.memory_space<vmem>>
        %dma_start3A_351 = tpu.memref_squeeze %dma_start3A_350 : memref<1x128x64xf32, #tpu.memory_space<vmem>> -> memref<128x64xf32, #tpu.memory_space<vmem>>
        %dma_start3A_352 = tpu.memref_slice %arg9[%mul3A_346] : memref<6400xi32, #tpu.memory_space<vmem>> -> memref<128xi32, #tpu.memory_space<vmem>>
        %dma_start3A_353 = arith.constant 0 : i32
        %dma_start3A_354 = arith.constant 0 : i32
        %dma_start3A_355 = tpu.memref_slice %arg2[%dma_start3A_353, %dma_start3A_354] : memref<100000x64xf32, #tpu.memory_space<hbm>> -> memref<100000x64xf32, #tpu.memory_space<hbm>>
        tpu.enqueue_indirect_dma source(%dma_start3A_355 : memref<100000x64xf32, #tpu.memory_space<hbm>>) target(%dma_start3A_351 : memref<128x64xf32, #tpu.memory_space<vmem>>) offsets(%dma_start3A_352 : memref<128xi32, #tpu.memory_space<vmem>>) semaphore(%arg13 : memref<!tpu.dma_semaphore, #tpu.memory_space<semaphore_mem>>)
        %mul3A_356 = arith.constant 5 : i32
        %mul3A_357 = arith.muli %add3A_295, %mul3A_356 : i32
        %add3A_358 = arith.constant 4 : i32
        %add3A_359 = arith.addi %mul3A_357, %add3A_358 : i32
        %mul3A_360 = arith.constant 128 : i32
        %mul3A_361 = arith.muli %add3A_359, %mul3A_360 : i32
        %dma_start3A_362 = arith.constant 4 : i32
        %dma_start3A_363 = arith.constant 0 : i32
        %dma_start3A_364 = arith.constant 0 : i32
        %dma_start3A_365 = tpu.memref_slice %arg10[%dma_start3A_362, %dma_start3A_363, %dma_start3A_364] : memref<5x128x64xf32, #tpu.memory_space<vmem>> -> memref<1x128x64xf32, #tpu.memory_space<vmem>>
        %dma_start3A_366 = tpu.memref_squeeze %dma_start3A_365 : memref<1x128x64xf32, #tpu.memory_space<vmem>> -> memref<128x64xf32, #tpu.memory_space<vmem>>
        %dma_start3A_367 = tpu.memref_slice %arg9[%mul3A_361] : memref<6400xi32, #tpu.memory_space<vmem>> -> memref<128xi32, #tpu.memory_space<vmem>>
        %dma_start3A_368 = arith.constant 0 : i32
        %dma_start3A_369 = arith.constant 0 : i32
        %dma_start3A_370 = tpu.memref_slice %arg2[%dma_start3A_368, %dma_start3A_369] : memref<100000x64xf32, #tpu.memory_space<hbm>> -> memref<100000x64xf32, #tpu.memory_space<hbm>>
        tpu.enqueue_indirect_dma source(%dma_start3A_370 : memref<100000x64xf32, #tpu.memory_space<hbm>>) target(%dma_start3A_366 : memref<128x64xf32, #tpu.memory_space<vmem>>) offsets(%dma_start3A_367 : memref<128xi32, #tpu.memory_space<vmem>>) semaphore(%arg13 : memref<!tpu.dma_semaphore, #tpu.memory_space<semaphore_mem>>)
      } else {
      }
      %mul3A_206 = arith.constant 2 : i32
      %mul3A_207 = arith.muli %scan3A_120, %mul3A_206 : i32
      %add3A_208 = arith.constant 1 : i32
      %add3A_209 = arith.addi %mul3A_207, %add3A_208 : i32
      %mul3A_210 = arith.constant 5 : i32
      %mul3A_211 = arith.muli %add3A_209, %mul3A_210 : i32
      %add3A_212 = arith.constant 0 : i32
      %add3A_213 = arith.addi %mul3A_211, %add3A_212 : i32
      %mul3A_214 = arith.constant 128 : i32
      %mul3A_215 = arith.muli %add3A_213, %mul3A_214 : i32
      %dma_wait3A_216 = arith.constant 0 : i32
      %dma_wait3A_217 = arith.constant 0 : i32
      %dma_wait3A_218 = arith.constant 0 : i32
      %dma_wait3A_219 = tpu.memref_slice %arg11[%dma_wait3A_216, %dma_wait3A_217, %dma_wait3A_218] : memref<5x128x64xf32, #tpu.memory_space<vmem>> -> memref<1x128x64xf32, #tpu.memory_space<vmem>>
      %dma_wait3A_220 = tpu.memref_squeeze %dma_wait3A_219 : memref<1x128x64xf32, #tpu.memory_space<vmem>> -> memref<128x64xf32, #tpu.memory_space<vmem>>
      %dma_wait3A_221 = tpu.memref_slice %arg9[%mul3A_215] : memref<6400xi32, #tpu.memory_space<vmem>> -> memref<128xi32, #tpu.memory_space<vmem>>
      %dma_wait3A_222 = arith.constant 0 : i32
      %dma_wait3A_223 = arith.constant 0 : i32
      %dma_wait3A_224 = tpu.memref_slice %arg2[%dma_wait3A_222, %dma_wait3A_223] : memref<100000x64xf32, #tpu.memory_space<hbm>> -> memref<100000x64xf32, #tpu.memory_space<hbm>>
      tpu.wait_indirect_dma semaphore(%arg14 : memref<!tpu.dma_semaphore, #tpu.memory_space<semaphore_mem>>) src(%dma_wait3A_224 : memref<100000x64xf32, #tpu.memory_space<hbm>>) dst(%dma_wait3A_220 : memref<128x64xf32, #tpu.memory_space<vmem>>)
      %mul3A_225 = arith.constant 5 : i32
      %mul3A_226 = arith.muli %add3A_209, %mul3A_225 : i32
      %add3A_227 = arith.constant 1 : i32
      %add3A_228 = arith.addi %mul3A_226, %add3A_227 : i32
      %mul3A_229 = arith.constant 128 : i32
      %mul3A_230 = arith.muli %add3A_228, %mul3A_229 : i32
      %dma_wait3A_231 = arith.constant 1 : i32
      %dma_wait3A_232 = arith.constant 0 : i32
      %dma_wait3A_233 = arith.constant 0 : i32
      %dma_wait3A_234 = tpu.memref_slice %arg11[%dma_wait3A_231, %dma_wait3A_232, %dma_wait3A_233] : memref<5x128x64xf32, #tpu.memory_space<vmem>> -> memref<1x128x64xf32, #tpu.memory_space<vmem>>
      %dma_wait3A_235 = tpu.memref_squeeze %dma_wait3A_234 : memref<1x128x64xf32, #tpu.memory_space<vmem>> -> memref<128x64xf32, #tpu.memory_space<vmem>>
      %dma_wait3A_236 = tpu.memref_slice %arg9[%mul3A_230] : memref<6400xi32, #tpu.memory_space<vmem>> -> memref<128xi32, #tpu.memory_space<vmem>>
      %dma_wait3A_237 = arith.constant 0 : i32
      %dma_wait3A_238 = arith.constant 0 : i32
      %dma_wait3A_239 = tpu.memref_slice %arg2[%dma_wait3A_237, %dma_wait3A_238] : memref<100000x64xf32, #tpu.memory_space<hbm>> -> memref<100000x64xf32, #tpu.memory_space<hbm>>
      tpu.wait_indirect_dma semaphore(%arg14 : memref<!tpu.dma_semaphore, #tpu.memory_space<semaphore_mem>>) src(%dma_wait3A_239 : memref<100000x64xf32, #tpu.memory_space<hbm>>) dst(%dma_wait3A_235 : memref<128x64xf32, #tpu.memory_space<vmem>>)
      %mul3A_240 = arith.constant 5 : i32
      %mul3A_241 = arith.muli %add3A_209, %mul3A_240 : i32
      %add3A_242 = arith.constant 2 : i32
      %add3A_243 = arith.addi %mul3A_241, %add3A_242 : i32
      %mul3A_244 = arith.constant 128 : i32
      %mul3A_245 = arith.muli %add3A_243, %mul3A_244 : i32
      %dma_wait3A_246 = arith.constant 2 : i32
      %dma_wait3A_247 = arith.constant 0 : i32
      %dma_wait3A_248 = arith.constant 0 : i32
      %dma_wait3A_249 = tpu.memref_slice %arg11[%dma_wait3A_246, %dma_wait3A_247, %dma_wait3A_248] : memref<5x128x64xf32, #tpu.memory_space<vmem>> -> memref<1x128x64xf32, #tpu.memory_space<vmem>>
      %dma_wait3A_250 = tpu.memref_squeeze %dma_wait3A_249 : memref<1x128x64xf32, #tpu.memory_space<vmem>> -> memref<128x64xf32, #tpu.memory_space<vmem>>
      %dma_wait3A_251 = tpu.memref_slice %arg9[%mul3A_245] : memref<6400xi32, #tpu.memory_space<vmem>> -> memref<128xi32, #tpu.memory_space<vmem>>
      %dma_wait3A_252 = arith.constant 0 : i32
      %dma_wait3A_253 = arith.constant 0 : i32
      %dma_wait3A_254 = tpu.memref_slice %arg2[%dma_wait3A_252, %dma_wait3A_253] : memref<100000x64xf32, #tpu.memory_space<hbm>> -> memref<100000x64xf32, #tpu.memory_space<hbm>>
      tpu.wait_indirect_dma semaphore(%arg14 : memref<!tpu.dma_semaphore, #tpu.memory_space<semaphore_mem>>) src(%dma_wait3A_254 : memref<100000x64xf32, #tpu.memory_space<hbm>>) dst(%dma_wait3A_250 : memref<128x64xf32, #tpu.memory_space<vmem>>)
      %mul3A_255 = arith.constant 5 : i32
      %mul3A_256 = arith.muli %add3A_209, %mul3A_255 : i32
      %add3A_257 = arith.constant 3 : i32
      %add3A_258 = arith.addi %mul3A_256, %add3A_257 : i32
      %mul3A_259 = arith.constant 128 : i32
      %mul3A_260 = arith.muli %add3A_258, %mul3A_259 : i32
      %dma_wait3A_261 = arith.constant 3 : i32
      %dma_wait3A_262 = arith.constant 0 : i32
      %dma_wait3A_263 = arith.constant 0 : i32
      %dma_wait3A_264 = tpu.memref_slice %arg11[%dma_wait3A_261, %dma_wait3A_262, %dma_wait3A_263] : memref<5x128x64xf32, #tpu.memory_space<vmem>> -> memref<1x128x64xf32, #tpu.memory_space<vmem>>
      %dma_wait3A_265 = tpu.memref_squeeze %dma_wait3A_264 : memref<1x128x64xf32, #tpu.memory_space<vmem>> -> memref<128x64xf32, #tpu.memory_space<vmem>>
      %dma_wait3A_266 = tpu.memref_slice %arg9[%mul3A_260] : memref<6400xi32, #tpu.memory_space<vmem>> -> memref<128xi32, #tpu.memory_space<vmem>>
      %dma_wait3A_267 = arith.constant 0 : i32
      %dma_wait3A_268 = arith.constant 0 : i32
      %dma_wait3A_269 = tpu.memref_slice %arg2[%dma_wait3A_267, %dma_wait3A_268] : memref<100000x64xf32, #tpu.memory_space<hbm>> -> memref<100000x64xf32, #tpu.memory_space<hbm>>
      tpu.wait_indirect_dma semaphore(%arg14 : memref<!tpu.dma_semaphore, #tpu.memory_space<semaphore_mem>>) src(%dma_wait3A_269 : memref<100000x64xf32, #tpu.memory_space<hbm>>) dst(%dma_wait3A_265 : memref<128x64xf32, #tpu.memory_space<vmem>>)
      %mul3A_270 = arith.constant 5 : i32
      %mul3A_271 = arith.muli %add3A_209, %mul3A_270 : i32
      %add3A_272 = arith.constant 4 : i32
      %add3A_273 = arith.addi %mul3A_271, %add3A_272 : i32
      %mul3A_274 = arith.constant 128 : i32
      %mul3A_275 = arith.muli %add3A_273, %mul3A_274 : i32
      %dma_wait3A_276 = arith.constant 4 : i32
      %dma_wait3A_277 = arith.constant 0 : i32
      %dma_wait3A_278 = arith.constant 0 : i32
      %dma_wait3A_279 = tpu.memref_slice %arg11[%dma_wait3A_276, %dma_wait3A_277, %dma_wait3A_278] : memref<5x128x64xf32, #tpu.memory_space<vmem>> -> memref<1x128x64xf32, #tpu.memory_space<vmem>>
      %dma_wait3A_280 = tpu.memref_squeeze %dma_wait3A_279 : memref<1x128x64xf32, #tpu.memory_space<vmem>> -> memref<128x64xf32, #tpu.memory_space<vmem>>
      %dma_wait3A_281 = tpu.memref_slice %arg9[%mul3A_275] : memref<6400xi32, #tpu.memory_space<vmem>> -> memref<128xi32, #tpu.memory_space<vmem>>
      %dma_wait3A_282 = arith.constant 0 : i32
      %dma_wait3A_283 = arith.constant 0 : i32
      %dma_wait3A_284 = tpu.memref_slice %arg2[%dma_wait3A_282, %dma_wait3A_283] : memref<100000x64xf32, #tpu.memory_space<hbm>> -> memref<100000x64xf32, #tpu.memory_space<hbm>>
      tpu.wait_indirect_dma semaphore(%arg14 : memref<!tpu.dma_semaphore, #tpu.memory_space<semaphore_mem>>) src(%dma_wait3A_284 : memref<100000x64xf32, #tpu.memory_space<hbm>>) dst(%dma_wait3A_280 : memref<128x64xf32, #tpu.memory_space<vmem>>)
      %mul3A_285 = arith.constant 5 : i32
      %mul3A_286 = arith.muli %add3A_209, %mul3A_285 : i32
      "tpu.region"() ({
        %run_scoped3A = tpu.sem_alloc : memref<!tpu.dma_semaphore, #tpu.memory_space<semaphore_mem>>
        %dma_start3A_294 = arith.constant 0 : i32
        %dma_start3A_295 = tpu.memref_slice %arg6[%mul3A_286, %mul3A_2, %dma_start3A_294] : memref<50x4096x64xf32, #tpu.memory_space<hbm>> -> memref<5x128x64xf32, #tpu.memory_space<hbm>>
        %dma_start3A_296 = arith.constant 0 : i32
        %dma_start3A_297 = tpu.memref_slice %arg6[%mul3A_286, %mul3A_2, %dma_start3A_296] : memref<50x4096x64xf32, #tpu.memory_space<hbm>> -> memref<5x128x64xf32, #tpu.memory_space<hbm>>
        tpu.enqueue_dma source(%arg11 : memref<5x128x64xf32, #tpu.memory_space<vmem>>) target(%dma_start3A_297 : memref<5x128x64xf32, #tpu.memory_space<hbm>>) target_semaphore(%run_scoped3A : memref<!tpu.dma_semaphore, #tpu.memory_space<semaphore_mem>>)
        %dma_wait3A_298 = arith.constant 0 : i32
        %dma_wait3A_299 = tpu.memref_slice %arg6[%mul3A_286, %mul3A_2, %dma_wait3A_298] : memref<50x4096x64xf32, #tpu.memory_space<hbm>> -> memref<5x128x64xf32, #tpu.memory_space<hbm>>
        %dma_wait3A_300 = arith.constant 0 : i32
        %dma_wait3A_301 = tpu.memref_slice %arg6[%mul3A_286, %mul3A_2, %dma_wait3A_300] : memref<50x4096x64xf32, #tpu.memory_space<hbm>> -> memref<5x128x64xf32, #tpu.memory_space<hbm>>
        tpu.wait_dma2 semaphore(%run_scoped3A : memref<!tpu.dma_semaphore, #tpu.memory_space<semaphore_mem>>) src(%arg11 : memref<5x128x64xf32, #tpu.memory_space<vmem>>) dst(%dma_wait3A_301 : memref<5x128x64xf32, #tpu.memory_space<hbm>>)
        tpu.yield
      }) : () -> ()
      %add3A_287 = arith.constant 2 : i32
      %add3A_288 = arith.addi %add3A_209, %add3A_287 : i32
      %lt3A_289 = arith.constant 10 : i32
      %lt3A_290 = arith.cmpi slt, %add3A_288, %lt3A_289 : i32
      %convert_element_type3A_291 = arith.extui %lt3A_290 : i1 to i32
      %cond3A_292 = arith.constant 0 : i32
      %cond3A_293 = arith.cmpi ne, %convert_element_type3A_291, %cond3A_292 : i32
      scf.if %cond3A_293 {
        %add3A_294 = arith.constant 2 : i32
        %add3A_295 = arith.addi %add3A_209, %add3A_294 : i32
        %mul3A_296 = arith.constant 5 : i32
        %mul3A_297 = arith.muli %add3A_295, %mul3A_296 : i32
        %add3A_298 = arith.constant 0 : i32
        %add3A_299 = arith.addi %mul3A_297, %add3A_298 : i32
        %mul3A_300 = arith.constant 128 : i32
        %mul3A_301 = arith.muli %add3A_299, %mul3A_300 : i32
        %dma_start3A_302 = arith.constant 0 : i32
        %dma_start3A_303 = arith.constant 0 : i32
        %dma_start3A_304 = arith.constant 0 : i32
        %dma_start3A_305 = tpu.memref_slice %arg11[%dma_start3A_302, %dma_start3A_303, %dma_start3A_304] : memref<5x128x64xf32, #tpu.memory_space<vmem>> -> memref<1x128x64xf32, #tpu.memory_space<vmem>>
        %dma_start3A_306 = tpu.memref_squeeze %dma_start3A_305 : memref<1x128x64xf32, #tpu.memory_space<vmem>> -> memref<128x64xf32, #tpu.memory_space<vmem>>
        %dma_start3A_307 = tpu.memref_slice %arg9[%mul3A_301] : memref<6400xi32, #tpu.memory_space<vmem>> -> memref<128xi32, #tpu.memory_space<vmem>>
        %dma_start3A_308 = arith.constant 0 : i32
        %dma_start3A_309 = arith.constant 0 : i32
        %dma_start3A_310 = tpu.memref_slice %arg2[%dma_start3A_308, %dma_start3A_309] : memref<100000x64xf32, #tpu.memory_space<hbm>> -> memref<100000x64xf32, #tpu.memory_space<hbm>>
        tpu.enqueue_indirect_dma source(%dma_start3A_310 : memref<100000x64xf32, #tpu.memory_space<hbm>>) target(%dma_start3A_306 : memref<128x64xf32, #tpu.memory_space<vmem>>) offsets(%dma_start3A_307 : memref<128xi32, #tpu.memory_space<vmem>>) semaphore(%arg14 : memref<!tpu.dma_semaphore, #tpu.memory_space<semaphore_mem>>)
        %mul3A_311 = arith.constant 5 : i32
        %mul3A_312 = arith.muli %add3A_295, %mul3A_311 : i32
        %add3A_313 = arith.constant 1 : i32
        %add3A_314 = arith.addi %mul3A_312, %add3A_313 : i32
        %mul3A_315 = arith.constant 128 : i32
        %mul3A_316 = arith.muli %add3A_314, %mul3A_315 : i32
        %dma_start3A_317 = arith.constant 1 : i32
        %dma_start3A_318 = arith.constant 0 : i32
        %dma_start3A_319 = arith.constant 0 : i32
        %dma_start3A_320 = tpu.memref_slice %arg11[%dma_start3A_317, %dma_start3A_318, %dma_start3A_319] : memref<5x128x64xf32, #tpu.memory_space<vmem>> -> memref<1x128x64xf32, #tpu.memory_space<vmem>>
        %dma_start3A_321 = tpu.memref_squeeze %dma_start3A_320 : memref<1x128x64xf32, #tpu.memory_space<vmem>> -> memref<128x64xf32, #tpu.memory_space<vmem>>
        %dma_start3A_322 = tpu.memref_slice %arg9[%mul3A_316] : memref<6400xi32, #tpu.memory_space<vmem>> -> memref<128xi32, #tpu.memory_space<vmem>>
        %dma_start3A_323 = arith.constant 0 : i32
        %dma_start3A_324 = arith.constant 0 : i32
        %dma_start3A_325 = tpu.memref_slice %arg2[%dma_start3A_323, %dma_start3A_324] : memref<100000x64xf32, #tpu.memory_space<hbm>> -> memref<100000x64xf32, #tpu.memory_space<hbm>>
        tpu.enqueue_indirect_dma source(%dma_start3A_325 : memref<100000x64xf32, #tpu.memory_space<hbm>>) target(%dma_start3A_321 : memref<128x64xf32, #tpu.memory_space<vmem>>) offsets(%dma_start3A_322 : memref<128xi32, #tpu.memory_space<vmem>>) semaphore(%arg14 : memref<!tpu.dma_semaphore, #tpu.memory_space<semaphore_mem>>)
        %mul3A_326 = arith.constant 5 : i32
        %mul3A_327 = arith.muli %add3A_295, %mul3A_326 : i32
        %add3A_328 = arith.constant 2 : i32
        %add3A_329 = arith.addi %mul3A_327, %add3A_328 : i32
        %mul3A_330 = arith.constant 128 : i32
        %mul3A_331 = arith.muli %add3A_329, %mul3A_330 : i32
        %dma_start3A_332 = arith.constant 2 : i32
        %dma_start3A_333 = arith.constant 0 : i32
        %dma_start3A_334 = arith.constant 0 : i32
        %dma_start3A_335 = tpu.memref_slice %arg11[%dma_start3A_332, %dma_start3A_333, %dma_start3A_334] : memref<5x128x64xf32, #tpu.memory_space<vmem>> -> memref<1x128x64xf32, #tpu.memory_space<vmem>>
        %dma_start3A_336 = tpu.memref_squeeze %dma_start3A_335 : memref<1x128x64xf32, #tpu.memory_space<vmem>> -> memref<128x64xf32, #tpu.memory_space<vmem>>
        %dma_start3A_337 = tpu.memref_slice %arg9[%mul3A_331] : memref<6400xi32, #tpu.memory_space<vmem>> -> memref<128xi32, #tpu.memory_space<vmem>>
        %dma_start3A_338 = arith.constant 0 : i32
        %dma_start3A_339 = arith.constant 0 : i32
        %dma_start3A_340 = tpu.memref_slice %arg2[%dma_start3A_338, %dma_start3A_339] : memref<100000x64xf32, #tpu.memory_space<hbm>> -> memref<100000x64xf32, #tpu.memory_space<hbm>>
        tpu.enqueue_indirect_dma source(%dma_start3A_340 : memref<100000x64xf32, #tpu.memory_space<hbm>>) target(%dma_start3A_336 : memref<128x64xf32, #tpu.memory_space<vmem>>) offsets(%dma_start3A_337 : memref<128xi32, #tpu.memory_space<vmem>>) semaphore(%arg14 : memref<!tpu.dma_semaphore, #tpu.memory_space<semaphore_mem>>)
        %mul3A_341 = arith.constant 5 : i32
        %mul3A_342 = arith.muli %add3A_295, %mul3A_341 : i32
        %add3A_343 = arith.constant 3 : i32
        %add3A_344 = arith.addi %mul3A_342, %add3A_343 : i32
        %mul3A_345 = arith.constant 128 : i32
        %mul3A_346 = arith.muli %add3A_344, %mul3A_345 : i32
        %dma_start3A_347 = arith.constant 3 : i32
        %dma_start3A_348 = arith.constant 0 : i32
        %dma_start3A_349 = arith.constant 0 : i32
        %dma_start3A_350 = tpu.memref_slice %arg11[%dma_start3A_347, %dma_start3A_348, %dma_start3A_349] : memref<5x128x64xf32, #tpu.memory_space<vmem>> -> memref<1x128x64xf32, #tpu.memory_space<vmem>>
        %dma_start3A_351 = tpu.memref_squeeze %dma_start3A_350 : memref<1x128x64xf32, #tpu.memory_space<vmem>> -> memref<128x64xf32, #tpu.memory_space<vmem>>
        %dma_start3A_352 = tpu.memref_slice %arg9[%mul3A_346] : memref<6400xi32, #tpu.memory_space<vmem>> -> memref<128xi32, #tpu.memory_space<vmem>>
        %dma_start3A_353 = arith.constant 0 : i32
        %dma_start3A_354 = arith.constant 0 : i32
        %dma_start3A_355 = tpu.memref_slice %arg2[%dma_start3A_353, %dma_start3A_354] : memref<100000x64xf32, #tpu.memory_space<hbm>> -> memref<100000x64xf32, #tpu.memory_space<hbm>>
        tpu.enqueue_indirect_dma source(%dma_start3A_355 : memref<100000x64xf32, #tpu.memory_space<hbm>>) target(%dma_start3A_351 : memref<128x64xf32, #tpu.memory_space<vmem>>) offsets(%dma_start3A_352 : memref<128xi32, #tpu.memory_space<vmem>>) semaphore(%arg14 : memref<!tpu.dma_semaphore, #tpu.memory_space<semaphore_mem>>)
        %mul3A_356 = arith.constant 5 : i32
        %mul3A_357 = arith.muli %add3A_295, %mul3A_356 : i32
        %add3A_358 = arith.constant 4 : i32
        %add3A_359 = arith.addi %mul3A_357, %add3A_358 : i32
        %mul3A_360 = arith.constant 128 : i32
        %mul3A_361 = arith.muli %add3A_359, %mul3A_360 : i32
        %dma_start3A_362 = arith.constant 4 : i32
        %dma_start3A_363 = arith.constant 0 : i32
        %dma_start3A_364 = arith.constant 0 : i32
        %dma_start3A_365 = tpu.memref_slice %arg11[%dma_start3A_362, %dma_start3A_363, %dma_start3A_364] : memref<5x128x64xf32, #tpu.memory_space<vmem>> -> memref<1x128x64xf32, #tpu.memory_space<vmem>>
        %dma_start3A_366 = tpu.memref_squeeze %dma_start3A_365 : memref<1x128x64xf32, #tpu.memory_space<vmem>> -> memref<128x64xf32, #tpu.memory_space<vmem>>
        %dma_start3A_367 = tpu.memref_slice %arg9[%mul3A_361] : memref<6400xi32, #tpu.memory_space<vmem>> -> memref<128xi32, #tpu.memory_space<vmem>>
        %dma_start3A_368 = arith.constant 0 : i32
        %dma_start3A_369 = arith.constant 0 : i32
        %dma_start3A_370 = tpu.memref_slice %arg2[%dma_start3A_368, %dma_start3A_369] : memref<100000x64xf32, #tpu.memory_space<hbm>> -> memref<100000x64xf32, #tpu.memory_space<hbm>>
        tpu.enqueue_indirect_dma source(%dma_start3A_370 : memref<100000x64xf32, #tpu.memory_space<hbm>>) target(%dma_start3A_366 : memref<128x64xf32, #tpu.memory_space<vmem>>) offsets(%dma_start3A_367 : memref<128xi32, #tpu.memory_space<vmem>>) semaphore(%arg14 : memref<!tpu.dma_semaphore, #tpu.memory_space<semaphore_mem>>)
      } else {
      }
    }
    %scan3A_117 = arith.constant 5 : i32
    %dma_wait3A = arith.constant 0 : i32
    %dma_wait3A_118 = arith.constant 0 : i32
    %dma_wait3A_119 = tpu.memref_slice %arg2[%dma_wait3A, %dma_wait3A_118] : memref<100000x64xf32, #tpu.memory_space<hbm>> -> memref<100000x64xf32, #tpu.memory_space<hbm>>
    tpu.wait_indirect_dma semaphore(%arg15 : memref<!tpu.dma_semaphore, #tpu.memory_space<semaphore_mem>>) src(%dma_wait3A_119 : memref<100000x64xf32, #tpu.memory_space<hbm>>) dst(%arg12 : memref<128x64xf32, #tpu.memory_space<vmem>>)
    "tpu.region"() ({
      %run_scoped3A = tpu.sem_alloc : memref<!tpu.dma_semaphore, #tpu.memory_space<semaphore_mem>>
      %dma_start3A_120 = arith.constant 0 : i32
      %dma_start3A_121 = tpu.memref_slice %arg5[%mul3A_2, %dma_start3A_120] : memref<4096x64xf32, #tpu.memory_space<hbm>> -> memref<128x64xf32, #tpu.memory_space<hbm>>
      %dma_start3A_122 = arith.constant 0 : i32
      %dma_start3A_123 = tpu.memref_slice %arg5[%mul3A_2, %dma_start3A_122] : memref<4096x64xf32, #tpu.memory_space<hbm>> -> memref<128x64xf32, #tpu.memory_space<hbm>>
      tpu.enqueue_dma source(%arg12 : memref<128x64xf32, #tpu.memory_space<vmem>>) target(%dma_start3A_123 : memref<128x64xf32, #tpu.memory_space<hbm>>) target_semaphore(%run_scoped3A : memref<!tpu.dma_semaphore, #tpu.memory_space<semaphore_mem>>)
      %dma_wait3A_124 = arith.constant 0 : i32
      %dma_wait3A_125 = tpu.memref_slice %arg5[%mul3A_2, %dma_wait3A_124] : memref<4096x64xf32, #tpu.memory_space<hbm>> -> memref<128x64xf32, #tpu.memory_space<hbm>>
      %dma_wait3A_126 = arith.constant 0 : i32
      %dma_wait3A_127 = tpu.memref_slice %arg5[%mul3A_2, %dma_wait3A_126] : memref<4096x64xf32, #tpu.memory_space<hbm>> -> memref<128x64xf32, #tpu.memory_space<hbm>>
      tpu.wait_dma2 semaphore(%run_scoped3A : memref<!tpu.dma_semaphore, #tpu.memory_space<semaphore_mem>>) src(%arg12 : memref<128x64xf32, #tpu.memory_space<vmem>>) dst(%dma_wait3A_127 : memref<128x64xf32, #tpu.memory_space<hbm>>)
      tpu.yield
    }) : () -> ()
    return
  }
}

module attributes {stable_mosaic.version = 14 : i64} {
  func.func @_tc_body(%arg0: i32, %arg1: memref<64x128xf32, #tpu.memory_space<vmem>>, %arg2: memref<64x128xf32, #tpu.memory_space<vmem>>, %arg3: memref<10x64x128xf32, #tpu.memory_space<vmem>>, %arg4: memref<50x64x128xf32, #tpu.memory_space<vmem>>, %arg5: memref<64x9xf32, #tpu.memory_space<vmem>>, %arg6: memref<64x9xf32, #tpu.memory_space<vmem>>, %arg7: memref<5x128x120xf32, #tpu.memory_space<vmem>>, %arg8: memref<1x120xf32, #tpu.memory_space<vmem>>, %arg9: memref<48x120xf32, #tpu.memory_space<vmem>>, %arg10: memref<128x2xf32, #tpu.memory_space<vmem>>, %arg11: memref<69x64xf32, #tpu.memory_space<vmem>>, %arg12: memref<1x64xf32, #tpu.memory_space<vmem>>, %arg13: memref<64x32xf32, #tpu.memory_space<vmem>>, %arg14: memref<1x32xf32, #tpu.memory_space<vmem>>, %arg15: memref<32x64xf32, #tpu.memory_space<vmem>>, %arg16: memref<1x64xf32, #tpu.memory_space<vmem>>, %arg17: memref<64x8xf32, #tpu.memory_space<vmem>>, %arg18: memref<1x8xf32, #tpu.memory_space<vmem>>, %arg19: memref<8x6xf32, #tpu.memory_space<vmem>>, %arg20: memref<1x6xf32, #tpu.memory_space<vmem>>, %arg21: memref<6x2xf32, #tpu.memory_space<vmem>>, %arg22: memref<1x2xf32, #tpu.memory_space<vmem>>, %arg23: memref<64x4xf32, #tpu.memory_space<vmem>>, %arg24: memref<1x1xf32, #tpu.memory_space<vmem>>) attributes {dimension_semantics = [#tpu.dimension_semantics<arbitrary>], iteration_bounds = array<i64: 32>, scalar_prefetch = 0 : i64, scratch_operands = 0 : i64, tpu.core_type = #tpu.core_type<tc>, window_params = [{transform_indices = @transform_0, window_bounds = array<i64: 64, 128>}, {transform_indices = @transform_1, window_bounds = array<i64: 64, 128>}, {transform_indices = @transform_2, window_bounds = array<i64: 10, 64, 128>}, {transform_indices = @transform_3, window_bounds = array<i64: 50, 64, 128>}, {transform_indices = @transform_4, window_bounds = array<i64: 64, 9>}, {transform_indices = @transform_5, window_bounds = array<i64: 64, 9>}, {pipeline_mode = #tpu.pipeline_mode<synchronous>, transform_indices = @transform_6, window_bounds = array<i64: 5, 128, 120>}, {pipeline_mode = #tpu.pipeline_mode<synchronous>, transform_indices = @transform_7, window_bounds = array<i64: 1, 120>}, {pipeline_mode = #tpu.pipeline_mode<synchronous>, transform_indices = @transform_8, window_bounds = array<i64: 48, 120>}, {pipeline_mode = #tpu.pipeline_mode<synchronous>, transform_indices = @transform_9, window_bounds = array<i64: 128, 2>}, {pipeline_mode = #tpu.pipeline_mode<synchronous>, transform_indices = @transform_10, window_bounds = array<i64: 69, 64>}, {pipeline_mode = #tpu.pipeline_mode<synchronous>, transform_indices = @transform_11, window_bounds = array<i64: 1, 64>}, {pipeline_mode = #tpu.pipeline_mode<synchronous>, transform_indices = @transform_12, window_bounds = array<i64: 64, 32>}, {pipeline_mode = #tpu.pipeline_mode<synchronous>, transform_indices = @transform_13, window_bounds = array<i64: 1, 32>}, {pipeline_mode = #tpu.pipeline_mode<synchronous>, transform_indices = @transform_14, window_bounds = array<i64: 32, 64>}, {pipeline_mode = #tpu.pipeline_mode<synchronous>, transform_indices = @transform_15, window_bounds = array<i64: 1, 64>}, {pipeline_mode = #tpu.pipeline_mode<synchronous>, transform_indices = @transform_16, window_bounds = array<i64: 64, 8>}, {pipeline_mode = #tpu.pipeline_mode<synchronous>, transform_indices = @transform_17, window_bounds = array<i64: 1, 8>}, {pipeline_mode = #tpu.pipeline_mode<synchronous>, transform_indices = @transform_18, window_bounds = array<i64: 8, 6>}, {pipeline_mode = #tpu.pipeline_mode<synchronous>, transform_indices = @transform_19, window_bounds = array<i64: 1, 6>}, {pipeline_mode = #tpu.pipeline_mode<synchronous>, transform_indices = @transform_20, window_bounds = array<i64: 6, 2>}, {pipeline_mode = #tpu.pipeline_mode<synchronous>, transform_indices = @transform_21, window_bounds = array<i64: 1, 2>}, {transform_indices = @transform_22, window_bounds = array<i64: 64, 4>}, {pipeline_mode = #tpu.pipeline_mode<synchronous>, transform_indices = @transform_23, window_bounds = array<i64: 1, 1>}]} {
    %get3A = arith.constant 0 : index
    %get3A_0 = arith.constant 0 : index
    %get3A_1 = vector.load %arg10[%get3A, %get3A_0] : memref<128x2xf32, #tpu.memory_space<vmem>>, vector<128x2xf32>
    %get3A_2 = arith.constant 0 : index
    %get3A_3 = arith.constant 0 : index
    %get3A_4 = vector.load %arg1[%get3A_2, %get3A_3] : memref<64x128xf32, #tpu.memory_space<vmem>>, vector<64x128xf32>
    %get3A_5 = arith.constant 0 : index
    %get3A_6 = arith.constant 0 : index
    %get3A_7 = vector.load %arg2[%get3A_5, %get3A_6] : memref<64x128xf32, #tpu.memory_space<vmem>>, vector<64x128xf32>
    %mul3A = arith.mulf %get3A_4, %get3A_7 : vector<64x128xf32>
    %dot_general3A = arith.constant dense<0.000000e+00> : vector<64x2xf32>
    %dot_general3A_8 = tpu.matmul %mul3A, %get3A_1, %dot_general3A {dimension_numbers = #tpu.dot_dimension_numbers<[1], [0], [0], [1], [0, 0, 1, 1], [], []>, transpose_lhs_hint = false} : vector<64x128xf32>, vector<128x2xf32>, vector<64x2xf32> -> vector<64x2xf32>
    %min3A = arith.constant 0.000000e+00 : f32
    %min3A_9 = vector.broadcast %min3A : f32 to vector<64x2xf32>
    %min3A_10 = arith.minimumf %dot_general3A_8, %min3A_9 : vector<64x2xf32>
    %abs3A = math.absf %dot_general3A_8 : vector<64x2xf32>
    %neg3A = arith.constant 0.000000e+00 : f32
    %neg3A_11 = vector.broadcast %neg3A : f32 to vector<64x2xf32>
    %neg3A_12 = arith.subf %neg3A_11, %abs3A : vector<64x2xf32>
    %exp3A = math.exp %neg3A_12 : vector<64x2xf32>
    %add3A = arith.constant 1.000000e+00 : f32
    %add3A_13 = vector.broadcast %add3A : f32 to vector<64x2xf32>
    %add3A_14 = arith.addf %add3A_13, %exp3A : vector<64x2xf32>
    %log3A = math.log %add3A_14 : vector<64x2xf32>
    %sub3A = arith.subf %min3A_10, %log3A : vector<64x2xf32>
    %get3A_15 = arith.constant 0 : index
    %get3A_16 = arith.constant 0 : index
    %get3A_17 = arith.constant 0 : index
    %get3A_18 = vector.load %arg3[%get3A_15, %get3A_16, %get3A_17] : memref<10x64x128xf32, #tpu.memory_space<vmem>>, vector<10x64x128xf32>
    %broadcast_in_dim3A = vector.shape_cast %get3A_4 : vector<64x128xf32> to vector<1x64x128xf32>
    %mul3A_19 = vector.broadcast %broadcast_in_dim3A : vector<1x64x128xf32> to vector<10x64x128xf32>
    %mul3A_20 = arith.mulf %get3A_18, %mul3A_19 : vector<10x64x128xf32>
    %reshape3A = vector.shape_cast %mul3A_20 : vector<10x64x128xf32> to vector<640x128xf32>
    %dot_general3A_21 = arith.constant dense<0.000000e+00> : vector<640x2xf32>
    %dot_general3A_22 = tpu.matmul %reshape3A, %get3A_1, %dot_general3A_21 {dimension_numbers = #tpu.dot_dimension_numbers<[1], [0], [0], [1], [0, 0, 1, 1], [], []>, transpose_lhs_hint = false} : vector<640x128xf32>, vector<128x2xf32>, vector<640x2xf32> -> vector<640x2xf32>
    %neg3A_23 = arith.constant 0.000000e+00 : f32
    %neg3A_24 = vector.broadcast %neg3A_23 : f32 to vector<640x2xf32>
    %neg3A_25 = arith.subf %neg3A_24, %dot_general3A_22 : vector<640x2xf32>
    %min3A_26 = arith.constant 0.000000e+00 : f32
    %min3A_27 = vector.broadcast %min3A_26 : f32 to vector<640x2xf32>
    %min3A_28 = arith.minimumf %neg3A_25, %min3A_27 : vector<640x2xf32>
    %abs3A_29 = math.absf %neg3A_25 : vector<640x2xf32>
    %neg3A_30 = arith.constant 0.000000e+00 : f32
    %neg3A_31 = vector.broadcast %neg3A_30 : f32 to vector<640x2xf32>
    %neg3A_32 = arith.subf %neg3A_31, %abs3A_29 : vector<640x2xf32>
    %exp3A_33 = math.exp %neg3A_32 : vector<640x2xf32>
    %add3A_34 = arith.constant 1.000000e+00 : f32
    %add3A_35 = vector.broadcast %add3A_34 : f32 to vector<640x2xf32>
    %add3A_36 = arith.addf %add3A_35, %exp3A_33 : vector<640x2xf32>
    %log3A_37 = math.log %add3A_36 : vector<640x2xf32>
    %sub3A_38 = arith.subf %min3A_28, %log3A_37 : vector<640x2xf32>
    %reshape3A_39 = vector.shape_cast %sub3A_38 : vector<640x2xf32> to vector<10x64x2xf32>
    %reduce_sum3A = arith.constant dense<0.000000e+00> : vector<64x2xf32>
    %reduce_sum3A_40 = vector.multi_reduction <add>, %reshape3A_39, %reduce_sum3A [0] : vector<10x64x2xf32> to vector<64x2xf32>
    %add3A_41 = arith.addf %sub3A, %reduce_sum3A_40 : vector<64x2xf32>
    %reduce_sum3A_42 = vector.shape_cast %add3A_41 : vector<64x2xf32> to vector<1x64x2xf32>
    %reduce_sum3A_43 = arith.constant dense<0.000000e+00> : vector<1xf32>
    %reduce_sum3A_44 = vector.multi_reduction <add>, %reduce_sum3A_42, %reduce_sum3A_43 [1, 2] : vector<1x64x2xf32> to vector<1xf32>
    %reduce_sum3A_45 = vector.shape_cast %reduce_sum3A_44 : vector<1xf32> to vector<1x1x1xf32>
    %reduce_sum3A_46 = vector.extract %reduce_sum3A_45[0, 0, 0] : f32 from vector<1x1x1xf32>
    %eq3A = arith.constant 0 : i32
    %eq3A_47 = arith.cmpi eq, %arg0, %eq3A : i32
    %convert_element_type3A = arith.extui %eq3A_47 : i1 to i32
    %cond3A = arith.constant 0 : i32
    %cond3A_48 = arith.cmpi ne, %convert_element_type3A, %cond3A : i32
    scf.if %cond3A_48 {
      %broadcast_in_dim3A_223 = arith.constant 0.000000e+00 : f32
      %broadcast_in_dim3A_224 = vector.broadcast %broadcast_in_dim3A_223 : f32 to vector<1x1xf32>
      %swap3A_225 = arith.constant 0 : index
      %swap3A_226 = arith.constant 0 : index
      %swap3A_227 = vector.load %arg24[%swap3A_225, %swap3A_226] : memref<1x1xf32, #tpu.memory_space<vmem>>, vector<1x1xf32>
      tpu.vector_store %arg24[%swap3A_225, %swap3A_226], %broadcast_in_dim3A_224 {strides = array<i32>} : memref<1x1xf32, #tpu.memory_space<vmem>>, vector<1x1xf32>,
    } else {
    }
    %get3A_49 = arith.constant 0 : index
    %get3A_50 = arith.constant 0 : index
    %get3A_51 = vector.load %arg24[%get3A_49, %get3A_50] : memref<1x1xf32, #tpu.memory_space<vmem>>, vector<1x1xf32>
    %add3A_52 = vector.broadcast %reduce_sum3A_46 : f32 to vector<1x1xf32>
    %add3A_53 = arith.addf %get3A_51, %add3A_52 : vector<1x1xf32>
    %swap3A = arith.constant 0 : index
    %swap3A_54 = arith.constant 0 : index
    %swap3A_55 = vector.load %arg24[%swap3A, %swap3A_54] : memref<1x1xf32, #tpu.memory_space<vmem>>, vector<1x1xf32>
    tpu.vector_store %arg24[%swap3A, %swap3A_54], %add3A_53 {strides = array<i32>} : memref<1x1xf32, #tpu.memory_space<vmem>>, vector<1x1xf32>,
    %eq3A_56 = arith.constant 31 : i32
    %eq3A_57 = arith.cmpi eq, %arg0, %eq3A_56 : i32
    %convert_element_type3A_58 = arith.extui %eq3A_57 : i1 to i32
    %cond3A_59 = arith.constant 0 : i32
    %cond3A_60 = arith.cmpi ne, %convert_element_type3A_58, %cond3A_59 : i32
    scf.if %cond3A_60 {
      %get3A_223 = arith.constant 0 : index
      %get3A_224 = arith.constant 0 : index
      %get3A_225 = vector.load %arg24[%get3A_223, %get3A_224] : memref<1x1xf32, #tpu.memory_space<vmem>>, vector<1x1xf32>
      %mul3A_226 = arith.constant -2.44140625E-4 : f32
      %mul3A_227 = vector.broadcast %mul3A_226 : f32 to vector<1x1xf32>
      %mul3A_228 = arith.mulf %get3A_225, %mul3A_227 : vector<1x1xf32>
      %swap3A_229 = arith.constant 0 : index
      %swap3A_230 = arith.constant 0 : index
      %swap3A_231 = vector.load %arg24[%swap3A_229, %swap3A_230] : memref<1x1xf32, #tpu.memory_space<vmem>>, vector<1x1xf32>
      tpu.vector_store %arg24[%swap3A_229, %swap3A_230], %mul3A_228 {strides = array<i32>} : memref<1x1xf32, #tpu.memory_space<vmem>>, vector<1x1xf32>,
    } else {
    }
    %get3A_61 = arith.constant 0 : index
    %get3A_62 = arith.constant 0 : index
    %get3A_63 = arith.constant 0 : index
    %get3A_64 = vector.load %arg4[%get3A_61, %get3A_62, %get3A_63] : memref<50x64x128xf32, #tpu.memory_space<vmem>>, vector<50x64x128xf32>
    %reshape3A_65 = vector.shape_cast %get3A_64 : vector<50x64x128xf32> to vector<3200x128xf32>
    %get3A_66 = arith.constant 0 : index
    %get3A_67 = arith.constant 0 : index
    %get3A_68 = arith.constant 0 : index
    %get3A_69 = vector.load %arg7[%get3A_66, %get3A_67, %get3A_68] : memref<5x128x120xf32, #tpu.memory_space<vmem>>, vector<1x128x120xf32>
    %get3A_70 = vector.shape_cast %get3A_69 : vector<1x128x120xf32> to vector<128x120xf32>
    %dot_general3A_71 = arith.constant dense<0.000000e+00> : vector<3200x120xf32>
    %dot_general3A_72 = tpu.matmul %reshape3A_65, %get3A_70, %dot_general3A_71 {dimension_numbers = #tpu.dot_dimension_numbers<[1], [0], [0], [1], [0, 0, 1, 1], [], []>, transpose_lhs_hint = false} : vector<3200x128xf32>, vector<128x120xf32>, vector<3200x120xf32> -> vector<3200x120xf32>
    %reshape3A_73 = vector.shape_cast %dot_general3A_72 : vector<3200x120xf32> to vector<50x64x120xf32>
    %slice3A = vector.extract_strided_slice %reshape3A_73 {offsets = [0, 0, 0], sizes = [48, 64, 120], strides = [1, 1, 1]} : vector<50x64x120xf32> to vector<48x64x120xf32>
    %get3A_74 = arith.constant 1 : index
    %get3A_75 = arith.constant 0 : index
    %get3A_76 = arith.constant 0 : index
    %get3A_77 = vector.load %arg7[%get3A_74, %get3A_75, %get3A_76] : memref<5x128x120xf32, #tpu.memory_space<vmem>>, vector<1x128x120xf32>
    %get3A_78 = vector.shape_cast %get3A_77 : vector<1x128x120xf32> to vector<128x120xf32>
    %dot_general3A_79 = arith.constant dense<0.000000e+00> : vector<3200x120xf32>
    %dot_general3A_80 = tpu.matmul %reshape3A_65, %get3A_78, %dot_general3A_79 {dimension_numbers = #tpu.dot_dimension_numbers<[1], [0], [0], [1], [0, 0, 1, 1], [], []>, transpose_lhs_hint = false} : vector<3200x128xf32>, vector<128x120xf32>, vector<3200x120xf32> -> vector<3200x120xf32>
    %reshape3A_81 = vector.shape_cast %dot_general3A_80 : vector<3200x120xf32> to vector<50x64x120xf32>
    %slice3A_82 = vector.extract_strided_slice %reshape3A_81 {offsets = [1, 0, 0], sizes = [48, 64, 120], strides = [1, 1, 1]} : vector<50x64x120xf32> to vector<48x64x120xf32>
    %add3A_83 = arith.addf %slice3A, %slice3A_82 : vector<48x64x120xf32>
    %get3A_84 = arith.constant 2 : index
    %get3A_85 = arith.constant 0 : index
    %get3A_86 = arith.constant 0 : index
    %get3A_87 = vector.load %arg7[%get3A_84, %get3A_85, %get3A_86] : memref<5x128x120xf32, #tpu.memory_space<vmem>>, vector<1x128x120xf32>
    %get3A_88 = vector.shape_cast %get3A_87 : vector<1x128x120xf32> to vector<128x120xf32>
    %dot_general3A_89 = arith.constant dense<0.000000e+00> : vector<3200x120xf32>
    %dot_general3A_90 = tpu.matmul %reshape3A_65, %get3A_88, %dot_general3A_89 {dimension_numbers = #tpu.dot_dimension_numbers<[1], [0], [0], [1], [0, 0, 1, 1], [], []>, transpose_lhs_hint = false} : vector<3200x128xf32>, vector<128x120xf32>, vector<3200x120xf32> -> vector<3200x120xf32>
    %reshape3A_91 = vector.shape_cast %dot_general3A_90 : vector<3200x120xf32> to vector<50x64x120xf32>
    %slice3A_92 = vector.extract_strided_slice %reshape3A_91 {offsets = [2, 0, 0], sizes = [48, 64, 120], strides = [1, 1, 1]} : vector<50x64x120xf32> to vector<48x64x120xf32>
    %add3A_93 = arith.addf %add3A_83, %slice3A_92 : vector<48x64x120xf32>
    %get3A_94 = arith.constant 3 : index
    %get3A_95 = arith.constant 0 : index
    %get3A_96 = arith.constant 0 : index
    %get3A_97 = vector.load %arg7[%get3A_94, %get3A_95, %get3A_96] : memref<5x128x120xf32, #tpu.memory_space<vmem>>, vector<1x128x120xf32>
    %get3A_98 = vector.shape_cast %get3A_97 : vector<1x128x120xf32> to vector<128x120xf32>
    %dot_general3A_99 = arith.constant dense<0.000000e+00> : vector<3200x120xf32>
    %dot_general3A_100 = tpu.matmul %reshape3A_65, %get3A_98, %dot_general3A_99 {dimension_numbers = #tpu.dot_dimension_numbers<[1], [0], [0], [1], [0, 0, 1, 1], [], []>, transpose_lhs_hint = false} : vector<3200x128xf32>, vector<128x120xf32>, vector<3200x120xf32> -> vector<3200x120xf32>
    %reshape3A_101 = vector.shape_cast %dot_general3A_100 : vector<3200x120xf32> to vector<50x64x120xf32>
    %slice3A_102 = vector.extract_strided_slice %reshape3A_101 {offsets = [3, 0, 0], sizes = [47, 64, 120], strides = [1, 1, 1]} : vector<50x64x120xf32> to vector<47x64x120xf32>
    %broadcast_in_dim3A_103 = arith.constant 0.000000e+00 : f32
    %broadcast_in_dim3A_104 = vector.broadcast %broadcast_in_dim3A_103 : f32 to vector<1x64x120xf32>
    %concatenate3A = tpu.concatenate %slice3A_102, %broadcast_in_dim3A_104 in 0 : vector<47x64x120xf32>, vector<1x64x120xf32> -> vector<48x64x120xf32>
    %add3A_105 = arith.addf %add3A_93, %concatenate3A : vector<48x64x120xf32>
    %get3A_106 = arith.constant 4 : index
    %get3A_107 = arith.constant 0 : index
    %get3A_108 = arith.constant 0 : index
    %get3A_109 = vector.load %arg7[%get3A_106, %get3A_107, %get3A_108] : memref<5x128x120xf32, #tpu.memory_space<vmem>>, vector<1x128x120xf32>
    %get3A_110 = vector.shape_cast %get3A_109 : vector<1x128x120xf32> to vector<128x120xf32>
    %dot_general3A_111 = arith.constant dense<0.000000e+00> : vector<3200x120xf32>
    %dot_general3A_112 = tpu.matmul %reshape3A_65, %get3A_110, %dot_general3A_111 {dimension_numbers = #tpu.dot_dimension_numbers<[1], [0], [0], [1], [0, 0, 1, 1], [], []>, transpose_lhs_hint = false} : vector<3200x128xf32>, vector<128x120xf32>, vector<3200x120xf32> -> vector<3200x120xf32>
    %reshape3A_113 = vector.shape_cast %dot_general3A_112 : vector<3200x120xf32> to vector<50x64x120xf32>
    %slice3A_114 = vector.extract_strided_slice %reshape3A_113 {offsets = [4, 0, 0], sizes = [46, 64, 120], strides = [1, 1, 1]} : vector<50x64x120xf32> to vector<46x64x120xf32>
    %broadcast_in_dim3A_115 = arith.constant 0.000000e+00 : f32
    %broadcast_in_dim3A_116 = vector.broadcast %broadcast_in_dim3A_115 : f32 to vector<2x64x120xf32>
    %concatenate3A_117 = tpu.concatenate %slice3A_114, %broadcast_in_dim3A_116 in 0 : vector<46x64x120xf32>, vector<2x64x120xf32> -> vector<48x64x120xf32>
    %add3A_118 = arith.addf %add3A_105, %concatenate3A_117 : vector<48x64x120xf32>
    %get3A_119 = arith.constant 0 : index
    %get3A_120 = arith.constant 0 : index
    %get3A_121 = vector.load %arg8[%get3A_119, %get3A_120] : memref<1x120xf32, #tpu.memory_space<vmem>>, vector<1x120xf32>
    %broadcast_in_dim3A_122 = vector.shape_cast %get3A_121 : vector<1x120xf32> to vector<1x1x120xf32>
    %add3A_123 = vector.broadcast %broadcast_in_dim3A_122 : vector<1x1x120xf32> to vector<48x64x120xf32>
    %add3A_124 = arith.addf %add3A_118, %add3A_123 : vector<48x64x120xf32>
    %max3A = arith.constant 0.000000e+00 : f32
    %max3A_125 = vector.broadcast %max3A : f32 to vector<48x64x120xf32>
    %max3A_126 = arith.maximumf %add3A_124, %max3A_125 : vector<48x64x120xf32>
    %get3A_127 = arith.constant 0 : index
    %get3A_128 = arith.constant 0 : index
    %get3A_129 = vector.load %arg9[%get3A_127, %get3A_128] : memref<48x120xf32, #tpu.memory_space<vmem>>, vector<48x120xf32>
    %broadcast_in_dim3A_130 = vector.shape_cast %get3A_129 : vector<48x120xf32> to vector<48x1x120xf32>
    %mul3A_131 = vector.broadcast %broadcast_in_dim3A_130 : vector<48x1x120xf32> to vector<48x64x120xf32>
    %mul3A_132 = arith.mulf %max3A_126, %mul3A_131 : vector<48x64x120xf32>
    %reduce_max3A = arith.constant dense<0xFF800000> : vector<64x120xf32>
    %reduce_max3A_133 = vector.multi_reduction <maximumf>, %mul3A_132, %reduce_max3A [0] : vector<48x64x120xf32> to vector<64x120xf32>
    %slice3A_134 = vector.extract_strided_slice %reduce_max3A_133 {offsets = [0, 0], sizes = [64, 60], strides = [1, 1]} : vector<64x120xf32> to vector<64x60xf32>
    %get3A_135 = arith.constant 0 : index
    %get3A_136 = arith.constant 0 : index
    %get3A_137 = vector.load %arg5[%get3A_135, %get3A_136] : memref<64x9xf32, #tpu.memory_space<vmem>>, vector<64x9xf32>
    %concatenate3A_138 = tpu.concatenate %slice3A_134, %get3A_137 in 1 : vector<64x60xf32>, vector<64x9xf32> -> vector<64x69xf32>
    %slice3A_139 = vector.extract_strided_slice %reduce_max3A_133 {offsets = [0, 60], sizes = [64, 60], strides = [1, 1]} : vector<64x120xf32> to vector<64x60xf32>
    %get3A_140 = arith.constant 0 : index
    %get3A_141 = arith.constant 0 : index
    %get3A_142 = vector.load %arg6[%get3A_140, %get3A_141] : memref<64x9xf32, #tpu.memory_space<vmem>>, vector<64x9xf32>
    %concatenate3A_143 = tpu.concatenate %slice3A_139, %get3A_142 in 1 : vector<64x60xf32>, vector<64x9xf32> -> vector<64x69xf32>
    %concatenate3A_144 = tpu.concatenate %concatenate3A_138, %concatenate3A_143 in 0 : vector<64x69xf32>, vector<64x69xf32> -> vector<128x69xf32>
    %convert_element_type3A_145 = arith.truncf %concatenate3A_144 : vector<128x69xf32> to vector<128x69xbf16>
    %get3A_146 = arith.constant 0 : index
    %get3A_147 = arith.constant 0 : index
    %get3A_148 = vector.load %arg11[%get3A_146, %get3A_147] : memref<69x64xf32, #tpu.memory_space<vmem>>, vector<69x64xf32>
    %convert_element_type3A_149 = arith.truncf %get3A_148 : vector<69x64xf32> to vector<69x64xbf16>
    %dot_general3A_150 = arith.constant dense<0.000000e+00> : vector<128x64xf32>
    %dot_general3A_151 = tpu.matmul %convert_element_type3A_145, %convert_element_type3A_149, %dot_general3A_150 {dimension_numbers = #tpu.dot_dimension_numbers<[1], [0], [0], [1], [0, 0, 1, 1], [], []>, transpose_lhs_hint = false} : vector<128x69xbf16>, vector<69x64xbf16>, vector<128x64xf32> -> vector<128x64xf32>
    %get3A_152 = arith.constant 0 : index
    %get3A_153 = arith.constant 0 : index
    %get3A_154 = vector.load %arg12[%get3A_152, %get3A_153] : memref<1x64xf32, #tpu.memory_space<vmem>>, vector<1x64xf32>
    %add3A_155 = vector.broadcast %get3A_154 : vector<1x64xf32> to vector<128x64xf32>
    %add3A_156 = arith.addf %dot_general3A_151, %add3A_155 : vector<128x64xf32>
    %convert_element_type3A_157 = arith.truncf %add3A_156 : vector<128x64xf32> to vector<128x64xbf16>
    %get3A_158 = arith.constant 0 : index
    %get3A_159 = arith.constant 0 : index
    %get3A_160 = vector.load %arg13[%get3A_158, %get3A_159] : memref<64x32xf32, #tpu.memory_space<vmem>>, vector<64x32xf32>
    %convert_element_type3A_161 = arith.truncf %get3A_160 : vector<64x32xf32> to vector<64x32xbf16>
    %dot_general3A_162 = arith.constant dense<0.000000e+00> : vector<128x32xf32>
    %dot_general3A_163 = tpu.matmul %convert_element_type3A_157, %convert_element_type3A_161, %dot_general3A_162 {dimension_numbers = #tpu.dot_dimension_numbers<[1], [0], [0], [1], [0, 0, 1, 1], [], []>, transpose_lhs_hint = false} : vector<128x64xbf16>, vector<64x32xbf16>, vector<128x32xf32> -> vector<128x32xf32>
    %get3A_164 = arith.constant 0 : index
    %get3A_165 = arith.constant 0 : index
    %get3A_166 = vector.load %arg14[%get3A_164, %get3A_165] : memref<1x32xf32, #tpu.memory_space<vmem>>, vector<1x32xf32>
    %add3A_167 = vector.broadcast %get3A_166 : vector<1x32xf32> to vector<128x32xf32>
    %add3A_168 = arith.addf %dot_general3A_163, %add3A_167 : vector<128x32xf32>
    %convert_element_type3A_169 = arith.truncf %add3A_168 : vector<128x32xf32> to vector<128x32xbf16>
    %get3A_170 = arith.constant 0 : index
    %get3A_171 = arith.constant 0 : index
    %get3A_172 = vector.load %arg15[%get3A_170, %get3A_171] : memref<32x64xf32, #tpu.memory_space<vmem>>, vector<32x64xf32>
    %convert_element_type3A_173 = arith.truncf %get3A_172 : vector<32x64xf32> to vector<32x64xbf16>
    %dot_general3A_174 = arith.constant dense<0.000000e+00> : vector<128x64xf32>
    %dot_general3A_175 = tpu.matmul %convert_element_type3A_169, %convert_element_type3A_173, %dot_general3A_174 {dimension_numbers = #tpu.dot_dimension_numbers<[1], [0], [0], [1], [0, 0, 1, 1], [], []>, transpose_lhs_hint = false} : vector<128x32xbf16>, vector<32x64xbf16>, vector<128x64xf32> -> vector<128x64xf32>
    %get3A_176 = arith.constant 0 : index
    %get3A_177 = arith.constant 0 : index
    %get3A_178 = vector.load %arg16[%get3A_176, %get3A_177] : memref<1x64xf32, #tpu.memory_space<vmem>>, vector<1x64xf32>
    %add3A_179 = vector.broadcast %get3A_178 : vector<1x64xf32> to vector<128x64xf32>
    %add3A_180 = arith.addf %dot_general3A_175, %add3A_179 : vector<128x64xf32>
    %convert_element_type3A_181 = arith.truncf %add3A_180 : vector<128x64xf32> to vector<128x64xbf16>
    %get3A_182 = arith.constant 0 : index
    %get3A_183 = arith.constant 0 : index
    %get3A_184 = vector.load %arg17[%get3A_182, %get3A_183] : memref<64x8xf32, #tpu.memory_space<vmem>>, vector<64x8xf32>
    %convert_element_type3A_185 = arith.truncf %get3A_184 : vector<64x8xf32> to vector<64x8xbf16>
    %dot_general3A_186 = arith.constant dense<0.000000e+00> : vector<128x8xf32>
    %dot_general3A_187 = tpu.matmul %convert_element_type3A_181, %convert_element_type3A_185, %dot_general3A_186 {dimension_numbers = #tpu.dot_dimension_numbers<[1], [0], [0], [1], [0, 0, 1, 1], [], []>, transpose_lhs_hint = false} : vector<128x64xbf16>, vector<64x8xbf16>, vector<128x8xf32> -> vector<128x8xf32>
    %get3A_188 = arith.constant 0 : index
    %get3A_189 = arith.constant 0 : index
    %get3A_190 = vector.load %arg18[%get3A_188, %get3A_189] : memref<1x8xf32, #tpu.memory_space<vmem>>, vector<1x8xf32>
    %add3A_191 = vector.broadcast %get3A_190 : vector<1x8xf32> to vector<128x8xf32>
    %add3A_192 = arith.addf %dot_general3A_187, %add3A_191 : vector<128x8xf32>
    %convert_element_type3A_193 = arith.truncf %add3A_192 : vector<128x8xf32> to vector<128x8xbf16>
    %get3A_194 = arith.constant 0 : index
    %get3A_195 = arith.constant 0 : index
    %get3A_196 = vector.load %arg19[%get3A_194, %get3A_195] : memref<8x6xf32, #tpu.memory_space<vmem>>, vector<8x6xf32>
    %convert_element_type3A_197 = arith.truncf %get3A_196 : vector<8x6xf32> to vector<8x6xbf16>
    %dot_general3A_198 = arith.constant dense<0.000000e+00> : vector<128x6xf32>
    %dot_general3A_199 = tpu.matmul %convert_element_type3A_193, %convert_element_type3A_197, %dot_general3A_198 {dimension_numbers = #tpu.dot_dimension_numbers<[1], [0], [0], [1], [0, 0, 1, 1], [], []>, transpose_lhs_hint = false} : vector<128x8xbf16>, vector<8x6xbf16>, vector<128x6xf32> -> vector<128x6xf32>
    %get3A_200 = arith.constant 0 : index
    %get3A_201 = arith.constant 0 : index
    %get3A_202 = vector.load %arg20[%get3A_200, %get3A_201] : memref<1x6xf32, #tpu.memory_space<vmem>>, vector<1x6xf32>
    %add3A_203 = vector.broadcast %get3A_202 : vector<1x6xf32> to vector<128x6xf32>
    %add3A_204 = arith.addf %dot_general3A_199, %add3A_203 : vector<128x6xf32>
    %convert_element_type3A_205 = arith.truncf %add3A_204 : vector<128x6xf32> to vector<128x6xbf16>
    %get3A_206 = arith.constant 0 : index
    %get3A_207 = arith.constant 0 : index
    %get3A_208 = vector.load %arg21[%get3A_206, %get3A_207] : memref<6x2xf32, #tpu.memory_space<vmem>>, vector<6x2xf32>
    %convert_element_type3A_209 = arith.truncf %get3A_208 : vector<6x2xf32> to vector<6x2xbf16>
    %dot_general3A_210 = arith.constant dense<0.000000e+00> : vector<128x2xf32>
    %dot_general3A_211 = tpu.matmul %convert_element_type3A_205, %convert_element_type3A_209, %dot_general3A_210 {dimension_numbers = #tpu.dot_dimension_numbers<[1], [0], [0], [1], [0, 0, 1, 1], [], []>, transpose_lhs_hint = false} : vector<128x6xbf16>, vector<6x2xbf16>, vector<128x2xf32> -> vector<128x2xf32>
    %get3A_212 = arith.constant 0 : index
    %get3A_213 = arith.constant 0 : index
    %get3A_214 = vector.load %arg22[%get3A_212, %get3A_213] : memref<1x2xf32, #tpu.memory_space<vmem>>, vector<1x2xf32>
    %add3A_215 = vector.broadcast %get3A_214 : vector<1x2xf32> to vector<128x2xf32>
    %add3A_216 = arith.addf %dot_general3A_211, %add3A_215 : vector<128x2xf32>
    %slice3A_217 = vector.extract_strided_slice %add3A_216 {offsets = [0, 0], sizes = [64, 2], strides = [1, 1]} : vector<128x2xf32> to vector<64x2xf32>
    %slice3A_218 = vector.extract_strided_slice %add3A_216 {offsets = [64, 0], sizes = [64, 2], strides = [1, 1]} : vector<128x2xf32> to vector<64x2xf32>
    %concatenate3A_219 = tpu.concatenate %slice3A_217, %slice3A_218 in 1 : vector<64x2xf32>, vector<64x2xf32> -> vector<64x4xf32>
    %swap3A_220 = arith.constant 0 : index
    %swap3A_221 = arith.constant 0 : index
    %swap3A_222 = vector.load %arg23[%swap3A_220, %swap3A_221] : memref<64x4xf32, #tpu.memory_space<vmem>>, vector<64x4xf32>
    tpu.vector_store %arg23[%swap3A_220, %swap3A_221], %concatenate3A_219 {strides = array<i32>} : memref<64x4xf32, #tpu.memory_space<vmem>>, vector<64x4xf32>,
    return
  }
  func.func @transform_0(%arg0: i32) -> (i32, i32) {
    %c0_i32 = arith.constant 0 : i32
    %c0_i32_0 = arith.constant 0 : i32
    return %arg0, %c0_i32 : i32, i32
  }
  func.func @transform_1(%arg0: i32) -> (i32, i32) {
    %c0_i32 = arith.constant 0 : i32
    %c0_i32_0 = arith.constant 0 : i32
    return %arg0, %c0_i32 : i32, i32
  }
  func.func @transform_2(%arg0: i32) -> (i32, i32, i32) {
    %c0_i32 = arith.constant 0 : i32
    %c0_i32_0 = arith.constant 0 : i32
    %c0_i32_1 = arith.constant 0 : i32
    return %c0_i32, %arg0, %c0_i32_0 : i32, i32, i32
  }
  func.func @transform_3(%arg0: i32) -> (i32, i32, i32) {
    %c0_i32 = arith.constant 0 : i32
    %c0_i32_0 = arith.constant 0 : i32
    %c0_i32_1 = arith.constant 0 : i32
    return %c0_i32, %arg0, %c0_i32_0 : i32, i32, i32
  }
  func.func @transform_4(%arg0: i32) -> (i32, i32) {
    %c0_i32 = arith.constant 0 : i32
    %c0_i32_0 = arith.constant 0 : i32
    return %arg0, %c0_i32 : i32, i32
  }
  func.func @transform_5(%arg0: i32) -> (i32, i32) {
    %c0_i32 = arith.constant 0 : i32
    %c0_i32_0 = arith.constant 0 : i32
    return %arg0, %c0_i32 : i32, i32
  }
  func.func @transform_6(%arg0: i32) -> (i32, i32, i32) {
    %c0_i32 = arith.constant 0 : i32
    %c0_i32_0 = arith.constant 0 : i32
    %c0_i32_1 = arith.constant 0 : i32
    %c0_i32_2 = arith.constant 0 : i32
    return %c0_i32, %c0_i32_0, %c0_i32_1 : i32, i32, i32
  }
  func.func @transform_7(%arg0: i32) -> (i32, i32) {
    %c0_i32 = arith.constant 0 : i32
    %c0_i32_0 = arith.constant 0 : i32
    %c0_i32_1 = arith.constant 0 : i32
    return %c0_i32, %c0_i32_0 : i32, i32
  }
  func.func @transform_8(%arg0: i32) -> (i32, i32) {
    %c0_i32 = arith.constant 0 : i32
    %c0_i32_0 = arith.constant 0 : i32
    %c0_i32_1 = arith.constant 0 : i32
    return %c0_i32, %c0_i32_0 : i32, i32
  }
  func.func @transform_9(%arg0: i32) -> (i32, i32) {
    %c0_i32 = arith.constant 0 : i32
    %c0_i32_0 = arith.constant 0 : i32
    %c0_i32_1 = arith.constant 0 : i32
    return %c0_i32, %c0_i32_0 : i32, i32
  }
  func.func @transform_10(%arg0: i32) -> (i32, i32) {
    %c0_i32 = arith.constant 0 : i32
    %c0_i32_0 = arith.constant 0 : i32
    %c0_i32_1 = arith.constant 0 : i32
    return %c0_i32, %c0_i32_0 : i32, i32
  }
  func.func @transform_11(%arg0: i32) -> (i32, i32) {
    %c0_i32 = arith.constant 0 : i32
    %c0_i32_0 = arith.constant 0 : i32
    %c0_i32_1 = arith.constant 0 : i32
    return %c0_i32, %c0_i32_0 : i32, i32
  }
  func.func @transform_12(%arg0: i32) -> (i32, i32) {
    %c0_i32 = arith.constant 0 : i32
    %c0_i32_0 = arith.constant 0 : i32
    %c0_i32_1 = arith.constant 0 : i32
    return %c0_i32, %c0_i32_0 : i32, i32
  }
  func.func @transform_13(%arg0: i32) -> (i32, i32) {
    %c0_i32 = arith.constant 0 : i32
    %c0_i32_0 = arith.constant 0 : i32
    %c0_i32_1 = arith.constant 0 : i32
    return %c0_i32, %c0_i32_0 : i32, i32
  }
  func.func @transform_14(%arg0: i32) -> (i32, i32) {
    %c0_i32 = arith.constant 0 : i32
    %c0_i32_0 = arith.constant 0 : i32
    %c0_i32_1 = arith.constant 0 : i32
    return %c0_i32, %c0_i32_0 : i32, i32
  }
  func.func @transform_15(%arg0: i32) -> (i32, i32) {
    %c0_i32 = arith.constant 0 : i32
    %c0_i32_0 = arith.constant 0 : i32
    %c0_i32_1 = arith.constant 0 : i32
    return %c0_i32, %c0_i32_0 : i32, i32
  }
  func.func @transform_16(%arg0: i32) -> (i32, i32) {
    %c0_i32 = arith.constant 0 : i32
    %c0_i32_0 = arith.constant 0 : i32
    %c0_i32_1 = arith.constant 0 : i32
    return %c0_i32, %c0_i32_0 : i32, i32
  }
  func.func @transform_17(%arg0: i32) -> (i32, i32) {
    %c0_i32 = arith.constant 0 : i32
    %c0_i32_0 = arith.constant 0 : i32
    %c0_i32_1 = arith.constant 0 : i32
    return %c0_i32, %c0_i32_0 : i32, i32
  }
  func.func @transform_18(%arg0: i32) -> (i32, i32) {
    %c0_i32 = arith.constant 0 : i32
    %c0_i32_0 = arith.constant 0 : i32
    %c0_i32_1 = arith.constant 0 : i32
    return %c0_i32, %c0_i32_0 : i32, i32
  }
  func.func @transform_19(%arg0: i32) -> (i32, i32) {
    %c0_i32 = arith.constant 0 : i32
    %c0_i32_0 = arith.constant 0 : i32
    %c0_i32_1 = arith.constant 0 : i32
    return %c0_i32, %c0_i32_0 : i32, i32
  }
  func.func @transform_20(%arg0: i32) -> (i32, i32) {
    %c0_i32 = arith.constant 0 : i32
    %c0_i32_0 = arith.constant 0 : i32
    %c0_i32_1 = arith.constant 0 : i32
    return %c0_i32, %c0_i32_0 : i32, i32
  }
  func.func @transform_21(%arg0: i32) -> (i32, i32) {
    %c0_i32 = arith.constant 0 : i32
    %c0_i32_0 = arith.constant 0 : i32
    %c0_i32_1 = arith.constant 0 : i32
    return %c0_i32, %c0_i32_0 : i32, i32
  }
  func.func @transform_22(%arg0: i32) -> (i32, i32) {
    %c0_i32 = arith.constant 0 : i32
    %c0_i32_0 = arith.constant 0 : i32
    return %arg0, %c0_i32 : i32, i32
  }
  func.func @transform_23(%arg0: i32) -> (i32, i32) {
    %c0_i32 = arith.constant 0 : i32
    %c0_i32_0 = arith.constant 0 : i32
    %c0_i32_1 = arith.constant 0 : i32
    return %c0_i32, %c0_i32_0 : i32, i32
  }
}

</mosaic_0001>

<sc_bundles>
// kernel: kernel.5.cloned.1.call-start
scs
__scs_entry_jumppad:
0x0: {  	(pc) =	sbr.rel $0x88, $3  }
0x1: {  	(tag) =	ssettag $0x0;
	lr =	simm.s32 $0x1  }
0x2: {  	[smem:$0x3F88] =	sst lr;
	_ =	strace $0xD0000000  }
0x3: {  	_ = 	snop  }
0x4: {  	_ = 	snop  }
0x5: {  	_ = 	snop  }
0x6: {  	_ = 	snop  }
0x7: {  	_ = 	snop  }
__scs_overlays_trampoline_lowered:
0x8: {  	[smem:$0x3F97] =	sst s0  }
0x9: {  	[smem:$0x3F98] =	sst s1  }
0xa: {  	[smem:$0x3F99] =	sst s2  }
0xb: {  	[smem:$0x3F9A] =	sst s3  }
0xc: {  	[smem:$0x3F9B] =	sst s4  }
0xd: {  	[smem:$0x3F9C] =	sst s5  }
0xe: {  	[smem:$0x3F9D] =	sst s6  }
0xf: {  	[smem:$0x3F9E] =	sst s7  }
0x10: {  	[smem:$0x3F9F] =	sst s8  }
0x11: {  	[smem:$0x3FA0] =	sst s9;
	s0 =	simm.s32 @!p0 $0x0  }
0x12: {  	s1 =	sld [smem:$0x3F86];
	s0 =	simm.s32 @p0 $0x1  }
0x13: {  	[smem:$0x3FA1] =	sst s0;
	s0 =	simm.s32 @!p1 $0x0  }
0x14: {  	s2 =	sld [smem:$0x3F85];
	s0 =	simm.s32 @p1 $0x1  }
0x15: {  	[smem:$0x3FA2] =	sst s0;
	s0 =	simm.s32 @!p2 $0x0  }
0x16: {  	s3 =	sld [smem:$0x3FDB];
	s0 =	simm.s32 @p2 $0x1  }
0x17: {  	s4 =	simm.s32 $0x1BF5;
	[smem:$0x3FA4] =	sst s0  }
0x18: {  	s0 =	sld [smem:$0x3F87];
	_ =	swait.ge [sflag:s4], $0x0  }
0x19: {  	s7 =	sld [smem:$0x3F88]  }
0x1a: {  	s8 =	sadd.s32 $0xFFFFE003, lr  }
0x1b: {  	s9 =	sadd.s32 $0xFFFFFEF7, lr;
	s5 =	simm.s32 $0xFFFFFFFF;
	p2 =	slt.u32 s8, $0xFFFFF086  }
0x1c: {  	p1 =	slt.u32 s9, $0xF7A;
	s5 =	simm.s32 @!p2 $0x0  }
0x1d: {  	s5 =	simm.s32 @p1 $0x1;
	p0 =	seq.s32 s7, s2  }
0x1e: {  	s7 =	smul.u32 @!p0 $0xF7A, s2;
	p2 =	seq.s32 @!p0 s5, $0x0  }
0x1f: {  	s9 =	smul.u32 $0xF7A, s1;
	s8 =	simm.s32 @!p0 $0x1BF5;
	p2 =	por !p2, p0  }
0x20: {  	[sflag:s8] =	ssyncset.s32 @!p0 $0xFFFFF086;
	s6 =	sadd.s32 @!p0 s3, s7;
	s7 =	simm.s32 @!p0 $0x108  }
0x21: {  	s3 =	sadd.s32 s3, s9;
	s6 =	sadd.s32 @!p0 $0x88, s6;
	s7 =	simm.s32 @p2 $0x1082  }
0x22: {  	[simem:s7], [sflag:s8] =	dma.local @!p0 [hbm:s6], $0xF7A  }
0x23: {  	s9 =	sor.u32 $0xD0000000, s2;
	s6 =	simm.s32 $0x108;
	_ =	swait.ge @!p0 [sflag:s8], $0x0  }
0x24: {  	s3 =	sadd.s32 $0x88, s3;
	s6 =	simm.s32 @!p1 $0x1082;
	[sflag:s4] =	ssyncset.s32 $0xFFFFF086  }
0x25: {  	[simem:s6], [sflag:s4] =	dma.local [hbm:s3], $0xF7A  }
0x26: {  	[smem:$0x3F88] =	sst s1;
	(tag) =	ssettag s2;
	_ =	strace s9  }
0x27: {  	s1 =	sld [smem:$0x3F98]  }
0x28: {  	s2 =	sld [smem:$0x3F99]  }
0x29: {  	s4 =	sld [smem:$0x3F9B]  }
0x2a: {  	p0 =	seq.s32 s5, $0x0;
	s5 =	sld [smem:$0x3F9C]  }
0x2b: {  	s6 =	sld [smem:$0x3F9D]  }
0x2c: {  	s7 =	sld [smem:$0x3F9E]  }
0x2d: {  	s3 =	simm.s32 $0x108;
	s8 =	sld [smem:$0x3F9F]  }
0x2e: {  	s3 =	simm.s32 @!p0 $0x1082;
	s9 =	sld [smem:$0x3FA0]  }
0x2f: {  	lr =	sadd.s32 s0, s3;
	s0 =	sld [smem:$0x3F97]  }
0x30: {  	s3 =	sld [smem:$0x3F9A]  }
0x31: {  	[smem:$0x3FA3] =	sst s10  }
0x32: {  	s10 =	sld [smem:$0x3FA1];
	_ =	sdelay $0x3  }
0x33: {  	p0 =	seq.s32 s10, $0x1;
	s10 =	sld [smem:$0x3FA3];
	_ =	sdelay $0x3  }
0x34: {  	[smem:$0x3FA3] =	sst s10  }
0x35: {  	s10 =	sld [smem:$0x3FA2];
	_ =	sdelay $0x3  }
0x36: {  	p1 =	seq.s32 s10, $0x1;
	s10 =	sld [smem:$0x3FA3];
	_ =	sdelay $0x3  }
0x37: {  	[smem:$0x3FA3] =	sst s10  }
0x38: {  	s10 =	sld [smem:$0x3FA4]  }
0x39: {  	_ = 	snop;
	(pc) =	sbr.ind lr, $3  }
0x3a: {  	_ = 	snop  }
0x3b: {  	_ = 	snop  }
0x3c: {  	p2 =	seq.s32 s10, $0x1;
	s10 =	sld [smem:$0x3FA3]  }
0x3d: {  	_ =	shalt  }
0x3e: {  	_ =	shalt  }
0x3f: {  	_ =	shalt  }
0x40: {  	_ =	shalt  }
0x41: {  	_ =	shalt  }
0x42: {  	_ =	shalt  }
0x43: {  	_ =	shalt  }
0x44: {  	_ =	shalt  }
0x45: {  	_ =	shalt  }
0x46: {  	_ =	shalt  }
0x47: {  	_ =	shalt  }
0x48: {  	_ =	shalt  }
0x49: {  	_ =	shalt  }
0x4a: {  	_ =	shalt  }
0x4b: {  	_ =	shalt  }
0x4c: {  	_ =	shalt  }
0x4d: {  	_ =	shalt  }
0x4e: {  	_ =	shalt  }
0x4f: {  	_ =	shalt  }
0x50: {  	_ =	shalt  }
0x51: {  	_ =	shalt  }
0x52: {  	_ =	shalt  }
0x53: {  	_ =	shalt  }
0x54: {  	_ =	shalt  }
0x55: {  	_ =	shalt  }
0x56: {  	_ =	shalt  }
0x57: {  	_ =	shalt  }
0x58: {  	_ =	shalt  }
0x59: {  	_ =	shalt  }
0x5a: {  	_ =	shalt  }
0x5b: {  	_ =	shalt  }
0x5c: {  	_ =	shalt  }
0x5d: {  	_ =	shalt  }
0x5e: {  	_ =	shalt  }
0x5f: {  	_ =	shalt  }
0x60: {  	_ =	shalt  }
0x61: {  	_ =	shalt  }
0x62: {  	_ =	shalt  }
0x63: {  	_ =	shalt  }
0x64: {  	_ =	shalt  }
0x65: {  	_ =	shalt  }
0x66: {  	_ =	shalt  }
0x67: {  	_ =	shalt  }
0x68: {  	_ =	shalt  }
0x69: {  	_ =	shalt  }
0x6a: {  	_ =	shalt  }
0x6b: {  	_ =	shalt  }
0x6c: {  	_ =	shalt  }
0x6d: {  	_ =	shalt  }
0x6e: {  	_ =	shalt  }
0x6f: {  	_ =	shalt  }
0x70: {  	_ =	shalt  }
0x71: {  	_ =	shalt  }
0x72: {  	_ =	shalt  }
0x73: {  	_ =	shalt  }
0x74: {  	_ =	shalt  }
0x75: {  	_ =	shalt  }
0x76: {  	_ =	shalt  }
0x77: {  	_ =	shalt  }
0x78: {  	_ =	shalt  }
0x79: {  	_ =	shalt  }
0x7a: {  	_ =	shalt  }
0x7b: {  	_ =	shalt  }
0x7c: {  	_ =	shalt  }
0x7d: {  	_ =	shalt  }
0x7e: {  	_ =	shalt  }
0x7f: {  	_ =	shalt  }
0x80: {  	_ =	shalt  }
0x81: {  	_ =	shalt  }
0x82: {  	_ =	shalt  }
0x83: {  	_ =	shalt  }
0x84: {  	_ =	shalt  }
0x85: {  	_ =	shalt  }
0x86: {  	_ =	shalt  }
0x87: {  	_ =	shalt  }
.Lfunc_end0:
.L_simem_size_0:
called_computation_lowered:
.L_overlay_start_0:
0x88: {  	s2 =	sld [smem:$0x3FD9]  }
0x89: {  	s3 =	sld [smem:$0x3FFE];
	_ =	sdelay $0x1  }
0x8a: {  	s1 =	srdreg.scid  }
0x8b: {  	s0 =	sand.u32 $0x1, s1  }
0x8c: {  	s17 =	sshll.u32 s0, $0xA;
	s2 =	sadd.s32 s3, s2  }
0x8d: {  	s2 =	sadd.s32 s2, s17  }
0x8e: {  	[smem:$0x3FAF] =	sst s2  }
0x8f: {  	_ = 	snop  }
0x90: {  	s18 =	sld [smem:$0x3FC9];
	(tm) =	ssettm $0x1  }
0x91: {  	s19 =	sld [smem:$0x3FFB];
	_ =	sdelay $0x3  }
0x92: {  	_ =	strace s19  }
0x93: {  	s2 =	sld [smem:$0x3FFC];
	_ =	sdelay $0x3  }
0x94: {  	_ =	strace s2  }
0x95: {  	s2 =	sld [smem:$0x3FFD];
	_ =	sdelay $0x3  }
0x96: {  	_ =	strace s2  }
0x97: {  	_ =	strace $0x8FFFFFFF  }
0x98: {  	s20 =	sld [smem:$0x3FDB];
	_ =	sdelay $0x1  }
0x99: {  	s4 =	simm.s32 $_scs_section_size  }
0x9a: {  	s5 =	simm.s32 $_size__tile_overlayer_lowered;
	s6 =	simm.s32 $_tile_overlayer_lowered  }
0x9b: {  	s7 =	simm.s32 $0x1BFF;
	s21 =	sshll.u32 s6, $0x1;
	s4 =	sadd.s32 s4, s20  }
0x9c: {  	s22 =	simm.s32 $0x0;
	s5 =	sshll.u32 s5, $0x1;
	s6 =	sadd.s32 s21, s4  }
0x9d: {  	[timem:s22], [sflag:s7] =	dma.local [hbm:s6], s5  }
0x9e: {  	_ =	swait.ge [sflag:s7], s5  }
0x9f: {  	s5 =	ssub.s32 $0x0, s5;
	[sflag:s7] =	ssyncset.done $0x0  }
0xa0: {  	[sflag:s7] =	ssyncadd.s32 s5;
	_ =	sdelay $0x1  }
0xa1: {  	s23 =	simm.s32 $0x1B8B  }
0xa2: {  	_ =	swait.ge [sflag:s23], $0x1  }
0xa3: {  	[sflag:s23] =	ssyncset.done $0x0  }
0xa4: {  	[sflag:s23] =	ssyncadd.s32 $0xFFFFFFFF  }
0xa5: {  	s5 =	sld [smem:$0x0]  }
0xa6: {  	s6 =	sand.u32 $0xFFFFFFFE, s1  }
0xa7: {  	p0 =	sne.s32 s1, s6  }
0xa8: {  	s6 =	sshll.u32 @p0 s6, $0xE  }
0xa9: {  	s6 =	sadd.s32 @p0 $0x11B8D, s6;
	s7 =	sshll.u32 @p0 s5, $0x11  }
0xaa: {  	s6 =	sor.u32 @p0 s7, s6  }
0xab: {  	[sflag:s6] =	ssyncadd.remote.s32 @p0 $0x1;
	_ =	sdelay $0x1  }
0xac: {  	s6 =	simm.s32 @p0 $0x1B8D  }
0xad: {  	_ =	swait.eq @p0 [sflag:s6], $0x1  }
0xae: {  	[sflag:s6] =	ssyncadd.s32 @p0 $0xFFFFFFFF  }
0xaf: {  	s7 =	sshll.u32 @!p0 s1, $0xE  }
0xb0: {  	s7 =	sor.u32 @!p0 $0x4000, s7;
	s6 =	simm.s32 @!p0 $0x1B8D  }
0xb1: {  	s5 =	sshll.u32 @!p0 s5, $0x11;
	s7 =	sadd.s32 @!p0 $0x11B8D, s7;
	_ =	swait.eq @!p0 [sflag:s6], $0x1  }
0xb2: {  	s5 =	sor.u32 @!p0 s5, s7;
	[sflag:s6] =	ssyncadd.s32 @!p0 $0xFFFFFFFF  }
0xb3: {  	s25 =	simm.s32 $0x1B8E;
	s24 =	sld [smem:$0x3FFE];
	[sflag:s5] =	ssyncadd.remote.s32 @!p0 $0x1  }
0xb4: {  	s26 =	simm.s32 $execute0_lowered;
	[smem:$0x3FD2] =	sst s25  }
0xb5: {  	s6 =	sshll.u32 s26, $0x1;
	_ =	strace $0x80000049;
	[dreg:$0x1] =	wrdreg $0xFFFFFFFF  }
0xb6: {  	s28 =	simm.s32 $_size_execute0_lowered;
	s4 =	sadd.s32 s4, s6;
	[dreg:$0x0] =	wrdreg $0x0  }
0xb7: {  	s6 =	sshll.u32 s28, $0x1;
	[dreg:$0x2] =	wrdreg s4  }
0xb8: {  	[dreg:$0x3] =	wrdreg s6  }
0xb9: {  	[dreg:$0x4] =	wrdreg $0xC0  }
0xba: {  	_ =	task [dreg:s22], $0x5FFFF  }
0xbb: {  	[dreg:$0x1] =	wrdreg $0xFFFFFFFF  }
0xbc: {  	[dreg:$0x0] =	wrdreg $0x60  }
0xbd: {  	[dreg:$0x2] =	wrdreg s24  }
0xbe: {  	[dreg:$0x3] =	wrdreg s18  }
0xbf: {  	[dreg:$0x4] =	wrdreg $0x9  }
0xc0: {  	_ =	task.clear_ibuf [dreg:s22], $0x5FFFF;
	_ =	strace $0x90000049  }
0xc1: {  	s29 =	simm.s32 $0x9;
	_ =	strace $0x8000004B  }
0xc2: {  	_ =	swait.ge [sflag:s29], $0x1  }
0xc3: {  	[sflag:s29] =	ssyncadd.s32 $0xFFFFFFFF  }
0xc4: {  	_ =	strace $0x9000004B  }
0xc5: {  	_ =	sfence  }
0xc6: {  	s30 =	sld [smem:$0x0];
	_ =	sdelay $0x2  }
0xc7: {  	s31 =	sshll.u32 s1, $0xD;
	s1 =	sshrl.u32 s1, $0x2  }
0xc8: {  	s4 =	sand.u32 $0x4000, s31;
	s1 =	sadd.s32 s1, s30  }
0xc9: {  	s0 =	sor.u32 s4, s0;
	s1 =	sshll.u32 s1, $0x11  }
0xca: {  	s0 =	sor.u32 s1, s0  }
0xcb: {  	s0 =	sadd.s32 $0x8F2B, s0  }
0xcc: {  	[sflag:s0] =	ssyncadd.remote.s32 $0x1  }
0xcd: {  	_ =	sfence.sel $0xFFFF  }
0xce: {  	[dreg:$0x0] =	wrdreg $0xFFFFFFFF;
	(pc) =	sbr.abs _section_cstart, $3  }
0xcf: {  	[dreg:$0x1] =	wrdreg $0xFFFFFFFF  }
0xd0: {  	_ =	task.clear_ibuf [dreg:s22], $0x2FFFF;
	_ =	strace $0x9FFFFFFF  }
0xd1: {  	(tm) =	ssettm $0x7FFFFFFF  }
tec
execute0_lowered:
.L_overlay_start_1:
0x0: {  	(tag) =	ssettag $0x1  }
0x1: {  	s0 =	rddreg [dreg:$0x0]  }
0x2: {  	s1 =	rddreg [dreg:$0x1]  }
0x3: {  	s3 =	srdreg.scid;
	s11 =	stileid.u32;
	s2 =	simm.s32 $0x0  }
0x4: {  	s12 =	simm.s32 $0x1900;
	s13 =	simm.s32 $0x4;
	s14 =	simm.s32 $0x80  }
0x5: {  	s15 =	simm.s32 $0x17280;
	s17 =	simm.s32 $0x3280;
	s19 =	simm.s32 $0x5280  }
0x6: {  	s28 =	simm.s32 $0xD280;
	s30 =	simm.s32 $0xF280;
	s16 =	simm.s32 $0x13280  }
0x7: {  	s29 =	simm.s32 $0x2;
	s31 =	simm.s32 $0x3;
	s4 =	sand.u32 $0x1, s3  }
0x8: {  	s20 =	sshll.u32 s11, $0x1;
	[smem:$0x7FF] =	sst s2;
	s3 =	sadd.s32 $0x65A00, s0  }
0x9: {  	s21 =	sshll.u32 s11, $0xE;
	s5 =	sor.u32 s4, s20;
	_ =	strace $0x8000004A  }
0xa: {  	s7 =	ssub.s32 $0x2, s4;
	s4 =	sshll.u32 s4, $0xD;
	s20 =	simm.s32 $0x15280  }
0xb: {  	s6 =	smul.u32 $0x320, s5;
	s8 =	sshll.u32 s5, $0xA;
	s10 =	sshrl.u32 s7, $0x1  }
0xc: {  	s5 =	sshll.u32 s5, $0x4;
	s9 =	sadd.s32 s8, s0;
	s7 =	ssub.s32 s7, s10  }
0xd: {  	s1 =	sadd.s32 s1, s5;
	s6 =	sadd.s32 s6, s0;
	s0 =	sadd.s32 $0x251600, s0  }
0xe: {  	[dreg:$0x3] =	wrdreg s1;
	s23 =	sadd.s32 $0x129000, s9;
	s1 =	sor.u32 s4, s21  }
0xf: {  	s24 =	smax.u32 s7, $0x1;
	s21 =	simm.s32 $0x7280;
	[dreg:$0x5] =	wrdreg s23  }
0x10: {  	v0 =	vlaneseq.u32;
	s22 =	sadd.s32 $0x5F600, s6;
	[dreg:$0x6] =	wrdreg s24;
	s25 =	sadd.s32 s8, s0  }
0x11: {  	v0 =	vmul.u32 $0x32, v0;
	s26 =	sor.u32 $0x140000, s1;
	s1 =	sshrl.u32 s1, $0x3;
	s23 =	simm.s32 $0x9280  }
0x12: {  	s24 =	simm.s32 $0x2000;
	[dreg:$0x4] =	wrdreg s22;
	s8 =	sadd.s32 $0x140000, s25  }
0x13: {  	v1 =	vadd.s32 $0x320, v0;
	s5 =	sshrl.u32 s26, $0x3;
	s9 =	sadd.s32 $0x168000, s25;
	s11 =	sadd.s32 s1, s0  }
0x14: {  	v2 =	vadd.s32 $0x640, v0;
	v3 =	vadd.s32 $0x960, v0;
	v4 =	vadd.s32 $0xC80, v0;
	s25 =	simm.s32 $0xB280;
	s22 =	simm.s32 $0x1;
	s26 =	simm.s32 $0x40000  }
0x15: {  	v5 =	vadd.s32 $0xFA0, v0;
	v6 =	vadd.s32 $0x12C0, v0;
	v7 =	vadd.s32 $0x15E0, v0;
	s1 =	simm.s32 $0x0;
	s10 =	sadd.s32 s5, s0;
	s0 =	simm.s32 $0x11280  }
.LBB2_1:
0x16: {  	s4 =	rddreg [dreg:$0x3]  }
0x17: {  	[tilespmem:s12], [sflag:$0x4] =	stream.linear.gather [hbm4b:s4+s2], $0x80, $0x38;
	[tilespmem:$0x19280] =	vst v63  }
0x18: {  	_ =	swait.ge [sflag:s13], $0x80  }
0x19: {  	[sflag:s13] =	ssyncset.done $0x0  }
0x1a: {  	s18 =	rddreg [dreg:$0x4];
	[sflag:s13] =	ssyncadd.s32 $0xFFFFFF80  }
0x1b: {  	v8 =	vadd.s32 s2, v0;
	[tilespmem:s2], [sflag:$0x4] =	stream.linear.gather [hbm4b:s18+s2], $0x1900, $0x38;
	[tilespmem:$0x19280] =	vst v63  }
0x1c: {  	_ =	swait.ge [sflag:s13], $0x1900  }
0x1d: {  	[sflag:s13] =	ssyncset.done $0x0  }
0x1e: {  	[sflag:s13] =	ssyncadd.s32 $0xFFFFE700  }
0x1f: {  	[tilespmem:s15], [sflag:$0x3] =	stream.indirect.gather [hbm4b:s3+s14], $0x40, s12, s14, $0xb8;
	[tilespmem:$0x19280] =	vst v63  }
0x20: {  	v8 =	vld.idx.msk [tilespmem:v8+s2+$0x0], $0xffff  }
0x21: {  	v9 =	vadd.s32 s2, v1;
	_ =	sdelay $0x2  }
0x22: {  	s4 =	simm.s32 $0x19C0  }
0x23: {  	[tilespmem:s4+$0xFFFFFFC0] =	vst v8  }
0x24: {  	v8 =	vld.idx.msk [tilespmem:v9+s2+$0x0], $0xffff  }
0x25: {  	v9 =	vadd.s32 s2, v2;
	_ =	sdelay $0x3  }
0x26: {  	[tilespmem:s4+$0xFFFFFFD0] =	vst v8  }
0x27: {  	v8 =	vld.idx.msk [tilespmem:v9+s2+$0x0], $0xffff  }
0x28: {  	v9 =	vadd.s32 s2, v3;
	_ =	sdelay $0x3  }
0x29: {  	[tilespmem:s4+$0xFFFFFFE0] =	vst v8  }
0x2a: {  	v8 =	vld.idx.msk [tilespmem:v9+s2+$0x0], $0xffff  }
0x2b: {  	v9 =	vadd.s32 s2, v4;
	_ =	sdelay $0x3  }
0x2c: {  	[tilespmem:s4+$0xFFFFFFF0] =	vst v8  }
0x2d: {  	v8 =	vld.idx.msk [tilespmem:v9+s2+$0x0], $0xffff  }
0x2e: {  	v9 =	vadd.s32 s2, v5;
	_ =	sdelay $0x3  }
0x2f: {  	[tilespmem:s4+$0x0] =	vst v8  }
0x30: {  	v8 =	vld.idx.msk [tilespmem:v9+s2+$0x0], $0xffff  }
0x31: {  	v9 =	vadd.s32 s2, v6;
	_ =	sdelay $0x3  }
0x32: {  	[tilespmem:s4+$0x10] =	vst v8  }
0x33: {  	v8 =	vld.idx.msk [tilespmem:v9+s2+$0x0], $0xffff  }
0x34: {  	v9 =	vadd.s32 s2, v7;
	_ =	sdelay $0x3  }
0x35: {  	[tilespmem:s4+$0x20] =	vst v8  }
0x36: {  	s5 =	simm.s32 $0x1;
	v8 =	vld.idx.msk [tilespmem:v9+s2+$0x0], $0xffff  }
0x37: {  	s18 =	simm.s32 $0x2;
	v9 =	vadd.s32 s5, v0  }
.LBB2_2:
0x38: {  	p0 =	sne.s32 s18, $0x31;
	_ =	sdelay $0x2  }
0x39: {  	[tilespmem:s4+$0x30] =	vst v8  }
0x3a: {  	v8 =	vld.idx.msk [tilespmem:v9+s2+$0x0], $0xffff;
	_ =	sdelay $0x1  }
0x3b: {  	v9 =	vadd.s32 s5, v1;
	_ =	sdelay $0x2  }
0x3c: {  	s4 =	sadd.s32 $0x80, s4  }
0x3d: {  	[tilespmem:s4+$0xFFFFFFC0] =	vst v8  }
0x3e: {  	v8 =	vld.idx.msk [tilespmem:v9+s2+$0x0], $0xffff;
	_ =	sdelay $0x1  }
0x3f: {  	v9 =	vadd.s32 s5, v2;
	_ =	sdelay $0x3  }
0x40: {  	[tilespmem:s4+$0xFFFFFFD0] =	vst v8  }
0x41: {  	v8 =	vld.idx.msk [tilespmem:v9+s2+$0x0], $0xffff;
	_ =	sdelay $0x1  }
0x42: {  	v9 =	vadd.s32 s5, v3;
	_ =	sdelay $0x3  }
0x43: {  	[tilespmem:s4+$0xFFFFFFE0] =	vst v8  }
0x44: {  	v8 =	vld.idx.msk [tilespmem:v9+s2+$0x0], $0xffff;
	_ =	sdelay $0x1  }
0x45: {  	v9 =	vadd.s32 s5, v4;
	_ =	sdelay $0x3  }
0x46: {  	[tilespmem:s4+$0xFFFFFFF0] =	vst v8  }
0x47: {  	v8 =	vld.idx.msk [tilespmem:v9+s2+$0x0], $0xffff;
	_ =	sdelay $0x1  }
0x48: {  	v9 =	vadd.s32 s5, v5;
	_ =	sdelay $0x3  }
0x49: {  	[tilespmem:s4+$0x0] =	vst v8  }
0x4a: {  	v8 =	vld.idx.msk [tilespmem:v9+s2+$0x0], $0xffff;
	_ =	sdelay $0x1  }
0x4b: {  	v9 =	vadd.s32 s5, v6;
	_ =	sdelay $0x3  }
0x4c: {  	[tilespmem:s4+$0x10] =	vst v8  }
0x4d: {  	v8 =	vld.idx.msk [tilespmem:v9+s2+$0x0], $0xffff;
	_ =	sdelay $0x1  }
0x4e: {  	v9 =	vadd.s32 s5, v7;
	s5 =	smov.u32 s18;
	_ =	sdelay $0x2  }
.Ltmp0:
0x4f: {  	(pc) =	sbr.rel @p0 .LBB2_2-.Ltmp0, $3  }
0x50: {  	[tilespmem:s4+$0x20] =	vst v8  }
0x51: {  	v8 =	vld.idx.msk [tilespmem:v9+s2+$0x0], $0xffff;
	_ =	sdelay $0x1  }
0x52: {  	s18 =	sadd.s32 $0x1, s18;
	v9 =	vadd.s32 s5, v0  }
0x53: {  	_ =	sdelay $0x2  }
0x54: {  	[tilespmem:s4+$0x30] =	vst v8  }
0x55: {  	v8 =	vld.idx.msk [tilespmem:v9+s2+$0x0], $0xffff  }
0x56: {  	v57 =	vadd.s32 s5, v1;
	_ =	sdelay $0x2  }
0x57: {  	s18 =	sadd.s32 $0x80, s4  }
0x58: {  	[tilespmem:s18+$0xFFFFFFC0] =	vst v8  }
0x59: {  	v8 =	vld.idx.msk [tilespmem:v57+s2+$0x0], $0xffff  }
0x5a: {  	v58 =	vadd.s32 s5, v2;
	_ =	sdelay $0x3  }
0x5b: {  	[tilespmem:s18+$0xFFFFFFD0] =	vst v8  }
0x5c: {  	v8 =	vld.idx.msk [tilespmem:v58+s2+$0x0], $0xffff  }
0x5d: {  	v59 =	vadd.s32 s5, v3;
	_ =	sdelay $0x3  }
0x5e: {  	[tilespmem:s18+$0xFFFFFFE0] =	vst v8  }
0x5f: {  	v8 =	vld.idx.msk [tilespmem:v59+s2+$0x0], $0xffff  }
0x60: {  	v60 =	vadd.s32 s5, v4;
	_ =	sdelay $0x3  }
0x61: {  	[tilespmem:s18+$0xFFFFFFF0] =	vst v8  }
0x62: {  	v8 =	vld.idx.msk [tilespmem:v60+s2+$0x0], $0xffff  }
0x63: {  	v61 =	vadd.s32 s5, v5;
	_ =	sdelay $0x3  }
0x64: {  	[tilespmem:s18+$0x0] =	vst v8  }
0x65: {  	v8 =	vld.idx.msk [tilespmem:v61+s2+$0x0], $0xffff  }
0x66: {  	v62 =	vadd.s32 s5, v6;
	_ =	sdelay $0x3  }
0x67: {  	[tilespmem:s18+$0x10] =	vst v8  }
0x68: {  	v8 =	vld.idx.msk [tilespmem:v62+s2+$0x0], $0xffff  }
0x69: {  	v63 =	vadd.s32 s5, v7;
	_ =	sdelay $0x3  }
0x6a: {  	[tilespmem:s18+$0x20] =	vst v8  }
0x6b: {  	v8 =	vld.idx.msk [tilespmem:v63+s2+$0x0], $0xffff;
	_ =	sdelay $0x4  }
0x6c: {  	s6 =	simm.s32 $0x1980;
	[tilespmem:s18+$0x30] =	vst v8  }
0x6d: {  	[tilespmem:s17], [sflag:$0x1] =	stream.indirect.gather [hbm4b:s3+s14], $0x40, s6, s14, $0xb8;
	[tilespmem:$0x19280] =	vst v63  }
0x6e: {  	s7 =	simm.s32 $0x1A00  }
0x6f: {  	[tilespmem:s19], [sflag:$0x1] =	stream.indirect.gather [hbm4b:s3+s14], $0x40, s7, s14, $0xb8;
	[tilespmem:$0x19280] =	vst v63  }
0x70: {  	s18 =	simm.s32 $0x1A80  }
0x71: {  	[tilespmem:s21], [sflag:$0x1] =	stream.indirect.gather [hbm4b:s3+s14], $0x40, s18, s14, $0xb8;
	[tilespmem:$0x19280] =	vst v63  }
0x72: {  	s5 =	simm.s32 $0x1B00  }
0x73: {  	[tilespmem:s23], [sflag:$0x1] =	stream.indirect.gather [hbm4b:s3+s14], $0x40, s5, s14, $0xb8;
	[tilespmem:$0x19280] =	vst v63  }
0x74: {  	s6 =	simm.s32 $0x1B80  }
0x75: {  	[tilespmem:s25], [sflag:$0x1] =	stream.indirect.gather [hbm4b:s3+s14], $0x40, s6, s14, $0xb8;
	[tilespmem:$0x19280] =	vst v63  }
0x76: {  	s7 =	simm.s32 $0x1C00  }
0x77: {  	[tilespmem:s28], [sflag:$0x2] =	stream.indirect.gather [hbm4b:s3+s14], $0x40, s7, s14, $0xb8;
	[tilespmem:$0x19280] =	vst v63  }
0x78: {  	s18 =	simm.s32 $0x1C80  }
0x79: {  	[tilespmem:s30], [sflag:$0x2] =	stream.indirect.gather [hbm4b:s3+s14], $0x40, s18, s14, $0xb8;
	[tilespmem:$0x19280] =	vst v63  }
0x7a: {  	s5 =	simm.s32 $0x1D00  }
0x7b: {  	[tilespmem:s0], [sflag:$0x2] =	stream.indirect.gather [hbm4b:s3+s14], $0x40, s5, s14, $0xb8;
	[tilespmem:$0x19280] =	vst v63  }
0x7c: {  	s6 =	simm.s32 $0x1D80  }
0x7d: {  	[tilespmem:s16], [sflag:$0x2] =	stream.indirect.gather [hbm4b:s3+s14], $0x40, s6, s14, $0xb8;
	[tilespmem:$0x19280] =	vst v63  }
0x7e: {  	s7 =	simm.s32 $0x1E00  }
0x7f: {  	[tilespmem:s20], [sflag:$0x2] =	stream.indirect.gather [hbm4b:s3+s14], $0x40, s7, s14, $0xb8;
	[tilespmem:$0x19280] =	vst v63  }
0x80: {  	_ =	swait.ge [sflag:s22], $0x2000  }
0x81: {  	[sflag:s22] =	ssyncset.done $0x0  }
0x82: {  	[sflag:s22] =	ssyncadd.s32 $0xFFFFE000  }
0x83: {  	_ =	swait.ge [sflag:s22], $0x2000  }
0x84: {  	[sflag:s22] =	ssyncset.done $0x0  }
0x85: {  	[sflag:s22] =	ssyncadd.s32 $0xFFFFE000  }
0x86: {  	_ =	swait.ge [sflag:s22], $0x2000  }
0x87: {  	[sflag:s22] =	ssyncset.done $0x0  }
0x88: {  	[sflag:s22] =	ssyncadd.s32 $0xFFFFE000  }
0x89: {  	_ =	swait.ge [sflag:s22], $0x2000  }
0x8a: {  	[sflag:s22] =	ssyncset.done $0x0  }
0x8b: {  	[sflag:s22] =	ssyncadd.s32 $0xFFFFE000  }
0x8c: {  	_ =	swait.ge [sflag:s22], $0x2000  }
0x8d: {  	[sflag:s22] =	ssyncset.done $0x0  }
0x8e: {  	[sflag:s22] =	ssyncadd.s32 $0xFFFFE000  }
0x8f: {  	[hbm4b:s11+s24] =	stream.strided.scatter [tilespmem:s17], [sflag:$0x4], $0xA000, s26, s24, $0x38;
	[tilespmem:$0x19280] =	vst v63  }
0x90: {  	_ =	swait.ge [sflag:s13], $0xA000  }
0x91: {  	[sflag:s13] =	ssyncset.done $0x0  }
0x92: {  	s18 =	simm.s32 $0x1E80;
	[sflag:s13] =	ssyncadd.s32 $0xFFFF6000  }
0x93: {  	[tilespmem:s17], [sflag:$0x1] =	stream.indirect.gather [hbm4b:s3+s14], $0x40, s18, s14, $0xb8;
	[tilespmem:$0x19280] =	vst v63  }
0x94: {  	s5 =	simm.s32 $0x1F00  }
0x95: {  	[tilespmem:s19], [sflag:$0x1] =	stream.indirect.gather [hbm4b:s3+s14], $0x40, s5, s14, $0xb8;
	[tilespmem:$0x19280] =	vst v63  }
0x96: {  	s6 =	simm.s32 $0x1F80  }
0x97: {  	[tilespmem:s21], [sflag:$0x1] =	stream.indirect.gather [hbm4b:s3+s14], $0x40, s6, s14, $0xb8;
	[tilespmem:$0x19280] =	vst v63  }
0x98: {  	s7 =	simm.s32 $0x2000  }
0x99: {  	[tilespmem:s23], [sflag:$0x1] =	stream.indirect.gather [hbm4b:s3+s14], $0x40, s7, s14, $0xb8;
	[tilespmem:$0x19280] =	vst v63  }
0x9a: {  	s18 =	simm.s32 $0x2080  }
0x9b: {  	[tilespmem:s25], [sflag:$0x1] =	stream.indirect.gather [hbm4b:s3+s14], $0x40, s18, s14, $0xb8;
	[tilespmem:$0x19280] =	vst v63  }
0x9c: {  	_ =	swait.ge [sflag:s29], $0x2000  }
0x9d: {  	[sflag:s29] =	ssyncset.done $0x0  }
0x9e: {  	[sflag:s29] =	ssyncadd.s32 $0xFFFFE000  }
0x9f: {  	_ =	swait.ge [sflag:s29], $0x2000  }
0xa0: {  	[sflag:s29] =	ssyncset.done $0x0  }
0xa1: {  	[sflag:s29] =	ssyncadd.s32 $0xFFFFE000  }
0xa2: {  	_ =	swait.ge [sflag:s29], $0x2000  }
0xa3: {  	[sflag:s29] =	ssyncset.done $0x0  }
0xa4: {  	[sflag:s29] =	ssyncadd.s32 $0xFFFFE000  }
0xa5: {  	_ =	swait.ge [sflag:s29], $0x2000  }
0xa6: {  	[sflag:s29] =	ssyncset.done $0x0  }
0xa7: {  	[sflag:s29] =	ssyncadd.s32 $0xFFFFE000  }
0xa8: {  	_ =	swait.ge [sflag:s29], $0x2000  }
0xa9: {  	[sflag:s29] =	ssyncset.done $0x0  }
0xaa: {  	[sflag:s29] =	ssyncadd.s32 $0xFFFFE000  }
0xab: {  	[hbm4b:s10+s24] =	stream.strided.scatter [tilespmem:s28], [sflag:$0x4], $0xA000, s26, s24, $0x38;
	[tilespmem:$0x19280] =	vst v63  }
0xac: {  	_ =	swait.ge [sflag:s13], $0xA000  }
0xad: {  	[sflag:s13] =	ssyncset.done $0x0  }
0xae: {  	s5 =	simm.s32 $0x2100;
	[sflag:s13] =	ssyncadd.s32 $0xFFFF6000  }
0xaf: {  	[tilespmem:s28], [sflag:$0x2] =	stream.indirect.gather [hbm4b:s3+s14], $0x40, s5, s14, $0xb8;
	[tilespmem:$0x19280] =	vst v63  }
0xb0: {  	s6 =	simm.s32 $0x2180  }
0xb1: {  	[tilespmem:s30], [sflag:$0x2] =	stream.indirect.gather [hbm4b:s3+s14], $0x40, s6, s14, $0xb8;
	[tilespmem:$0x19280] =	vst v63  }
0xb2: {  	s7 =	simm.s32 $0x2200  }
0xb3: {  	[tilespmem:s0], [sflag:$0x2] =	stream.indirect.gather [hbm4b:s3+s14], $0x40, s7, s14, $0xb8;
	[tilespmem:$0x19280] =	vst v63  }
0xb4: {  	s4 =	sadd.s32 $0x50000, s10;
	s18 =	simm.s32 $0x2280  }
0xb5: {  	[tilespmem:s16], [sflag:$0x2] =	stream.indirect.gather [hbm4b:s3+s14], $0x40, s18, s14, $0xb8;
	[tilespmem:$0x19280] =	vst v63  }
0xb6: {  	s5 =	sadd.s32 $0x50000, s11;
	s6 =	simm.s32 $0x2300;
	s18 =	simm.s32 $0x1400  }
.LBB2_4:
0xb7: {  	[tilespmem:s20], [sflag:$0x2] =	stream.indirect.gather [hbm4b:s3+s14], $0x40, s6, s14, $0xb8;
	[tilespmem:$0x19280] =	vst v63  }
0xb8: {  	s6 =	smov.u32 s18  }
0xb9: {  	p0 =	sne.s32 s18, $0x3C00;
	s18 =	sadd.s32 $0x1400, s18;
	_ =	swait.ge [sflag:s22], $0x2000  }
0xba: {  	[sflag:s22] =	ssyncset.done $0x0  }
0xbb: {  	[sflag:s22] =	ssyncadd.s32 $0xFFFFE000  }
0xbc: {  	_ =	swait.ge [sflag:s22], $0x2000  }
0xbd: {  	[sflag:s22] =	ssyncset.done $0x0  }
0xbe: {  	[sflag:s22] =	ssyncadd.s32 $0xFFFFE000  }
0xbf: {  	_ =	swait.ge [sflag:s22], $0x2000  }
0xc0: {  	[sflag:s22] =	ssyncset.done $0x0  }
0xc1: {  	[sflag:s22] =	ssyncadd.s32 $0xFFFFE000  }
0xc2: {  	_ =	swait.ge [sflag:s22], $0x2000  }
0xc3: {  	[sflag:s22] =	ssyncset.done $0x0  }
0xc4: {  	[sflag:s22] =	ssyncadd.s32 $0xFFFFE000  }
0xc5: {  	_ =	swait.ge [sflag:s22], $0x2000  }
0xc6: {  	[sflag:s22] =	ssyncset.done $0x0  }
0xc7: {  	[sflag:s22] =	ssyncadd.s32 $0xFFFFE000  }
0xc8: {  	[hbm4b:s5+s24] =	stream.strided.scatter [tilespmem:s17], [sflag:$0x4], $0xA000, s26, s24, $0x38;
	[tilespmem:$0x19280] =	vst v63  }
0xc9: {  	_ =	swait.ge [sflag:s13], $0xA000  }
0xca: {  	s6 =	sshra.s32 s6, $0x2;
	[sflag:s13] =	ssyncset.done $0x0  }
0xcb: {  	s7 =	sadd.s32 $0x1E80, s6;
	[sflag:s13] =	ssyncadd.s32 $0xFFFF6000  }
0xcc: {  	[tilespmem:s17], [sflag:$0x1] =	stream.indirect.gather [hbm4b:s3+s14], $0x40, s7, s14, $0xb8;
	[tilespmem:$0x19280] =	vst v63  }
0xcd: {  	s7 =	sadd.s32 $0x1F00, s6  }
0xce: {  	[tilespmem:s19], [sflag:$0x1] =	stream.indirect.gather [hbm4b:s3+s14], $0x40, s7, s14, $0xb8;
	[tilespmem:$0x19280] =	vst v63  }
0xcf: {  	s7 =	sadd.s32 $0x1F80, s6  }
0xd0: {  	[tilespmem:s21], [sflag:$0x1] =	stream.indirect.gather [hbm4b:s3+s14], $0x40, s7, s14, $0xb8;
	[tilespmem:$0x19280] =	vst v63  }
0xd1: {  	s7 =	sadd.s32 $0x2000, s6  }
0xd2: {  	[tilespmem:s23], [sflag:$0x1] =	stream.indirect.gather [hbm4b:s3+s14], $0x40, s7, s14, $0xb8;
	[tilespmem:$0x19280] =	vst v63  }
0xd3: {  	s7 =	sadd.s32 $0x2080, s6  }
0xd4: {  	[tilespmem:s25], [sflag:$0x1] =	stream.indirect.gather [hbm4b:s3+s14], $0x40, s7, s14, $0xb8;
	[tilespmem:$0x19280] =	vst v63  }
0xd5: {  	_ =	swait.ge [sflag:s29], $0x2000  }
0xd6: {  	[sflag:s29] =	ssyncset.done $0x0  }
0xd7: {  	[sflag:s29] =	ssyncadd.s32 $0xFFFFE000  }
0xd8: {  	_ =	swait.ge [sflag:s29], $0x2000  }
0xd9: {  	[sflag:s29] =	ssyncset.done $0x0  }
0xda: {  	[sflag:s29] =	ssyncadd.s32 $0xFFFFE000  }
0xdb: {  	_ =	swait.ge [sflag:s29], $0x2000  }
0xdc: {  	[sflag:s29] =	ssyncset.done $0x0  }
0xdd: {  	[sflag:s29] =	ssyncadd.s32 $0xFFFFE000  }
0xde: {  	_ =	swait.ge [sflag:s29], $0x2000  }
0xdf: {  	[sflag:s29] =	ssyncset.done $0x0  }
0xe0: {  	[sflag:s29] =	ssyncadd.s32 $0xFFFFE000  }
0xe1: {  	_ =	swait.ge [sflag:s29], $0x2000  }
0xe2: {  	[sflag:s29] =	ssyncset.done $0x0  }
0xe3: {  	[sflag:s29] =	ssyncadd.s32 $0xFFFFE000  }
0xe4: {  	[hbm4b:s4+s24] =	stream.strided.scatter [tilespmem:s28], [sflag:$0x4], $0xA000, s26, s24, $0x38;
	[tilespmem:$0x19280] =	vst v63  }
0xe5: {  	_ =	swait.ge [sflag:s13], $0xA000  }
0xe6: {  	[sflag:s13] =	ssyncset.done $0x0  }
0xe7: {  	s7 =	sadd.s32 $0x2100, s6;
	[sflag:s13] =	ssyncadd.s32 $0xFFFF6000  }
0xe8: {  	[tilespmem:s28], [sflag:$0x2] =	stream.indirect.gather [hbm4b:s3+s14], $0x40, s7, s14, $0xb8;
	[tilespmem:$0x19280] =	vst v63  }
0xe9: {  	s7 =	sadd.s32 $0x2180, s6  }
0xea: {  	[tilespmem:s30], [sflag:$0x2] =	stream.indirect.gather [hbm4b:s3+s14], $0x40, s7, s14, $0xb8;
	[tilespmem:$0x19280] =	vst v63  }
.Ltmp1:
0xeb: {  	s7 =	sadd.s32 $0x2200, s6;
	(pc) =	sbr.rel @p0 .LBB2_4-.Ltmp1, $4  }
0xec: {  	[tilespmem:s0], [sflag:$0x2] =	stream.indirect.gather [hbm4b:s3+s14], $0x40, s7, s14, $0xb8;
	[tilespmem:$0x19280] =	vst v63  }
0xed: {  	s7 =	sadd.s32 $0x2280, s6  }
0xee: {  	[tilespmem:s16], [sflag:$0x2] =	stream.indirect.gather [hbm4b:s3+s14], $0x40, s7, s14, $0xb8;
	[tilespmem:$0x19280] =	vst v63  }
0xef: {  	s5 =	sadd.s32 $0x50000, s5;
	s4 =	sadd.s32 $0x50000, s4;
	s6 =	sadd.s32 $0x2300, s6  }
0xf0: {  	[tilespmem:s20], [sflag:$0x2] =	stream.indirect.gather [hbm4b:s3+s14], $0x40, s6, s14, $0xb8;
	[tilespmem:$0x19280] =	vst v63  }
0xf1: {  	_ =	swait.ge [sflag:s22], $0x2000  }
0xf2: {  	[sflag:s22] =	ssyncset.done $0x0  }
0xf3: {  	[sflag:s22] =	ssyncadd.s32 $0xFFFFE000  }
0xf4: {  	_ =	swait.ge [sflag:s22], $0x2000  }
0xf5: {  	[sflag:s22] =	ssyncset.done $0x0  }
0xf6: {  	[sflag:s22] =	ssyncadd.s32 $0xFFFFE000  }
0xf7: {  	_ =	swait.ge [sflag:s22], $0x2000  }
0xf8: {  	[sflag:s22] =	ssyncset.done $0x0  }
0xf9: {  	[sflag:s22] =	ssyncadd.s32 $0xFFFFE000  }
0xfa: {  	_ =	swait.ge [sflag:s22], $0x2000  }
0xfb: {  	[sflag:s22] =	ssyncset.done $0x0  }
0xfc: {  	[sflag:s22] =	ssyncadd.s32 $0xFFFFE000  }
0xfd: {  	_ =	swait.ge [sflag:s22], $0x2000  }
0xfe: {  	[sflag:s22] =	ssyncset.done $0x0  }
0xff: {  	[sflag:s22] =	ssyncadd.s32 $0xFFFFE000  }
0x100: {  	[hbm4b:s8+s24] =	stream.strided.scatter [tilespmem:s17], [sflag:$0x4], $0xA000, s26, s24, $0x38;
	[tilespmem:$0x19280] =	vst v63  }
0x101: {  	_ =	swait.ge [sflag:s13], $0xA000  }
0x102: {  	[sflag:s13] =	ssyncset.done $0x0  }
0x103: {  	[sflag:s13] =	ssyncadd.s32 $0xFFFF6000  }
0x104: {  	_ =	swait.ge [sflag:s29], $0x2000  }
0x105: {  	[sflag:s29] =	ssyncset.done $0x0  }
0x106: {  	[sflag:s29] =	ssyncadd.s32 $0xFFFFE000  }
0x107: {  	_ =	swait.ge [sflag:s29], $0x2000  }
0x108: {  	[sflag:s29] =	ssyncset.done $0x0  }
0x109: {  	[sflag:s29] =	ssyncadd.s32 $0xFFFFE000  }
0x10a: {  	_ =	swait.ge [sflag:s29], $0x2000  }
0x10b: {  	[sflag:s29] =	ssyncset.done $0x0  }
0x10c: {  	[sflag:s29] =	ssyncadd.s32 $0xFFFFE000  }
0x10d: {  	_ =	swait.ge [sflag:s29], $0x2000  }
0x10e: {  	[sflag:s29] =	ssyncset.done $0x0  }
0x10f: {  	[sflag:s29] =	ssyncadd.s32 $0xFFFFE000  }
0x110: {  	_ =	swait.ge [sflag:s29], $0x2000  }
0x111: {  	[sflag:s29] =	ssyncset.done $0x0  }
0x112: {  	[sflag:s29] =	ssyncadd.s32 $0xFFFFE000  }
0x113: {  	[hbm4b:s9+s24] =	stream.strided.scatter [tilespmem:s28], [sflag:$0x4], $0xA000, s26, s24, $0x38;
	[tilespmem:$0x19280] =	vst v63  }
0x114: {  	_ =	swait.ge [sflag:s13], $0xA000  }
0x115: {  	[sflag:s13] =	ssyncset.done $0x0  }
0x116: {  	[sflag:s13] =	ssyncadd.s32 $0xFFFF6000  }
0x117: {  	_ =	swait.ge [sflag:s31], $0x2000  }
0x118: {  	[sflag:s31] =	ssyncset.done $0x0  }
0x119: {  	s4 =	rddreg [dreg:$0x5];
	[sflag:s31] =	ssyncadd.s32 $0xFFFFE000  }
0x11a: {  	[hbm4b:s4+s2] =	stream.linear.scatter [tilespmem:s15], [sflag:$0x4], $0x2000, $0x38;
	[tilespmem:$0x19280] =	vst v63  }
0x11b: {  	_ =	swait.ge [sflag:s13], $0x2000  }
0x11c: {  	s1 =	sadd.s32 $0x1, s1;
	s18 =	rddreg [dreg:$0x6]  }
0x11d: {  	p0 =	sne.s32 s1, s18  }
.Ltmp2:
0x11e: {  	_ = 	snop;
	(pc) =	sbr.rel @p0 .LBB2_1-.Ltmp2, $3  }
0x11f: {  	_ =	sdelay $0x1  }
0x120: {  	[sflag:s13] =	ssyncset.done $0x0  }
0x121: {  	[sflag:s13] =	ssyncadd.s32 $0xFFFFE000  }
0x122: {  	_ =	sfence.sel $0x180000  }
0x123: {  	[bflag:$0x0] =	sbarrier.arrive $0xFFFF  }
0x124: {  	_ =	strace $0x9000004A  }
0x125: {  	s0 =	stileid.u32;
	[bflag:$0x2] =	sbarrier.arrive $0xFFFF  }
0x126: {  	p0 =	sne.s32 s0, $0x0;
	s0 =	rddreg [dreg:$0x2]  }
0x127: {  	s0 =	sadd.s32 @!p0 $0x100000, s0  }
0x128: {  	[sflag:s0] =	ssyncadd.tile.s32 @!p0 $0x1;
	_ =	shalt  }
.Lfunc_end2:
_tile_overlayer_lowered:
.L_overlay_start_2:
0x129: {  	(tag) =	ssettag $0x2  }
0x12a: {  	s0 =	rddreg [dreg:$0x0];
	s2 =	stileid.u32  }
0x12b: {  	s1 =	rddreg [dreg:$0x1];
	p0 =	sne.s32 s2, $0x0  }
0x12c: {  	s3 =	rddreg [dreg:$0x2];
	[bflag:$0x3] =	sbarrier.arrive $0xFFFF;
	s2 =	simm.s32 @!p0 $0x1C04  }
0x12d: {  	[timem:s3], [sflag:s2] =	dma.local @!p0 [hbm:s0], s1  }
0x12e: {  	s0 =	simm.s32 @!p0 $0x4  }
0x12f: {  	_ =	swait.ge @!p0 [sflag:s0], s1  }
0x130: {  	s1 =	ssub.s32 @!p0 $0x0, s1;
	[sflag:s0] =	ssyncset.done @!p0 $0x0  }
0x131: {  	[sflag:s0] =	ssyncadd.s32 @!p0 s1  }
0x132: {  	[bflag:$0x3] =	sbarrier.arrive $0xFFFF  }
0x133: {  	_ =	shalt  }

// kernel: kernel.8.cloned.1.call-start
scs
__scs_entry_jumppad:
0x0: {  	(pc) =	sbr.rel $0x88, $3  }
0x1: {  	(tag) =	ssettag $0x0;
	lr =	simm.s32 $0x1  }
0x2: {  	[smem:$0x3F88] =	sst lr;
	_ =	strace $0xD0000000  }
0x3: {  	_ = 	snop  }
0x4: {  	_ = 	snop  }
0x5: {  	_ = 	snop  }
0x6: {  	_ = 	snop  }
0x7: {  	_ = 	snop  }
__scs_overlays_trampoline_lowered:
0x8: {  	[smem:$0x3F97] =	sst s0  }
0x9: {  	[smem:$0x3F98] =	sst s1  }
0xa: {  	[smem:$0x3F99] =	sst s2  }
0xb: {  	[smem:$0x3F9A] =	sst s3  }
0xc: {  	[smem:$0x3F9B] =	sst s4  }
0xd: {  	[smem:$0x3F9C] =	sst s5  }
0xe: {  	[smem:$0x3F9D] =	sst s6  }
0xf: {  	[smem:$0x3F9E] =	sst s7  }
0x10: {  	[smem:$0x3F9F] =	sst s8  }
0x11: {  	[smem:$0x3FA0] =	sst s9;
	s0 =	simm.s32 @!p0 $0x0  }
0x12: {  	s1 =	sld [smem:$0x3F86];
	s0 =	simm.s32 @p0 $0x1  }
0x13: {  	[smem:$0x3FA1] =	sst s0;
	s0 =	simm.s32 @!p1 $0x0  }
0x14: {  	s2 =	sld [smem:$0x3F85];
	s0 =	simm.s32 @p1 $0x1  }
0x15: {  	[smem:$0x3FA2] =	sst s0;
	s0 =	simm.s32 @!p2 $0x0  }
0x16: {  	s3 =	sld [smem:$0x3FDB];
	s0 =	simm.s32 @p2 $0x1  }
0x17: {  	s4 =	simm.s32 $0x1BF5;
	[smem:$0x3FA4] =	sst s0  }
0x18: {  	s0 =	sld [smem:$0x3F87];
	_ =	swait.ge [sflag:s4], $0x0  }
0x19: {  	s7 =	sld [smem:$0x3F88]  }
0x1a: {  	s8 =	sadd.s32 $0xFFFFE003, lr  }
0x1b: {  	s9 =	sadd.s32 $0xFFFFFEF7, lr;
	s5 =	simm.s32 $0xFFFFFFFF;
	p2 =	slt.u32 s8, $0xFFFFF086  }
0x1c: {  	p1 =	slt.u32 s9, $0xF7A;
	s5 =	simm.s32 @!p2 $0x0  }
0x1d: {  	s5 =	simm.s32 @p1 $0x1;
	p0 =	seq.s32 s7, s2  }
0x1e: {  	s7 =	smul.u32 @!p0 $0xF7A, s2;
	p2 =	seq.s32 @!p0 s5, $0x0  }
0x1f: {  	s9 =	smul.u32 $0xF7A, s1;
	s8 =	simm.s32 @!p0 $0x1BF5;
	p2 =	por !p2, p0  }
0x20: {  	[sflag:s8] =	ssyncset.s32 @!p0 $0xFFFFF086;
	s6 =	sadd.s32 @!p0 s3, s7;
	s7 =	simm.s32 @!p0 $0x108  }
0x21: {  	s3 =	sadd.s32 s3, s9;
	s6 =	sadd.s32 @!p0 $0x88, s6;
	s7 =	simm.s32 @p2 $0x1082  }
0x22: {  	[simem:s7], [sflag:s8] =	dma.local @!p0 [hbm:s6], $0xF7A  }
0x23: {  	s9 =	sor.u32 $0xD0000000, s2;
	s6 =	simm.s32 $0x108;
	_ =	swait.ge @!p0 [sflag:s8], $0x0  }
0x24: {  	s3 =	sadd.s32 $0x88, s3;
	s6 =	simm.s32 @!p1 $0x1082;
	[sflag:s4] =	ssyncset.s32 $0xFFFFF086  }
0x25: {  	[simem:s6], [sflag:s4] =	dma.local [hbm:s3], $0xF7A  }
0x26: {  	[smem:$0x3F88] =	sst s1;
	(tag) =	ssettag s2;
	_ =	strace s9  }
0x27: {  	s1 =	sld [smem:$0x3F98]  }
0x28: {  	s2 =	sld [smem:$0x3F99]  }
0x29: {  	s4 =	sld [smem:$0x3F9B]  }
0x2a: {  	p0 =	seq.s32 s5, $0x0;
	s5 =	sld [smem:$0x3F9C]  }
0x2b: {  	s6 =	sld [smem:$0x3F9D]  }
0x2c: {  	s7 =	sld [smem:$0x3F9E]  }
0x2d: {  	s3 =	simm.s32 $0x108;
	s8 =	sld [smem:$0x3F9F]  }
0x2e: {  	s3 =	simm.s32 @!p0 $0x1082;
	s9 =	sld [smem:$0x3FA0]  }
0x2f: {  	lr =	sadd.s32 s0, s3;
	s0 =	sld [smem:$0x3F97]  }
0x30: {  	s3 =	sld [smem:$0x3F9A]  }
0x31: {  	[smem:$0x3FA3] =	sst s10  }
0x32: {  	s10 =	sld [smem:$0x3FA1];
	_ =	sdelay $0x3  }
0x33: {  	p0 =	seq.s32 s10, $0x1;
	s10 =	sld [smem:$0x3FA3];
	_ =	sdelay $0x3  }
0x34: {  	[smem:$0x3FA3] =	sst s10  }
0x35: {  	s10 =	sld [smem:$0x3FA2];
	_ =	sdelay $0x3  }
0x36: {  	p1 =	seq.s32 s10, $0x1;
	s10 =	sld [smem:$0x3FA3];
	_ =	sdelay $0x3  }
0x37: {  	[smem:$0x3FA3] =	sst s10  }
0x38: {  	s10 =	sld [smem:$0x3FA4]  }
0x39: {  	_ = 	snop;
	(pc) =	sbr.ind lr, $3  }
0x3a: {  	_ = 	snop  }
0x3b: {  	_ = 	snop  }
0x3c: {  	p2 =	seq.s32 s10, $0x1;
	s10 =	sld [smem:$0x3FA3]  }
0x3d: {  	_ =	shalt  }
0x3e: {  	_ =	shalt  }
0x3f: {  	_ =	shalt  }
0x40: {  	_ =	shalt  }
0x41: {  	_ =	shalt  }
0x42: {  	_ =	shalt  }
0x43: {  	_ =	shalt  }
0x44: {  	_ =	shalt  }
0x45: {  	_ =	shalt  }
0x46: {  	_ =	shalt  }
0x47: {  	_ =	shalt  }
0x48: {  	_ =	shalt  }
0x49: {  	_ =	shalt  }
0x4a: {  	_ =	shalt  }
0x4b: {  	_ =	shalt  }
0x4c: {  	_ =	shalt  }
0x4d: {  	_ =	shalt  }
0x4e: {  	_ =	shalt  }
0x4f: {  	_ =	shalt  }
0x50: {  	_ =	shalt  }
0x51: {  	_ =	shalt  }
0x52: {  	_ =	shalt  }
0x53: {  	_ =	shalt  }
0x54: {  	_ =	shalt  }
0x55: {  	_ =	shalt  }
0x56: {  	_ =	shalt  }
0x57: {  	_ =	shalt  }
0x58: {  	_ =	shalt  }
0x59: {  	_ =	shalt  }
0x5a: {  	_ =	shalt  }
0x5b: {  	_ =	shalt  }
0x5c: {  	_ =	shalt  }
0x5d: {  	_ =	shalt  }
0x5e: {  	_ =	shalt  }
0x5f: {  	_ =	shalt  }
0x60: {  	_ =	shalt  }
0x61: {  	_ =	shalt  }
0x62: {  	_ =	shalt  }
0x63: {  	_ =	shalt  }
0x64: {  	_ =	shalt  }
0x65: {  	_ =	shalt  }
0x66: {  	_ =	shalt  }
0x67: {  	_ =	shalt  }
0x68: {  	_ =	shalt  }
0x69: {  	_ =	shalt  }
0x6a: {  	_ =	shalt  }
0x6b: {  	_ =	shalt  }
0x6c: {  	_ =	shalt  }
0x6d: {  	_ =	shalt  }
0x6e: {  	_ =	shalt  }
0x6f: {  	_ =	shalt  }
0x70: {  	_ =	shalt  }
0x71: {  	_ =	shalt  }
0x72: {  	_ =	shalt  }
0x73: {  	_ =	shalt  }
0x74: {  	_ =	shalt  }
0x75: {  	_ =	shalt  }
0x76: {  	_ =	shalt  }
0x77: {  	_ =	shalt  }
0x78: {  	_ =	shalt  }
0x79: {  	_ =	shalt  }
0x7a: {  	_ =	shalt  }
0x7b: {  	_ =	shalt  }
0x7c: {  	_ =	shalt  }
0x7d: {  	_ =	shalt  }
0x7e: {  	_ =	shalt  }
0x7f: {  	_ =	shalt  }
0x80: {  	_ =	shalt  }
0x81: {  	_ =	shalt  }
0x82: {  	_ =	shalt  }
0x83: {  	_ =	shalt  }
0x84: {  	_ =	shalt  }
0x85: {  	_ =	shalt  }
0x86: {  	_ =	shalt  }
0x87: {  	_ =	shalt  }
.Lfunc_end0:
.L_simem_size_0:
called_computation.1_lowered:
.L_overlay_start_0:
0x88: {  	s2 =	sld [smem:$0x3FD9]  }
0x89: {  	s3 =	sld [smem:$0x3FFE];
	_ =	sdelay $0x1  }
0x8a: {  	s1 =	srdreg.scid  }
0x8b: {  	s0 =	sand.u32 $0x1, s1  }
0x8c: {  	s17 =	sshll.u32 s0, $0xA;
	s2 =	sadd.s32 s3, s2  }
0x8d: {  	s2 =	sadd.s32 s2, s17  }
0x8e: {  	[smem:$0x3FAF] =	sst s2  }
0x8f: {  	_ = 	snop  }
0x90: {  	s2 =	sld [smem:$0x3FC8];
	(tm) =	ssettm $0x1  }
0x91: {  	s18 =	sld [smem:$0x3FFB];
	_ =	sdelay $0x3  }
0x92: {  	_ =	strace s18  }
0x93: {  	s3 =	sld [smem:$0x3FFC];
	_ =	sdelay $0x3  }
0x94: {  	_ =	strace s3  }
0x95: {  	s3 =	sld [smem:$0x3FFD];
	_ =	sdelay $0x3  }
0x96: {  	_ =	strace s3  }
0x97: {  	_ =	strace $0x8FFFFFFF  }
0x98: {  	s19 =	sld [smem:$0x3FDB];
	_ =	sdelay $0x1  }
0x99: {  	s4 =	simm.s32 $_scs_section_size  }
0x9a: {  	s5 =	simm.s32 $_size__tile_overlayer_lowered;
	s6 =	simm.s32 $_tile_overlayer_lowered  }
0x9b: {  	s22 =	simm.s32 $0x1BFF;
	s21 =	sshll.u32 s6, $0x1;
	s3 =	sadd.s32 s4, s19  }
0x9c: {  	s7 =	simm.s32 $0x0;
	s20 =	sshll.u32 s5, $0x1;
	s5 =	sadd.s32 s21, s3  }
0x9d: {  	[timem:s7], [sflag:s22] =	dma.local [hbm:s5], s20  }
0x9e: {  	_ =	swait.ge [sflag:s22], s20  }
0x9f: {  	s4 =	ssub.s32 $0x0, s20;
	[sflag:s22] =	ssyncset.done $0x0  }
0xa0: {  	[sflag:s22] =	ssyncadd.s32 s4;
	_ =	sdelay $0x1  }
0xa1: {  	s23 =	simm.s32 $0x1B8B  }
0xa2: {  	_ =	swait.ge [sflag:s23], $0x1  }
0xa3: {  	[sflag:s23] =	ssyncset.done $0x0  }
0xa4: {  	s25 =	simm.s32 $0x1B8E;
	s24 =	sld [smem:$0x3FFE];
	[sflag:s23] =	ssyncadd.s32 $0xFFFFFFFF  }
0xa5: {  	s26 =	simm.s32 $execute0_lowered;
	[smem:$0x3FD2] =	sst s25  }
0xa6: {  	s5 =	sshll.u32 s26, $0x1;
	_ =	strace $0x80000046;
	[dreg:$0x1] =	wrdreg $0xFFFFFFFF  }
0xa7: {  	s28 =	simm.s32 $_size_execute0_lowered;
	s3 =	sadd.s32 s3, s5;
	[dreg:$0x0] =	wrdreg $0x0  }
0xa8: {  	s5 =	sshll.u32 s28, $0x1;
	[dreg:$0x2] =	wrdreg s3  }
0xa9: {  	[dreg:$0x3] =	wrdreg s5  }
0xaa: {  	[dreg:$0x4] =	wrdreg $0xC0  }
0xab: {  	_ =	task [dreg:s7], $0x5FFFF  }
0xac: {  	[dreg:$0x1] =	wrdreg $0xFFFFFFFF  }
0xad: {  	[dreg:$0x0] =	wrdreg $0x60  }
0xae: {  	[dreg:$0x2] =	wrdreg s24  }
0xaf: {  	[dreg:$0x3] =	wrdreg s2  }
0xb0: {  	[dreg:$0x4] =	wrdreg $0xA  }
0xb1: {  	_ =	task.clear_ibuf [dreg:s7], $0x5FFFF;
	_ =	strace $0x90000046  }
0xb2: {  	s29 =	simm.s32 $0xA;
	_ =	strace $0x80000048  }
0xb3: {  	_ =	swait.ge [sflag:s29], $0x1  }
0xb4: {  	[sflag:s29] =	ssyncadd.s32 $0xFFFFFFFF  }
0xb5: {  	_ =	strace $0x90000048  }
0xb6: {  	_ =	sfence  }
0xb7: {  	s30 =	sld [smem:$0x0];
	_ =	sdelay $0x2  }
0xb8: {  	s31 =	sshll.u32 s1, $0xD;
	s1 =	sshrl.u32 s1, $0x2  }
0xb9: {  	s3 =	sand.u32 $0x4000, s31;
	s1 =	sadd.s32 s1, s30  }
0xba: {  	s0 =	sor.u32 s3, s0;
	s1 =	sshll.u32 s1, $0x11  }
0xbb: {  	s0 =	sor.u32 s1, s0  }
0xbc: {  	s0 =	sadd.s32 $0x8F2B, s0  }
0xbd: {  	[sflag:s0] =	ssyncadd.remote.s32 $0x1  }
0xbe: {  	_ =	sfence.sel $0xFFFF  }
0xbf: {  	[dreg:$0x0] =	wrdreg $0xFFFFFFFF;
	(pc) =	sbr.abs _section_cstart, $3  }
0xc0: {  	[dreg:$0x1] =	wrdreg $0xFFFFFFFF  }
0xc1: {  	_ =	task.clear_ibuf [dreg:s7], $0x2FFFF;
	_ =	strace $0x9FFFFFFF  }
0xc2: {  	(tm) =	ssettm $0x7FFFFFFF  }
0xc3: {  	_ =	shalt  }
tec
execute0_lowered:
.L_overlay_start_1:
0x0: {  	(tag) =	ssettag $0x1  }
0x1: {  	s0 =	rddreg [dreg:$0x0]  }
0x2: {  	s1 =	srdreg.scid;
	s2 =	stileid.u32  }
0x3: {  	s4 =	rddreg [dreg:$0x1];
	s10 =	simm.s32 $0x500;
	s11 =	simm.s32 $0x4  }
0x4: {  	s12 =	simm.s32 $0x80;
	s13 =	simm.s32 $0x14A80;
	s15 =	simm.s32 $0xA80  }
0x5: {  	s25 =	simm.s32 $0xAA80;
	s26 =	simm.s32 $0x880;
	s28 =	simm.s32 $0xCA80  }
0x6: {  	s29 =	simm.s32 $0x900;
	s30 =	simm.s32 $0xEA80;
	s31 =	simm.s32 $0x980  }
0x7: {  	s14 =	simm.s32 $0x12A80;
	s16 =	simm.s32 $0x1;
	s17 =	simm.s32 $0x2000  }
0x8: {  	s18 =	simm.s32 $0x40000;
	s19 =	simm.s32 $0x2;
	s20 =	simm.s32 $0x3  }
0x9: {  	s1 =	sand.u32 $0x1, s1;
	s3 =	sshll.u32 s2, $0x1;
	s2 =	simm.s32 $0x0  }
0xa: {  	s21 =	simm.s32 $0x0;
	s5 =	sor.u32 s1, s3;
	[smem:$0x7FF] =	sst s2  }
0xb: {  	v0 =	vlaneseq.u32;
	s3 =	sadd.s32 $0x18E000, s0;
	s1 =	ssub.s32 $0x2, s1;
	s6 =	smul.u32 $0xA0, s5  }
0xc: {  	v0 =	vmul.u32 $0xA, v0;
	s7 =	sshll.u32 s5, $0xA;
	s8 =	sshrl.u32 s1, $0x1;
	s5 =	sshll.u32 s5, $0x4  }
0xd: {  	_ =	strace $0x80000047;
	s1 =	ssub.s32 s1, s8;
	s4 =	sadd.s32 s4, s5  }
0xe: {  	v1 =	vadd.s32 $0xA0, v0;
	s6 =	sadd.s32 s6, s0;
	s0 =	sadd.s32 s7, s0;
	s9 =	smax.u32 s1, $0x1  }
0xf: {  	v2 =	vadd.s32 $0x140, v0;
	v3 =	vadd.s32 $0x1E0, v0;
	v4 =	vadd.s32 $0x280, v0;
	s1 =	simm.s32 $0x10A80;
	s5 =	sadd.s32 $0x6200, s6;
	s6 =	sadd.s32 $0x7600, s0  }
0x10: {  	v5 =	vadd.s32 $0x320, v0;
	v6 =	vadd.s32 $0x3C0, v0;
	v7 =	vadd.s32 $0x460, v0;
	s7 =	sadd.s32 $0x2F600, s0;
	s8 =	sadd.s32 $0x57600, s0;
	s0 =	simm.s32 $0xA00  }
.LBB2_1:
0x11: {  	[tilespmem:s10], [sflag:$0x4] =	stream.linear.gather [hbm4b:s4+s2], $0x80, $0x38;
	[tilespmem:$0x16A80] =	vst v63  }
0x12: {  	_ =	swait.ge [sflag:s11], $0x80  }
0x13: {  	[sflag:s11] =	ssyncset.done $0x0  }
0x14: {  	[sflag:s11] =	ssyncadd.s32 $0xFFFFFF80  }
0x15: {  	v8 =	vadd.s32 s2, v0;
	[tilespmem:s2], [sflag:$0x4] =	stream.linear.gather [hbm4b:s5+s2], $0x500, $0x38;
	[tilespmem:$0x16A80] =	vst v63  }
0x16: {  	_ =	swait.ge [sflag:s11], $0x500  }
0x17: {  	[sflag:s11] =	ssyncset.done $0x0  }
0x18: {  	[sflag:s11] =	ssyncadd.s32 $0xFFFFFB00  }
0x19: {  	[tilespmem:s13], [sflag:$0x3] =	stream.indirect.gather [hbm4b:s3+s12], $0x40, s10, s12, $0xb8;
	[tilespmem:$0x16A80] =	vst v63  }
0x1a: {  	v8 =	vld.idx.msk [tilespmem:v8+s2+$0x0], $0xffff  }
0x1b: {  	v9 =	vadd.s32 s2, v1;
	_ =	sdelay $0x2  }
0x1c: {  	s22 =	simm.s32 $0x5C0  }
0x1d: {  	[tilespmem:s22+$0xFFFFFFC0] =	vst v8  }
0x1e: {  	v8 =	vld.idx.msk [tilespmem:v9+s2+$0x0], $0xffff  }
0x1f: {  	v9 =	vadd.s32 s2, v2;
	_ =	sdelay $0x3  }
0x20: {  	[tilespmem:s22+$0xFFFFFFD0] =	vst v8  }
0x21: {  	v8 =	vld.idx.msk [tilespmem:v9+s2+$0x0], $0xffff  }
0x22: {  	v9 =	vadd.s32 s2, v3;
	_ =	sdelay $0x3  }
0x23: {  	[tilespmem:s22+$0xFFFFFFE0] =	vst v8  }
0x24: {  	v8 =	vld.idx.msk [tilespmem:v9+s2+$0x0], $0xffff  }
0x25: {  	v9 =	vadd.s32 s2, v4;
	_ =	sdelay $0x3  }
0x26: {  	[tilespmem:s22+$0xFFFFFFF0] =	vst v8  }
0x27: {  	v8 =	vld.idx.msk [tilespmem:v9+s2+$0x0], $0xffff  }
0x28: {  	v9 =	vadd.s32 s2, v5;
	_ =	sdelay $0x3  }
0x29: {  	[tilespmem:s22+$0x0] =	vst v8  }
0x2a: {  	v8 =	vld.idx.msk [tilespmem:v9+s2+$0x0], $0xffff  }
0x2b: {  	v9 =	vadd.s32 s2, v6;
	_ =	sdelay $0x3  }
0x2c: {  	[tilespmem:s22+$0x10] =	vst v8  }
0x2d: {  	v8 =	vld.idx.msk [tilespmem:v9+s2+$0x0], $0xffff  }
0x2e: {  	v9 =	vadd.s32 s2, v7;
	_ =	sdelay $0x3  }
0x2f: {  	[tilespmem:s22+$0x20] =	vst v8  }
0x30: {  	s23 =	simm.s32 $0x1;
	v8 =	vld.idx.msk [tilespmem:v9+s2+$0x0], $0xffff  }
0x31: {  	s24 =	simm.s32 $0x2;
	v9 =	vadd.s32 s23, v0  }
.LBB2_2:
0x32: {  	p0 =	sne.s32 s24, $0x9;
	_ =	sdelay $0x2  }
0x33: {  	[tilespmem:s22+$0x30] =	vst v8  }
0x34: {  	v8 =	vld.idx.msk [tilespmem:v9+s2+$0x0], $0xffff;
	_ =	sdelay $0x1  }
0x35: {  	v9 =	vadd.s32 s23, v1;
	_ =	sdelay $0x2  }
0x36: {  	s22 =	sadd.s32 $0x80, s22  }
0x37: {  	[tilespmem:s22+$0xFFFFFFC0] =	vst v8  }
0x38: {  	v8 =	vld.idx.msk [tilespmem:v9+s2+$0x0], $0xffff;
	_ =	sdelay $0x1  }
0x39: {  	v9 =	vadd.s32 s23, v2;
	_ =	sdelay $0x3  }
0x3a: {  	[tilespmem:s22+$0xFFFFFFD0] =	vst v8  }
0x3b: {  	v8 =	vld.idx.msk [tilespmem:v9+s2+$0x0], $0xffff;
	_ =	sdelay $0x1  }
0x3c: {  	v9 =	vadd.s32 s23, v3;
	_ =	sdelay $0x3  }
0x3d: {  	[tilespmem:s22+$0xFFFFFFE0] =	vst v8  }
0x3e: {  	v8 =	vld.idx.msk [tilespmem:v9+s2+$0x0], $0xffff;
	_ =	sdelay $0x1  }
0x3f: {  	v9 =	vadd.s32 s23, v4;
	_ =	sdelay $0x3  }
0x40: {  	[tilespmem:s22+$0xFFFFFFF0] =	vst v8  }
0x41: {  	v8 =	vld.idx.msk [tilespmem:v9+s2+$0x0], $0xffff;
	_ =	sdelay $0x1  }
0x42: {  	v9 =	vadd.s32 s23, v5;
	_ =	sdelay $0x3  }
0x43: {  	[tilespmem:s22+$0x0] =	vst v8  }
0x44: {  	v8 =	vld.idx.msk [tilespmem:v9+s2+$0x0], $0xffff;
	_ =	sdelay $0x1  }
0x45: {  	v9 =	vadd.s32 s23, v6;
	_ =	sdelay $0x3  }
0x46: {  	[tilespmem:s22+$0x10] =	vst v8  }
0x47: {  	v8 =	vld.idx.msk [tilespmem:v9+s2+$0x0], $0xffff;
	_ =	sdelay $0x1  }
0x48: {  	v9 =	vadd.s32 s23, v7;
	s23 =	smov.u32 s24;
	_ =	sdelay $0x2  }
.Ltmp0:
0x49: {  	(pc) =	sbr.rel @p0 .LBB2_2-.Ltmp0, $3  }
0x4a: {  	[tilespmem:s22+$0x20] =	vst v8  }
0x4b: {  	v8 =	vld.idx.msk [tilespmem:v9+s2+$0x0], $0xffff;
	_ =	sdelay $0x1  }
0x4c: {  	s24 =	sadd.s32 $0x1, s24;
	v9 =	vadd.s32 s23, v0  }
0x4d: {  	_ =	sdelay $0x2  }
0x4e: {  	[tilespmem:s22+$0x30] =	vst v8  }
0x4f: {  	v8 =	vld.idx.msk [tilespmem:v9+s2+$0x0], $0xffff  }
0x50: {  	v57 =	vadd.s32 s23, v1;
	_ =	sdelay $0x2  }
0x51: {  	s24 =	sadd.s32 $0x80, s22  }
0x52: {  	[tilespmem:s24+$0xFFFFFFC0] =	vst v8  }
0x53: {  	v8 =	vld.idx.msk [tilespmem:v57+s2+$0x0], $0xffff  }
0x54: {  	v58 =	vadd.s32 s23, v2;
	_ =	sdelay $0x3  }
0x55: {  	[tilespmem:s24+$0xFFFFFFD0] =	vst v8  }
0x56: {  	v8 =	vld.idx.msk [tilespmem:v58+s2+$0x0], $0xffff  }
0x57: {  	v59 =	vadd.s32 s23, v3;
	_ =	sdelay $0x3  }
0x58: {  	[tilespmem:s24+$0xFFFFFFE0] =	vst v8  }
0x59: {  	v8 =	vld.idx.msk [tilespmem:v59+s2+$0x0], $0xffff  }
0x5a: {  	v60 =	vadd.s32 s23, v4;
	_ =	sdelay $0x3  }
0x5b: {  	[tilespmem:s24+$0xFFFFFFF0] =	vst v8  }
0x5c: {  	v8 =	vld.idx.msk [tilespmem:v60+s2+$0x0], $0xffff  }
0x5d: {  	v61 =	vadd.s32 s23, v5;
	_ =	sdelay $0x3  }
0x5e: {  	[tilespmem:s24+$0x0] =	vst v8  }
0x5f: {  	v8 =	vld.idx.msk [tilespmem:v61+s2+$0x0], $0xffff  }
0x60: {  	v62 =	vadd.s32 s23, v6;
	_ =	sdelay $0x3  }
0x61: {  	[tilespmem:s24+$0x10] =	vst v8  }
0x62: {  	v8 =	vld.idx.msk [tilespmem:v62+s2+$0x0], $0xffff  }
0x63: {  	v63 =	vadd.s32 s23, v7;
	_ =	sdelay $0x3  }
0x64: {  	[tilespmem:s24+$0x20] =	vst v8  }
0x65: {  	v8 =	vld.idx.msk [tilespmem:v63+s2+$0x0], $0xffff;
	_ =	sdelay $0x4  }
0x66: {  	[tilespmem:s24+$0x30] =	vst v8;
	s24 =	simm.s32 $0x580  }
0x67: {  	[tilespmem:s15], [sflag:$0x1] =	stream.indirect.gather [hbm4b:s3+s12], $0x40, s24, s12, $0xb8;
	[tilespmem:$0x16A80] =	vst v63  }
0x68: {  	s23 =	simm.s32 $0x600;
	s24 =	simm.s32 $0x2A80  }
0x69: {  	[tilespmem:s24], [sflag:$0x1] =	stream.indirect.gather [hbm4b:s3+s12], $0x40, s23, s12, $0xb8;
	[tilespmem:$0x16A80] =	vst v63  }
0x6a: {  	s23 =	simm.s32 $0x680;
	s24 =	simm.s32 $0x4A80  }
0x6b: {  	[tilespmem:s24], [sflag:$0x1] =	stream.indirect.gather [hbm4b:s3+s12], $0x40, s23, s12, $0xb8;
	[tilespmem:$0x16A80] =	vst v63  }
0x6c: {  	s23 =	simm.s32 $0x700;
	s24 =	simm.s32 $0x6A80  }
0x6d: {  	[tilespmem:s24], [sflag:$0x1] =	stream.indirect.gather [hbm4b:s3+s12], $0x40, s23, s12, $0xb8;
	[tilespmem:$0x16A80] =	vst v63  }
0x6e: {  	s23 =	simm.s32 $0x780;
	s24 =	simm.s32 $0x8A80  }
0x6f: {  	[tilespmem:s24], [sflag:$0x1] =	stream.indirect.gather [hbm4b:s3+s12], $0x40, s23, s12, $0xb8;
	[tilespmem:$0x16A80] =	vst v63  }
0x70: {  	s24 =	simm.s32 $0x800  }
0x71: {  	[tilespmem:s25], [sflag:$0x2] =	stream.indirect.gather [hbm4b:s3+s12], $0x40, s24, s12, $0xb8;
	[tilespmem:$0x16A80] =	vst v63  }
0x72: {  	_ = 	snop  }
0x73: {  	[tilespmem:s28], [sflag:$0x2] =	stream.indirect.gather [hbm4b:s3+s12], $0x40, s26, s12, $0xb8;
	[tilespmem:$0x16A80] =	vst v63  }
0x74: {  	_ = 	snop  }
0x75: {  	[tilespmem:s30], [sflag:$0x2] =	stream.indirect.gather [hbm4b:s3+s12], $0x40, s29, s12, $0xb8;
	[tilespmem:$0x16A80] =	vst v63  }
0x76: {  	_ = 	snop  }
0x77: {  	[tilespmem:s1], [sflag:$0x2] =	stream.indirect.gather [hbm4b:s3+s12], $0x40, s31, s12, $0xb8;
	[tilespmem:$0x16A80] =	vst v63  }
0x78: {  	_ = 	snop  }
0x79: {  	[tilespmem:s14], [sflag:$0x2] =	stream.indirect.gather [hbm4b:s3+s12], $0x40, s0, s12, $0xb8;
	[tilespmem:$0x16A80] =	vst v63  }
0x7a: {  	_ =	swait.ge [sflag:s16], $0x2000  }
0x7b: {  	[sflag:s16] =	ssyncset.done $0x0  }
0x7c: {  	[sflag:s16] =	ssyncadd.s32 $0xFFFFE000  }
0x7d: {  	_ =	swait.ge [sflag:s16], $0x2000  }
0x7e: {  	[sflag:s16] =	ssyncset.done $0x0  }
0x7f: {  	[sflag:s16] =	ssyncadd.s32 $0xFFFFE000  }
0x80: {  	_ =	swait.ge [sflag:s16], $0x2000  }
0x81: {  	[sflag:s16] =	ssyncset.done $0x0  }
0x82: {  	[sflag:s16] =	ssyncadd.s32 $0xFFFFE000  }
0x83: {  	_ =	swait.ge [sflag:s16], $0x2000  }
0x84: {  	[sflag:s16] =	ssyncset.done $0x0  }
0x85: {  	[sflag:s16] =	ssyncadd.s32 $0xFFFFE000  }
0x86: {  	_ =	swait.ge [sflag:s16], $0x2000  }
0x87: {  	[sflag:s16] =	ssyncset.done $0x0  }
0x88: {  	[sflag:s16] =	ssyncadd.s32 $0xFFFFE000  }
0x89: {  	[hbm4b:s6+s17] =	stream.strided.scatter [tilespmem:s15], [sflag:$0x4], $0xA000, s18, s17, $0x38;
	[tilespmem:$0x16A80] =	vst v63  }
0x8a: {  	_ =	swait.ge [sflag:s11], $0xA000  }
0x8b: {  	[sflag:s11] =	ssyncset.done $0x0  }
0x8c: {  	[sflag:s11] =	ssyncadd.s32 $0xFFFF6000  }
0x8d: {  	_ =	swait.ge [sflag:s19], $0x2000  }
0x8e: {  	[sflag:s19] =	ssyncset.done $0x0  }
0x8f: {  	[sflag:s19] =	ssyncadd.s32 $0xFFFFE000  }
0x90: {  	_ =	swait.ge [sflag:s19], $0x2000  }
0x91: {  	[sflag:s19] =	ssyncset.done $0x0  }
0x92: {  	[sflag:s19] =	ssyncadd.s32 $0xFFFFE000  }
0x93: {  	_ =	swait.ge [sflag:s19], $0x2000  }
0x94: {  	[sflag:s19] =	ssyncset.done $0x0  }
0x95: {  	[sflag:s19] =	ssyncadd.s32 $0xFFFFE000  }
0x96: {  	_ =	swait.ge [sflag:s19], $0x2000  }
0x97: {  	[sflag:s19] =	ssyncset.done $0x0  }
0x98: {  	[sflag:s19] =	ssyncadd.s32 $0xFFFFE000  }
0x99: {  	_ =	swait.ge [sflag:s19], $0x2000  }
0x9a: {  	[sflag:s19] =	ssyncset.done $0x0  }
0x9b: {  	[sflag:s19] =	ssyncadd.s32 $0xFFFFE000  }
0x9c: {  	[hbm4b:s7+s17] =	stream.strided.scatter [tilespmem:s25], [sflag:$0x4], $0xA000, s18, s17, $0x38;
	[tilespmem:$0x16A80] =	vst v63  }
0x9d: {  	_ =	swait.ge [sflag:s11], $0xA000  }
0x9e: {  	[sflag:s11] =	ssyncset.done $0x0  }
0x9f: {  	[sflag:s11] =	ssyncadd.s32 $0xFFFF6000  }
0xa0: {  	s21 =	sadd.s32 $0x1, s21;
	_ =	swait.ge [sflag:s20], $0x2000  }
0xa1: {  	p0 =	sne.s32 s21, s9;
	[sflag:s20] =	ssyncset.done $0x0  }
.Ltmp1:
0xa2: {  	[sflag:s20] =	ssyncadd.s32 $0xFFFFE000;
	(pc) =	sbr.rel @p0 .LBB2_1-.Ltmp1, $4  }
0xa3: {  	[hbm4b:s8+s2] =	stream.linear.scatter [tilespmem:s13], [sflag:$0x4], $0x2000, $0x38;
	[tilespmem:$0x16A80] =	vst v63  }
0xa4: {  	_ =	swait.ge [sflag:s11], $0x2000  }
0xa5: {  	[sflag:s11] =	ssyncset.done $0x0  }
0xa6: {  	[sflag:s11] =	ssyncadd.s32 $0xFFFFE000  }
0xa7: {  	_ =	sfence.sel $0x180000  }
0xa8: {  	[bflag:$0x0] =	sbarrier.arrive $0xFFFF  }
0xa9: {  	_ =	strace $0x90000047  }
0xaa: {  	s0 =	stileid.u32;
	[bflag:$0x2] =	sbarrier.arrive $0xFFFF  }
0xab: {  	p0 =	sne.s32 s0, $0x0;
	s0 =	rddreg [dreg:$0x2]  }
0xac: {  	s0 =	sadd.s32 @!p0 $0x100000, s0  }
0xad: {  	[sflag:s0] =	ssyncadd.tile.s32 @!p0 $0x1;
	_ =	shalt  }
.Lfunc_end2:
_tile_overlayer_lowered:
.L_overlay_start_2:
0xae: {  	(tag) =	ssettag $0x2  }
0xaf: {  	s0 =	rddreg [dreg:$0x0];
	s2 =	stileid.u32  }
0xb0: {  	s1 =	rddreg [dreg:$0x1];
	p0 =	sne.s32 s2, $0x0  }
0xb1: {  	s3 =	rddreg [dreg:$0x2];
	[bflag:$0x3] =	sbarrier.arrive $0xFFFF;
	s2 =	simm.s32 @!p0 $0x1C04  }
0xb2: {  	[timem:s3], [sflag:s2] =	dma.local @!p0 [hbm:s0], s1  }
0xb3: {  	s0 =	simm.s32 @!p0 $0x4  }
0xb4: {  	_ =	swait.ge @!p0 [sflag:s0], s1  }
0xb5: {  	s1 =	ssub.s32 @!p0 $0x0, s1;
	[sflag:s0] =	ssyncset.done @!p0 $0x0  }
0xb6: {  	[sflag:s0] =	ssyncadd.s32 @!p0 s1  }
0xb7: {  	[bflag:$0x3] =	sbarrier.arrive $0xFFFF  }
0xb8: {  	_ =	shalt  }

</sc_bundles>
